<compile_context>
chip_gen: v7x
topology: tpu7x:2x2x1
jax: 0.10.2.dev20260603
libtpu: 0.0.44.dev20260713+nightly
codegen_flags: <defaults>
</compile_context>

<pallas_src>
import functools

import jax
import jax.numpy as jnp
from jax import lax
from jax.experimental import pallas as pl
from jax.experimental.pallas import tpu as pltpu
from jax.experimental.pallas import tpu_sc as plsc

BLK = 2000

_SC_MESH = plsc.VectorSubcoreMesh(core_axis_name="c", subcore_axis_name="s")
_NC = 2
_NS = 16


def _sc_gather_pos(pos_state, pos_action, edge_a2s, edge_s2s):
    e = edge_a2s.shape[1]
    n = pos_state.shape[0]
    ch = 6400
    n_ch = e // ch
    cz = 800

    @functools.partial(
        pl.kernel,
        out_type=[jax.ShapeDtypeStruct((e, 2), jnp.float32)] * 4
        + [jax.ShapeDtypeStruct((n,), jnp.float32)] * 2,
        mesh=_SC_MESH,
        scratch_types=[
            pltpu.VMEM((ch,), jnp.int32),
            pltpu.VMEM((ch, 2), jnp.float32),
            pltpu.VMEM((ch,), jnp.float32),
            pltpu.VMEM((cz,), jnp.float32),
            pltpu.VMEM_SHARED((n,), jnp.float32),
            pltpu.SemaphoreType.DMA,
        ],
        compiler_params=pltpu.CompilerParams(use_tc_tiling_on_sc=False),
    )
    def body(ps_hbm, pa_hbm, ea_hbm, es_hbm,
             pa_a_out, ps_a_out, ps_ss_out, ps_sd_out, cnt0_out, cnt1_out,
             idx_v, rows_v, ones_v, zer_v, cnt_acc, sem):
        c = lax.axis_index("c")
        s = lax.axis_index("s")
        wid = c * _NS + s
        nw = _NC * _NS
        my_n_ch = (n_ch - wid + nw - 1) // nw

        def fill_ones(i, _):
            ones_v[pl.ds(i * 16, 16)] = jnp.full((16,), 1.0, jnp.float32)
        lax.fori_loop(0, ch // 16, fill_ones, None)

        def fill_zer(i, _):
            zer_v[pl.ds(i * 16, 16)] = jnp.zeros((16,), jnp.float32)
        lax.fori_loop(0, cz // 16, fill_zer, None)

        r0 = s * 6400
        last = n - 15 * 6400

        @pl.when(s < _NS - 1)
        def _():
            def z(j, _):
                pltpu.sync_copy(zer_v, cnt_acc.at[pl.ds(r0 + j * cz, cz)])
            lax.fori_loop(0, 6400 // cz, z, None)

        @pl.when(s == _NS - 1)
        def _():
            def z(j, _):
                pltpu.sync_copy(zer_v, cnt_acc.at[pl.ds(r0 + j * cz, cz)])
            lax.fori_loop(0, last // cz, z, None)

        plsc.subcore_barrier()

        def job(tbl, idx_src, out, count):
            def chunk(i, _):
                base = (wid + i * nw) * ch
                pltpu.sync_copy(idx_src.at[pl.ds(base, ch)], idx_v)
                pltpu.async_copy(tbl.at[idx_v], rows_v, sem).wait()
                pltpu.sync_copy(rows_v, out.at[pl.ds(base, ch)])
                if count:
                    pltpu.sync_copy(ones_v, cnt_acc.at[idx_v], add=True)
            lax.fori_loop(0, my_n_ch, chunk, None)

        job(pa_hbm, ea_hbm.at[0], pa_a_out, False)
        job(ps_hbm, ea_hbm.at[1], ps_a_out, False)
        job(ps_hbm, es_hbm.at[0], ps_ss_out, False)
        job(ps_hbm, es_hbm.at[1], ps_sd_out, True)

        plsc.subcore_barrier()

        @pl.when(jnp.logical_and(s < _NS - 1, c == 0))
        def _():
            pltpu.sync_copy(cnt_acc.at[pl.ds(r0, 6400)],
                            cnt0_out.at[pl.ds(r0, 6400)])

        @pl.when(jnp.logical_and(s == _NS - 1, c == 0))
        def _():
            pltpu.sync_copy(cnt_acc.at[pl.ds(r0, last)],
                            cnt0_out.at[pl.ds(r0, last)])

        @pl.when(jnp.logical_and(s < _NS - 1, c == 1))
        def _():
            pltpu.sync_copy(cnt_acc.at[pl.ds(r0, 6400)],
                            cnt1_out.at[pl.ds(r0, 6400)])

        @pl.when(jnp.logical_and(s == _NS - 1, c == 1))
        def _():
            pltpu.sync_copy(cnt_acc.at[pl.ds(r0, last)],
                            cnt1_out.at[pl.ds(r0, last)])

    return body(pos_state, pos_action, edge_a2s, edge_s2s)


def _sc_combine(gate_a, icnn_u, edge_a2s, gate_s, icnn_h, edge_s2s):
    e = gate_a.shape[0]
    n = icnn_u.shape[1]
    ch = 640
    n_ch = e // ch
    nz = 6400
    cz = 400

    @functools.partial(
        pl.kernel,
        out_type=[jax.ShapeDtypeStruct((_NC, n, 16), jnp.float32)] * 2,
        mesh=_SC_MESH,
        scratch_types=[
            pltpu.VMEM((ch,), jnp.int32),
            pltpu.VMEM((ch,), jnp.int32),
            pltpu.VMEM((ch, 16), jnp.float32),
            pltpu.VMEM((ch, 16), jnp.float32),
            pltpu.VMEM_SHARED((n, 16), jnp.float32),
            pltpu.SemaphoreType.DMA,
        ],
        compiler_params=pltpu.CompilerParams(use_tc_tiling_on_sc=False),
    )
    def body(gate_a_hbm, icnn_u_hbm, ea_hbm, gate_s_hbm, icnn_h_hbm, es_hbm,
             su_hbm, sh_hbm, idx_s, idx_d, gate_v, icnn_v, acc, sem):
        c = lax.axis_index("c")
        s = lax.axis_index("s")

        r0 = s * nz
        last = n - (_NS - 1) * nz
        my_n_ch = (n_ch - s + _NS - 1) // _NS

        def phase(gate_hbm, icnn_hbm, edges_hbm, out_hbm):
            def fz(i, _):
                gate_v[i] = jnp.zeros((16,), jnp.float32)
            lax.fori_loop(0, cz, fz, None)

            @pl.when(s < _NS - 1)
            def _():
                def z(j, _):
                    pltpu.sync_copy(gate_v.at[pl.ds(0, cz)],
                                    acc.at[pl.ds(r0 + j * cz, cz)])
                lax.fori_loop(0, nz // cz, z, None)

            @pl.when(s == _NS - 1)
            def _():
                def z(j, _):
                    pltpu.sync_copy(gate_v.at[pl.ds(0, cz)],
                                    acc.at[pl.ds(r0 + j * cz, cz)])
                lax.fori_loop(0, last // cz, z, None)

            plsc.subcore_barrier()

            def chunk(i, _):
                base = (s + i * _NS) * ch
                pltpu.sync_copy(edges_hbm.at[0, pl.ds(base, ch)], idx_s)
                pltpu.sync_copy(edges_hbm.at[1, pl.ds(base, ch)], idx_d)
                pltpu.sync_copy(
                    gate_hbm.at[pl.ds(base, ch), pl.ds(c * 16, 16)], gate_v)
                pltpu.async_copy(icnn_hbm.at[c].at[idx_s], icnn_v, sem).wait()

                @plsc.parallel_loop(0, ch, unroll=8)
                def _(k):
                    gate_v[k] = gate_v[k] * icnn_v[k]

                pltpu.sync_copy(gate_v, acc.at[idx_d], add=True)
            lax.fori_loop(0, my_n_ch, chunk, None)
            plsc.subcore_barrier()

            @pl.when(s < _NS - 1)
            def _():
                pltpu.sync_copy(acc.at[pl.ds(r0, nz)],
                                out_hbm.at[c, pl.ds(r0, nz)])

            @pl.when(s == _NS - 1)
            def _():
                pltpu.sync_copy(acc.at[pl.ds(r0, last)],
                                out_hbm.at[c, pl.ds(r0, last)])

        phase(gate_a_hbm, icnn_u_hbm, ea_hbm, su_hbm)
        phase(gate_s_hbm, icnn_h_hbm, es_hbm, sh_hbm)

    return body(gate_a, icnn_u, edge_a2s, gate_s, icnn_h, edge_s2s)


def _cprelu(x, a):
    a = jnp.clip(a, 0.0, 1.0)
    return jnp.where(x >= 0, x, a * x)


def _icnn_body(x_ref, w0t, w1t, w2t, b0, b1, b2, a0, a1, out_ref):
    x = x_ref[...]
    x = _cprelu(jnp.dot(x, jnp.maximum(w0t[...], 0.0),
                        preferred_element_type=jnp.float32) + b0[...], a0[...])
    x = _cprelu(jnp.dot(x, jnp.maximum(w1t[...], 0.0),
                        preferred_element_type=jnp.float32) + b1[...], a1[...])
    y = jnp.dot(x, jnp.maximum(w2t[...], 0.0),
                preferred_element_type=jnp.float32) + b2[...]
    out_ref[0] = y[:, :16]
    out_ref[1] = y[:, 16:32]


def _icnn_nodes(x, w0t, w1t, w2t, b0, b1, b2, a0, a1):
    n = x.shape[0]
    grid = n // BLK
    wspec = lambda s: pl.BlockSpec(s, lambda i: (0,) * len(s))
    return pl.pallas_call(
        _icnn_body,
        grid=(grid,),
        in_specs=[
            pl.BlockSpec((BLK, 32), lambda i: (i, 0)),
            wspec((32, 32)), wspec((32, 32)), wspec((32, 32)),
            wspec((1, 32)), wspec((1, 32)), wspec((1, 32)),
            wspec((1, 32)), wspec((1, 32)),
        ],
        out_specs=pl.BlockSpec((2, BLK, 16), lambda i: (0, i, 0)),
        out_shape=jax.ShapeDtypeStruct((2, n, 16), jnp.float32),
    )(x, w0t, w1t, w2t, b0, b1, b2, a0, a1)


def _gate_body(pa_ref, ps_ref, dis_ref, w0t, w1t, w2t, b0, b1, b2, out_ref):
    w0 = w0t[...]
    x = (jnp.dot(pa_ref[...], w0[0:2, :], preferred_element_type=jnp.float32)
         + jnp.dot(ps_ref[...], w0[2:4, :], preferred_element_type=jnp.float32)
         + jnp.dot(dis_ref[...], w0[4:5, :], preferred_element_type=jnp.float32)
         + b0[...])
    x = jnp.tanh(x)
    x = jnp.tanh(jnp.dot(x, w1t[...], preferred_element_type=jnp.float32)
                 + b1[...])
    out_ref[...] = jax.nn.sigmoid(
        jnp.dot(x, w2t[...], preferred_element_type=jnp.float32) + b2[...])


BLK_E = 4000


def _gate_edges(pa, ps, dis, w0t, w1t, w2t, b0, b1, b2):
    e = pa.shape[0]
    grid = e // BLK_E
    wspec = lambda s: pl.BlockSpec(s, lambda i: (0,) * len(s))
    return pl.pallas_call(
        _gate_body,
        grid=(grid,),
        in_specs=[
            pl.BlockSpec((BLK_E, 2), lambda i: (i, 0)),
            pl.BlockSpec((BLK_E, 2), lambda i: (i, 0)),
            pl.BlockSpec((BLK_E, 1), lambda i: (i, 0)),
            wspec((8, 32)), wspec((32, 32)), wspec((32, 32)),
            wspec((1, 32)), wspec((1, 32)), wspec((1, 32)),
        ],
        out_specs=pl.BlockSpec((BLK_E, 32), lambda i: (i, 0)),
        out_shape=jax.ShapeDtypeStruct((e, 32), jnp.float32),
    )(pa, ps, dis, w0t, w1t, w2t, b0, b1, b2)


def _upd_body(h_ref, pos_ref, su_ref, sh_ref, cnt_ref,
              wx1, wxy1, wy1, bx1, by1, a1,
              wx2, wxy2, wy2, bx2, by2, a2,
              wxy3, wy3, by3, out_ref):
    h = h_ref[...]
    pos = pos_ref[...]
    cnt = jnp.maximum(cnt_ref[0] + cnt_ref[1], 1.0)
    m0 = sh_ref[0] / cnt
    m1 = sh_ref[1] / cnt
    y = jnp.concatenate([h, su_ref[0], su_ref[1], m0, m1], axis=1)
    w = wx1[...]
    xn = jnp.tanh(pos[:, 0:1] * w[0:1, :] + pos[:, 1:2] * w[1:2, :] + bx1[...])
    w = wxy1[...]
    yn = _cprelu(jnp.dot(y, jnp.maximum(wy1[...], 0.0),
                         preferred_element_type=jnp.float32)
                 + pos[:, 0:1] * w[0:1, :] + pos[:, 1:2] * w[1:2, :]
                 + by1[...], a1[...])
    xn2 = jnp.tanh(jnp.dot(xn, wx2[...], preferred_element_type=jnp.float32)
                   + bx2[...])
    yn2 = _cprelu(jnp.dot(yn, jnp.maximum(wy2[...], 0.0),
                          preferred_element_type=jnp.float32)
                  + jnp.dot(xn, wxy2[...], preferred_element_type=jnp.float32)
                  + by2[...], a2[...])
    out_ref[...] = (jnp.dot(yn2, jnp.maximum(wy3[...], 0.0),
                            preferred_element_type=jnp.float32)
                    + jnp.dot(xn2, wxy3[...], preferred_element_type=jnp.float32)
                    + by3[...])


def _update_nodes(h, pos, su, sh, cnt, p1, p2, p3):
    n = h.shape[0]
    grid = n // BLK
    wspec = lambda s: pl.BlockSpec(s, lambda i: (0,) * len(s))
    args = (
        h, pos, su, sh, cnt,
        p1['Wx'].T, p1['Wxy'].T, p1['Wy'].T,
        p1['bx'].reshape(1, -1), p1['by'].reshape(1, -1), p1['a'].reshape(1, -1),
        p2['Wx'].T, p2['Wxy'].T, p2['Wy'].T,
        p2['bx'].reshape(1, -1), p2['by'].reshape(1, -1), p2['a'].reshape(1, -1),
        p3['Wxy'].T, p3['Wy'].T, p3['by'].reshape(1, -1),
    )
    return pl.pallas_call(
        _upd_body,
        grid=(grid,),
        in_specs=[
            pl.BlockSpec((BLK, 32), lambda i: (i, 0)),
            pl.BlockSpec((BLK, 2), lambda i: (i, 0)),
            pl.BlockSpec((2, BLK, 16), lambda i: (0, i, 0)),
            pl.BlockSpec((2, BLK, 16), lambda i: (0, i, 0)),
            pl.BlockSpec((2, BLK, 1), lambda i: (0, i, 0)),
            wspec((2, 32)), wspec((2, 32)), wspec((96, 32)),
            wspec((1, 32)), wspec((1, 32)), wspec((1, 32)),
            wspec((32, 32)), wspec((32, 32)), wspec((32, 32)),
            wspec((1, 32)), wspec((1, 32)), wspec((1, 32)),
            wspec((32, 32)), wspec((32, 32)), wspec((1, 32)),
        ],
        out_specs=pl.BlockSpec((BLK, 32), lambda i: (i, 0)),
        out_shape=jax.ShapeDtypeStruct((n, 32), jnp.float32),
    )(*args)


def kernel(h, u, pos_state, pos_action, dis_a2s, dis_s2s, edge_a2s, edge_s2s,
           params):
    n = pos_state.shape[0]
    pu = params['u2h_u']
    ph = params['h2h_h']
    z32 = jnp.zeros((1, 32), jnp.float32)

    icnn_u = _icnn_nodes(u, pu['W0'].T, pu['W1'].T, pu['W2'].T,
                         z32, z32, z32,
                         pu['a0'].reshape(1, -1), pu['a1'].reshape(1, -1))
    icnn_h = _icnn_nodes(h, ph['W0'].T, ph['W1'].T, ph['W2'].T,
                         ph['b0'].reshape(1, -1), ph['b1'].reshape(1, -1),
                         ph['b2'].reshape(1, -1),
                         ph['a0'].reshape(1, -1), ph['a1'].reshape(1, -1))

    pa_a, ps_a, ps_ss, ps_sd, cnt0, cnt1 = _sc_gather_pos(
        pos_state, pos_action, edge_a2s, edge_s2s)
    cnt2 = jnp.stack([cnt0, cnt1]).reshape(2, n, 1)

    pd = params['u2h_dis']
    w0t_a = jnp.zeros((8, 32), jnp.float32).at[:5].set(pd['W0'].T)
    gate_a = _gate_edges(pa_a, ps_a, dis_a2s, w0t_a, pd['W1'].T, pd['W2'].T,
                         pd['b0'].reshape(1, -1), pd['b1'].reshape(1, -1),
                         pd['b2'].reshape(1, -1))
    pd = params['h2h_dis']
    w0t_s = jnp.zeros((8, 32), jnp.float32).at[:5].set(pd['W0'].T)
    gate_s = _gate_edges(ps_ss, ps_sd, dis_s2s, w0t_s, pd['W1'].T, pd['W2'].T,
                         pd['b0'].reshape(1, -1), pd['b1'].reshape(1, -1),
                         pd['b2'].reshape(1, -1))

    su, sh = _sc_combine(gate_a, icnn_u, edge_a2s, gate_s, icnn_h, edge_s2s)

    return _update_nodes(h, pos_state, su, sh, cnt2,
                         params['upd1'], params['upd2'], params['upd3'])

# --- scband reference (transcript-rebuilt; emitter-appended) ---
"""Pipeline reference for scband-encoder-weighted-icgcn-3917010174723 (READ-ONLY COPY).

The authoritative reference and input builder live on the scoring server;
editing this copy changes nothing except your own understanding.
"""

import jax, jax.numpy as jnp
import numpy as np

N_STATE = 100000
N_ACTION = 100000
E_A2S = 1600000
E_S2S = 1600000
U_DIM = 32
H_DIM = 32
M_DIM = 32


def _cprelu(x, a):
    a = jnp.clip(a, 0.0, 1.0)
    return jnp.where(x >= 0, x, a * x)


def _enc_dis(x, p):
    x = jnp.tanh(x @ p['W0'].T + p['b0'])
    x = jnp.tanh(x @ p['W1'].T + p['b1'])
    return jax.nn.sigmoid(x @ p['W2'].T + p['b2'])


def _icnn_u(x, p):
    x = _cprelu(x @ jax.nn.relu(p['W0']).T, p['a0'])
    x = _cprelu(x @ jax.nn.relu(p['W1']).T, p['a1'])
    return x @ jax.nn.relu(p['W2']).T


def _icnn_h(x, p):
    x = _cprelu(x @ jax.nn.relu(p['W0']).T + p['b0'], p['a0'])
    x = _cprelu(x @ jax.nn.relu(p['W1']).T + p['b1'], p['a1'])
    return x @ jax.nn.relu(p['W2']).T + p['b2']


def _picnn(x, y, p, act_x):
    xn = x @ p['Wx'].T + p['bx']
    if act_x:
        xn = jnp.tanh(xn)
    yn = y @ jax.nn.relu(p['Wy']).T + x @ p['Wxy'].T + p['by']
    if 'a' in p:
        yn = _cprelu(yn, p['a'])
    return xn, yn


def _forward(h, u, pos_state, pos_action, dis_a2s, dis_s2s, params, edge_a2s, edge_s2s):
    n = pos_state.shape[0]
    # a2s: action -> state messages, sum aggregation
    sa, da = edge_a2s[0], edge_a2s[1]
    inp_a = jnp.concatenate([pos_action[sa], pos_state[da], dis_a2s], axis=-1)
    msg_a = _enc_dis(inp_a, params['u2h_dis']) * _icnn_u(u[sa], params['u2h_u'])
    sum_u = jax.ops.segment_sum(msg_a, da, num_segments=n)
    # s2s: state -> state messages, mean aggregation
    ss, ds = edge_s2s[0], edge_s2s[1]
    inp_s = jnp.concatenate([pos_state[ss], pos_state[ds], dis_s2s], axis=-1)
    msg_s = _enc_dis(inp_s, params['h2h_dis']) * _icnn_h(h[ss], params['h2h_h'])
    cnt = jax.ops.segment_sum(jnp.ones((ss.shape[0],), dtype=h.dtype), ds, num_segments=n)
    mean_h = jax.ops.segment_sum(msg_s, ds, num_segments=n) / jnp.maximum(cnt, 1.0)[:, None]
    # h_updater: partially input-convex NN; x = pos (non-convex path), y = [h, sum_u, mean_h]
    x = pos_state
    y = jnp.concatenate([h, sum_u, mean_h], axis=-1)
    x, y = _picnn(x, y, params['upd1'], True)
    x, y = _picnn(x, y, params['upd2'], True)
    x, y = _picnn(x, y, params['upd3'], False)
    return y


def _make_params(key):
    ks = jax.random.split(key, 32)
    def w(k, s):
        return jax.random.normal(k, s, dtype=jnp.float32) * 0.05
    z = lambda n: jnp.zeros((n,), dtype=jnp.float32)
    a = lambda n: jnp.full((n,), 0.25, dtype=jnp.float32)
    p = {}
    p['u2h_dis'] = {'W0': w(ks[0], (M_DIM, 5)), 'b0': z(M_DIM), 'W1': w(ks[1], (M_DIM, M_DIM)), 'b1': z(M_DIM), 'W2': w(ks[2], (H_DIM, M_DIM)), 'b2': z(H_DIM)}
    p['u2h_u'] = {'W0': w(ks[3], (M_DIM, U_DIM)), 'W1': w(ks[4], (M_DIM, M_DIM)), 'W2': w(ks[5], (H_DIM, M_DIM)), 'a0': a(M_DIM), 'a1': a(M_DIM)}
    p['h2h_dis'] = {'W0': w(ks[6], (M_DIM, 5)), 'b0': z(M_DIM), 'W1': w(ks[7], (M_DIM, M_DIM)), 'b1': z(M_DIM), 'W2': w(ks[8], (H_DIM, M_DIM)), 'b2': z(H_DIM)}
    p['h2h_h'] = {'W0': w(ks[9], (M_DIM, H_DIM)), 'b0': z(M_DIM), 'W1': w(ks[10], (M_DIM, M_DIM)), 'b1': z(M_DIM), 'W2': w(ks[11], (H_DIM, M_DIM)), 'b2': z(H_DIM), 'a0': a(M_DIM), 'a1': a(M_DIM)}
    p['upd1'] = {'Wx': w(ks[12], (M_DIM, 2)), 'bx': z(M_DIM), 'Wy': w(ks[13], (M_DIM, 3 * H_DIM)), 'Wxy': w(ks[14], (M_DIM, 2)), 'by': z(M_DIM), 'a': a(M_DIM)}
    p['upd2'] = {'Wx': w(ks[15], (M_DIM, M_DIM)), 'bx': z(M_DIM), 'Wy': w(ks[16], (M_DIM, M_DIM)), 'Wxy': w(ks[17], (M_DIM, M_DIM)), 'by': z(M_DIM), 'a': a(M_DIM)}
    p['upd3'] = {'Wx': w(ks[18], (1, M_DIM)), 'bx': z(1), 'Wy': w(ks[19], (H_DIM, M_DIM)), 'Wxy': w(ks[20], (H_DIM, M_DIM)), 'by': z(H_DIM)}
    return p


def setup_inputs(seed: int = 0):
    key = jax.random.key(seed)
    ks = jax.random.split(key, 10)
    inp = {}
    inp['h'] = jax.random.normal(ks[0], (N_STATE, H_DIM), dtype=jnp.float32)
    inp['u'] = jax.random.normal(ks[1], (N_ACTION, U_DIM), dtype=jnp.float32)
    inp['pos_state'] = jax.random.normal(ks[2], (N_STATE, 2), dtype=jnp.float32)
    inp['pos_action'] = jax.random.normal(ks[3], (N_ACTION, 2), dtype=jnp.float32)
    inp['dis_a2s'] = jax.random.uniform(ks[4], (E_A2S, 1), dtype=jnp.float32)
    inp['dis_s2s'] = jax.random.uniform(ks[5], (E_S2S, 1), dtype=jnp.float32)
    inp['edge_a2s'] = jax.random.randint(ks[6], (2, E_A2S), 0, N_STATE)
    inp['edge_s2s'] = jax.random.randint(ks[7], (2, E_S2S), 0, N_STATE)
    inp['params'] = _make_params(ks[8])
    return inp


def reference(h, u, pos_state, pos_action, dis_a2s, dis_s2s, edge_a2s, edge_s2s, params):
    return _forward(h, u, pos_state, pos_action, dis_a2s, dis_s2s, params, edge_a2s, edge_s2s)

if __name__ == "__main__":
    import jax
    _d = setup_inputs()
    print(jax.jit(kernel)(*tuple(_d.values())))

</pallas_src>

<mosaic_0001>
#map = affine_map<(d0, d1) -> (0, 0)>
#map1 = affine_map<(d0, d1) -> (0, 0, 0)>
module attributes {stable_mosaic.version = 14 : i64} {
  func.func @body(%arg0: i32, %arg1: i32, %arg2: memref<1600000x32xf32, #tpu.memory_space<hbm>>, %arg3: memref<2x100000x16xf32, #tpu.memory_space<hbm>>, %arg4: memref<2x1600000xi32, #tpu.memory_space<hbm>>, %arg5: memref<1600000x32xf32, #tpu.memory_space<hbm>>, %arg6: memref<2x100000x16xf32, #tpu.memory_space<hbm>>, %arg7: memref<2x1600000xi32, #tpu.memory_space<hbm>>, %arg8: memref<2x100000x16xf32, #tpu.memory_space<hbm>>, %arg9: memref<2x100000x16xf32, #tpu.memory_space<hbm>>, %arg10: memref<640xi32, #tpu.memory_space<vmem>>, %arg11: memref<640xi32, #tpu.memory_space<vmem>>, %arg12: memref<640x16xf32, #tpu.memory_space<vmem>>, %arg13: memref<640x16xf32, #tpu.memory_space<vmem>>, %arg14: memref<100000x16xf32, #tpu.memory_space<vmem_shared>>, %arg15: memref<!tpu.dma_semaphore, #tpu.memory_space<semaphore_mem>>) attributes {dimension_semantics = [#tpu.dimension_semantics<core_parallel>, #tpu.dimension_semantics<subcore_parallel>], iteration_bounds = array<i64: 2, 16>, scalar_prefetch = 0 : i64, scratch_operands = 6 : i64, tpu.core_type = #tpu.core_type<sc_vector_subcore>, window_params = [{transform_indices = #map}, {transform_indices = #map1}, {transform_indices = #map}, {transform_indices = #map}, {transform_indices = #map1}, {transform_indices = #map}, {transform_indices = #map1}, {transform_indices = #map1}]} {
    %mul3A = arith.constant 6400 : i32
    %mul3A_0 = arith.muli %arg1, %mul3A : i32
    %sub3A = arith.constant 2500 : i32
    %sub3A_1 = arith.subi %sub3A, %arg1 : i32
    %add3A = arith.constant 16 : i32
    %add3A_2 = arith.addi %sub3A_1, %add3A : i32
    %sub3A_3 = arith.constant 1 : i32
    %sub3A_4 = arith.subi %add3A_2, %sub3A_3 : i32
    %jit3A = arith.constant 16 : i32
    %div3A = arith.divsi %sub3A_4, %jit3A : i32
    %sign3A = arith.constant 0 : i32
    %sign3A_5 = arith.cmpi sgt, %sub3A_4, %sign3A : i32
    %sign3A_6 = arith.extui %sign3A_5 : i1 to i32
    %sign3A_7 = arith.constant 0 : i32
    %sign3A_8 = arith.cmpi slt, %sub3A_4, %sign3A_7 : i32
    %sign3A_9 = arith.extui %sign3A_8 : i1 to i32
    %sign3A_10 = arith.subi %sign3A_6, %sign3A_9 : i32
    %sign3A_11 = arith.constant 0 : i32
    %sign3A_12 = arith.cmpi sgt, %jit3A, %sign3A_11 : i32
    %sign3A_13 = arith.extui %sign3A_12 : i1 to i32
    %sign3A_14 = arith.constant 0 : i32
    %sign3A_15 = arith.cmpi slt, %jit3A, %sign3A_14 : i32
    %sign3A_16 = arith.extui %sign3A_15 : i1 to i32
    %sign3A_17 = arith.subi %sign3A_13, %sign3A_16 : i32
    %ne3A = arith.cmpi ne, %sign3A_10, %sign3A_17 : i32
    %rem3A = arith.remsi %sub3A_4, %jit3A : i32
    %ne3A_18 = arith.constant 0 : i32
    %ne3A_19 = arith.cmpi ne, %rem3A, %ne3A_18 : i32
    %and3A = arith.andi %ne3A, %ne3A_19 : i1
    %sub3A_20 = arith.constant 1 : i32
    %sub3A_21 = arith.subi %div3A, %sub3A_20 : i32
    %select_n3A = arith.select %and3A, %sub3A_21, %div3A : i32
    %scan3A = arith.constant 0 : i32
    %scan3A_22 = arith.constant 400 : i32
    %scan3A_23 = arith.addi %scan3A, %scan3A_22 : i32
    %scan3A_24 = arith.constant 1 : i32
    scf.for %scan3A_87 = %scan3A to %scan3A_23 step %scan3A_24  : i32 {
      %broadcast_in_dim3A = arith.constant 0.000000e+00 : f32
      %broadcast_in_dim3A_88 = vector.broadcast %broadcast_in_dim3A : f32 to vector<16xf32>
      %swap3A = arith.index_cast %scan3A_87 : i32 to index
      %swap3A_89 = arith.constant 0 : index
      %swap3A_90 = tpu.vector_load %arg12[%swap3A, %swap3A_89] {strides = array<i32>} : memref<640x16xf32, #tpu.memory_space<vmem>>, vector<1x16xf32>,
      %swap3A_91 = vector.shape_cast %swap3A_90 : vector<1x16xf32> to vector<16xf32>
      %swap3A_92 = vector.shape_cast %broadcast_in_dim3A_88 : vector<16xf32> to vector<1x16xf32>
      tpu.vector_store %arg12[%swap3A, %swap3A_89], %swap3A_92 {strides = array<i32>} : memref<640x16xf32, #tpu.memory_space<vmem>>, vector<1x16xf32>,
    }
    %scan3A_25 = arith.constant 400 : i32
    %lt3A = arith.constant 15 : i32
    %lt3A_26 = arith.cmpi slt, %arg1, %lt3A : i32
    %convert_element_type3A = arith.extui %lt3A_26 : i1 to i32
    %cond3A = arith.constant 0 : i32
    %cond3A_27 = arith.cmpi ne, %convert_element_type3A, %cond3A : i32
    scf.if %cond3A_27 {
      %scan3A_87 = arith.constant 0 : i32
      %scan3A_88 = arith.constant 16 : i32
      %scan3A_89 = arith.addi %scan3A_87, %scan3A_88 : i32
      %scan3A_90 = arith.constant 1 : i32
      scf.for %scan3A_92 = %scan3A_87 to %scan3A_89 step %scan3A_90  : i32 {
        %mul3A_93 = arith.constant 400 : i32
        %mul3A_94 = arith.muli %scan3A_92, %mul3A_93 : i32
        %add3A_95 = arith.addi %mul3A_0, %mul3A_94 : i32
        "tpu.region"() ({
          %run_scoped3A = tpu.sem_alloc : memref<!tpu.dma_semaphore, #tpu.memory_space<semaphore_mem>>
          %dma_start3A = arith.constant 0 : i32
          %dma_start3A_96 = arith.constant 0 : i32
          %dma_start3A_97 = tpu.memref_slice %arg12[%dma_start3A, %dma_start3A_96] : memref<640x16xf32, #tpu.memory_space<vmem>> -> memref<400x16xf32, #tpu.memory_space<vmem>>
          %dma_start3A_98 = arith.constant 0 : i32
          %dma_start3A_99 = tpu.memref_slice %arg14[%add3A_95, %dma_start3A_98] : memref<100000x16xf32, #tpu.memory_space<vmem_shared>> -> memref<400x16xf32, #tpu.memory_space<vmem_shared>>
          %dma_start3A_100 = arith.constant 0 : i32
          %dma_start3A_101 = tpu.memref_slice %arg14[%add3A_95, %dma_start3A_100] : memref<100000x16xf32, #tpu.memory_space<vmem_shared>> -> memref<400x16xf32, #tpu.memory_space<vmem_shared>>
          %dma_start3A_102 = arith.constant 0 : i32
          %dma_start3A_103 = arith.constant 0 : i32
          %dma_start3A_104 = tpu.memref_slice %arg12[%dma_start3A_102, %dma_start3A_103] : memref<640x16xf32, #tpu.memory_space<vmem>> -> memref<400x16xf32, #tpu.memory_space<vmem>>
          tpu.enqueue_dma source(%dma_start3A_104 : memref<400x16xf32, #tpu.memory_space<vmem>>) target(%dma_start3A_101 : memref<400x16xf32, #tpu.memory_space<vmem_shared>>) target_semaphore(%run_scoped3A : memref<!tpu.dma_semaphore, #tpu.memory_space<semaphore_mem>>)
          %dma_wait3A = arith.constant 0 : i32
          %dma_wait3A_105 = arith.constant 0 : i32
          %dma_wait3A_106 = tpu.memref_slice %arg12[%dma_wait3A, %dma_wait3A_105] : memref<640x16xf32, #tpu.memory_space<vmem>> -> memref<400x16xf32, #tpu.memory_space<vmem>>
          %dma_wait3A_107 = arith.constant 0 : i32
          %dma_wait3A_108 = tpu.memref_slice %arg14[%add3A_95, %dma_wait3A_107] : memref<100000x16xf32, #tpu.memory_space<vmem_shared>> -> memref<400x16xf32, #tpu.memory_space<vmem_shared>>
          %dma_wait3A_109 = arith.constant 0 : i32
          %dma_wait3A_110 = tpu.memref_slice %arg14[%add3A_95, %dma_wait3A_109] : memref<100000x16xf32, #tpu.memory_space<vmem_shared>> -> memref<400x16xf32, #tpu.memory_space<vmem_shared>>
          %dma_wait3A_111 = arith.constant 0 : i32
          %dma_wait3A_112 = arith.constant 0 : i32
          %dma_wait3A_113 = tpu.memref_slice %arg12[%dma_wait3A_111, %dma_wait3A_112] : memref<640x16xf32, #tpu.memory_space<vmem>> -> memref<400x16xf32, #tpu.memory_space<vmem>>
          tpu.wait_dma2 semaphore(%run_scoped3A : memref<!tpu.dma_semaphore, #tpu.memory_space<semaphore_mem>>) src(%dma_wait3A_113 : memref<400x16xf32, #tpu.memory_space<vmem>>) dst(%dma_wait3A_110 : memref<400x16xf32, #tpu.memory_space<vmem_shared>>)
          tpu.yield
        }) : () -> ()
      }
      %scan3A_91 = arith.constant 16 : i32
    } else {
    }
    %eq3A = arith.constant 15 : i32
    %eq3A_28 = arith.cmpi eq, %arg1, %eq3A : i32
    %convert_element_type3A_29 = arith.extui %eq3A_28 : i1 to i32
    %cond3A_30 = arith.constant 0 : i32
    %cond3A_31 = arith.cmpi ne, %convert_element_type3A_29, %cond3A_30 : i32
    scf.if %cond3A_31 {
      %scan3A_87 = arith.constant 0 : i32
      %scan3A_88 = arith.constant 10 : i32
      %scan3A_89 = arith.addi %scan3A_87, %scan3A_88 : i32
      %scan3A_90 = arith.constant 1 : i32
      scf.for %scan3A_92 = %scan3A_87 to %scan3A_89 step %scan3A_90  : i32 {
        %mul3A_93 = arith.constant 400 : i32
        %mul3A_94 = arith.muli %scan3A_92, %mul3A_93 : i32
        %add3A_95 = arith.addi %mul3A_0, %mul3A_94 : i32
        "tpu.region"() ({
          %run_scoped3A = tpu.sem_alloc : memref<!tpu.dma_semaphore, #tpu.memory_space<semaphore_mem>>
          %dma_start3A = arith.constant 0 : i32
          %dma_start3A_96 = arith.constant 0 : i32
          %dma_start3A_97 = tpu.memref_slice %arg12[%dma_start3A, %dma_start3A_96] : memref<640x16xf32, #tpu.memory_space<vmem>> -> memref<400x16xf32, #tpu.memory_space<vmem>>
          %dma_start3A_98 = arith.constant 0 : i32
          %dma_start3A_99 = tpu.memref_slice %arg14[%add3A_95, %dma_start3A_98] : memref<100000x16xf32, #tpu.memory_space<vmem_shared>> -> memref<400x16xf32, #tpu.memory_space<vmem_shared>>
          %dma_start3A_100 = arith.constant 0 : i32
          %dma_start3A_101 = tpu.memref_slice %arg14[%add3A_95, %dma_start3A_100] : memref<100000x16xf32, #tpu.memory_space<vmem_shared>> -> memref<400x16xf32, #tpu.memory_space<vmem_shared>>
          %dma_start3A_102 = arith.constant 0 : i32
          %dma_start3A_103 = arith.constant 0 : i32
          %dma_start3A_104 = tpu.memref_slice %arg12[%dma_start3A_102, %dma_start3A_103] : memref<640x16xf32, #tpu.memory_space<vmem>> -> memref<400x16xf32, #tpu.memory_space<vmem>>
          tpu.enqueue_dma source(%dma_start3A_104 : memref<400x16xf32, #tpu.memory_space<vmem>>) target(%dma_start3A_101 : memref<400x16xf32, #tpu.memory_space<vmem_shared>>) target_semaphore(%run_scoped3A : memref<!tpu.dma_semaphore, #tpu.memory_space<semaphore_mem>>)
          %dma_wait3A = arith.constant 0 : i32
          %dma_wait3A_105 = arith.constant 0 : i32
          %dma_wait3A_106 = tpu.memref_slice %arg12[%dma_wait3A, %dma_wait3A_105] : memref<640x16xf32, #tpu.memory_space<vmem>> -> memref<400x16xf32, #tpu.memory_space<vmem>>
          %dma_wait3A_107 = arith.constant 0 : i32
          %dma_wait3A_108 = tpu.memref_slice %arg14[%add3A_95, %dma_wait3A_107] : memref<100000x16xf32, #tpu.memory_space<vmem_shared>> -> memref<400x16xf32, #tpu.memory_space<vmem_shared>>
          %dma_wait3A_109 = arith.constant 0 : i32
          %dma_wait3A_110 = tpu.memref_slice %arg14[%add3A_95, %dma_wait3A_109] : memref<100000x16xf32, #tpu.memory_space<vmem_shared>> -> memref<400x16xf32, #tpu.memory_space<vmem_shared>>
          %dma_wait3A_111 = arith.constant 0 : i32
          %dma_wait3A_112 = arith.constant 0 : i32
          %dma_wait3A_113 = tpu.memref_slice %arg12[%dma_wait3A_111, %dma_wait3A_112] : memref<640x16xf32, #tpu.memory_space<vmem>> -> memref<400x16xf32, #tpu.memory_space<vmem>>
          tpu.wait_dma2 semaphore(%run_scoped3A : memref<!tpu.dma_semaphore, #tpu.memory_space<semaphore_mem>>) src(%dma_wait3A_113 : memref<400x16xf32, #tpu.memory_space<vmem>>) dst(%dma_wait3A_110 : memref<400x16xf32, #tpu.memory_space<vmem_shared>>)
          tpu.yield
        }) : () -> ()
      }
      %scan3A_91 = arith.constant 10 : i32
    } else {
    }
    %barrier3A = arith.constant 0 : index
    tpu.barrier barrier_id(%barrier3A)
    %while3A = arith.constant 0 : i32
    %while3A_32 = arith.subi %select_n3A, %while3A : i32
    %while3A_33 = arith.addi %while3A, %while3A_32 : i32
    %while3A_34 = arith.constant 1 : i32
    %while3A_35 = arith.divsi %while3A_32, %while3A_34 : i32
    %while3A_36 = arith.muli %while3A_35, %while3A_34 : i32
    %while3A_37 = arith.addi %while3A, %while3A_36 : i32
    %while3A_38 = arith.constant 1 : i32
    scf.for %while3A_87 = %while3A to %while3A_37 step %while3A_38  : i32 {
      %mul3A_88 = arith.constant 16 : i32
      %mul3A_89 = arith.muli %while3A_87, %mul3A_88 : i32
      %add3A_90 = arith.addi %arg1, %mul3A_89 : i32
      %mul3A_91 = arith.constant 640 : i32
      %mul3A_92 = arith.muli %add3A_90, %mul3A_91 : i32
      %run_scoped3A = arith.constant 0 : i32
      "tpu.region"() ({
        %run_scoped3A_110 = tpu.sem_alloc : memref<!tpu.dma_semaphore, #tpu.memory_space<semaphore_mem>>
        %dma_start3A_111 = tpu.memref_slice %arg4[%run_scoped3A, %mul3A_92] : memref<2x1600000xi32, #tpu.memory_space<hbm>> -> memref<1x640xi32, #tpu.memory_space<hbm>>
        %dma_start3A_112 = tpu.memref_squeeze %dma_start3A_111 : memref<1x640xi32, #tpu.memory_space<hbm>> -> memref<640xi32, #tpu.memory_space<hbm>>
        %dma_start3A_113 = tpu.memref_slice %arg4[%run_scoped3A, %mul3A_92] : memref<2x1600000xi32, #tpu.memory_space<hbm>> -> memref<1x640xi32, #tpu.memory_space<hbm>>
        %dma_start3A_114 = tpu.memref_squeeze %dma_start3A_113 : memref<1x640xi32, #tpu.memory_space<hbm>> -> memref<640xi32, #tpu.memory_space<hbm>>
        tpu.enqueue_dma source(%dma_start3A_114 : memref<640xi32, #tpu.memory_space<hbm>>) target(%arg10 : memref<640xi32, #tpu.memory_space<vmem>>) target_semaphore(%run_scoped3A_110 : memref<!tpu.dma_semaphore, #tpu.memory_space<semaphore_mem>>)
        %dma_wait3A_115 = tpu.memref_slice %arg4[%run_scoped3A, %mul3A_92] : memref<2x1600000xi32, #tpu.memory_space<hbm>> -> memref<1x640xi32, #tpu.memory_space<hbm>>
        %dma_wait3A_116 = tpu.memref_squeeze %dma_wait3A_115 : memref<1x640xi32, #tpu.memory_space<hbm>> -> memref<640xi32, #tpu.memory_space<hbm>>
        %dma_wait3A_117 = tpu.memref_slice %arg4[%run_scoped3A, %mul3A_92] : memref<2x1600000xi32, #tpu.memory_space<hbm>> -> memref<1x640xi32, #tpu.memory_space<hbm>>
        %dma_wait3A_118 = tpu.memref_squeeze %dma_wait3A_117 : memref<1x640xi32, #tpu.memory_space<hbm>> -> memref<640xi32, #tpu.memory_space<hbm>>
        tpu.wait_dma2 semaphore(%run_scoped3A_110 : memref<!tpu.dma_semaphore, #tpu.memory_space<semaphore_mem>>) src(%dma_wait3A_118 : memref<640xi32, #tpu.memory_space<hbm>>) dst(%arg10 : memref<640xi32, #tpu.memory_space<vmem>>)
        tpu.yield
      }) : () -> ()
      %run_scoped3A_93 = arith.constant 1 : i32
      "tpu.region"() ({
        %run_scoped3A_110 = tpu.sem_alloc : memref<!tpu.dma_semaphore, #tpu.memory_space<semaphore_mem>>
        %dma_start3A_111 = tpu.memref_slice %arg4[%run_scoped3A_93, %mul3A_92] : memref<2x1600000xi32, #tpu.memory_space<hbm>> -> memref<1x640xi32, #tpu.memory_space<hbm>>
        %dma_start3A_112 = tpu.memref_squeeze %dma_start3A_111 : memref<1x640xi32, #tpu.memory_space<hbm>> -> memref<640xi32, #tpu.memory_space<hbm>>
        %dma_start3A_113 = tpu.memref_slice %arg4[%run_scoped3A_93, %mul3A_92] : memref<2x1600000xi32, #tpu.memory_space<hbm>> -> memref<1x640xi32, #tpu.memory_space<hbm>>
        %dma_start3A_114 = tpu.memref_squeeze %dma_start3A_113 : memref<1x640xi32, #tpu.memory_space<hbm>> -> memref<640xi32, #tpu.memory_space<hbm>>
        tpu.enqueue_dma source(%dma_start3A_114 : memref<640xi32, #tpu.memory_space<hbm>>) target(%arg11 : memref<640xi32, #tpu.memory_space<vmem>>) target_semaphore(%run_scoped3A_110 : memref<!tpu.dma_semaphore, #tpu.memory_space<semaphore_mem>>)
        %dma_wait3A_115 = tpu.memref_slice %arg4[%run_scoped3A_93, %mul3A_92] : memref<2x1600000xi32, #tpu.memory_space<hbm>> -> memref<1x640xi32, #tpu.memory_space<hbm>>
        %dma_wait3A_116 = tpu.memref_squeeze %dma_wait3A_115 : memref<1x640xi32, #tpu.memory_space<hbm>> -> memref<640xi32, #tpu.memory_space<hbm>>
        %dma_wait3A_117 = tpu.memref_slice %arg4[%run_scoped3A_93, %mul3A_92] : memref<2x1600000xi32, #tpu.memory_space<hbm>> -> memref<1x640xi32, #tpu.memory_space<hbm>>
        %dma_wait3A_118 = tpu.memref_squeeze %dma_wait3A_117 : memref<1x640xi32, #tpu.memory_space<hbm>> -> memref<640xi32, #tpu.memory_space<hbm>>
        tpu.wait_dma2 semaphore(%run_scoped3A_110 : memref<!tpu.dma_semaphore, #tpu.memory_space<semaphore_mem>>) src(%dma_wait3A_118 : memref<640xi32, #tpu.memory_space<hbm>>) dst(%arg11 : memref<640xi32, #tpu.memory_space<vmem>>)
        tpu.yield
      }) : () -> ()
      %mul3A_94 = arith.constant 16 : i32
      %mul3A_95 = arith.muli %arg0, %mul3A_94 : i32
      "tpu.region"() ({
        %run_scoped3A_110 = tpu.sem_alloc : memref<!tpu.dma_semaphore, #tpu.memory_space<semaphore_mem>>
        %dma_start3A_111 = tpu.memref_slice %arg2[%mul3A_92, %mul3A_95] : memref<1600000x32xf32, #tpu.memory_space<hbm>> -> memref<640x16xf32, #tpu.memory_space<hbm>>
        %dma_start3A_112 = tpu.memref_slice %arg2[%mul3A_92, %mul3A_95] : memref<1600000x32xf32, #tpu.memory_space<hbm>> -> memref<640x16xf32, #tpu.memory_space<hbm>>
        tpu.enqueue_dma source(%dma_start3A_112 : memref<640x16xf32, #tpu.memory_space<hbm>>) target(%arg12 : memref<640x16xf32, #tpu.memory_space<vmem>>) target_semaphore(%run_scoped3A_110 : memref<!tpu.dma_semaphore, #tpu.memory_space<semaphore_mem>>)
        %dma_wait3A_113 = tpu.memref_slice %arg2[%mul3A_92, %mul3A_95] : memref<1600000x32xf32, #tpu.memory_space<hbm>> -> memref<640x16xf32, #tpu.memory_space<hbm>>
        %dma_wait3A_114 = tpu.memref_slice %arg2[%mul3A_92, %mul3A_95] : memref<1600000x32xf32, #tpu.memory_space<hbm>> -> memref<640x16xf32, #tpu.memory_space<hbm>>
        tpu.wait_dma2 semaphore(%run_scoped3A_110 : memref<!tpu.dma_semaphore, #tpu.memory_space<semaphore_mem>>) src(%dma_wait3A_114 : memref<640x16xf32, #tpu.memory_space<hbm>>) dst(%arg12 : memref<640x16xf32, #tpu.memory_space<vmem>>)
        tpu.yield
      }) : () -> ()
      %dma_start3A = arith.constant 0 : i32
      %dma_start3A_96 = arith.constant 0 : i32
      %dma_start3A_97 = tpu.memref_slice %arg3[%arg0, %dma_start3A, %dma_start3A_96] : memref<2x100000x16xf32, #tpu.memory_space<hbm>> -> memref<1x100000x16xf32, #tpu.memory_space<hbm>>
      %dma_start3A_98 = tpu.memref_squeeze %dma_start3A_97 : memref<1x100000x16xf32, #tpu.memory_space<hbm>> -> memref<100000x16xf32, #tpu.memory_space<hbm>>
      %dma_start3A_99 = arith.constant 0 : i32
      %dma_start3A_100 = arith.constant 0 : i32
      %dma_start3A_101 = tpu.memref_slice %dma_start3A_98[%dma_start3A_99, %dma_start3A_100] : memref<100000x16xf32, #tpu.memory_space<hbm>> -> memref<100000x16xf32, #tpu.memory_space<hbm>>
      tpu.enqueue_indirect_dma source(%dma_start3A_101 : memref<100000x16xf32, #tpu.memory_space<hbm>>) target(%arg13 : memref<640x16xf32, #tpu.memory_space<vmem>>) offsets(%arg10 : memref<640xi32, #tpu.memory_space<vmem>>) semaphore(%arg15 : memref<!tpu.dma_semaphore, #tpu.memory_space<semaphore_mem>>)
      %dma_wait3A = arith.constant 0 : i32
      %dma_wait3A_102 = arith.constant 0 : i32
      %dma_wait3A_103 = tpu.memref_slice %arg3[%arg0, %dma_wait3A, %dma_wait3A_102] : memref<2x100000x16xf32, #tpu.memory_space<hbm>> -> memref<1x100000x16xf32, #tpu.memory_space<hbm>>
      %dma_wait3A_104 = tpu.memref_squeeze %dma_wait3A_103 : memref<1x100000x16xf32, #tpu.memory_space<hbm>> -> memref<100000x16xf32, #tpu.memory_space<hbm>>
      %dma_wait3A_105 = arith.constant 0 : i32
      %dma_wait3A_106 = arith.constant 0 : i32
      %dma_wait3A_107 = tpu.memref_slice %dma_wait3A_104[%dma_wait3A_105, %dma_wait3A_106] : memref<100000x16xf32, #tpu.memory_space<hbm>> -> memref<100000x16xf32, #tpu.memory_space<hbm>>
      tpu.wait_indirect_dma semaphore(%arg15 : memref<!tpu.dma_semaphore, #tpu.memory_space<semaphore_mem>>) src(%dma_wait3A_107 : memref<100000x16xf32, #tpu.memory_space<hbm>>) dst(%arg13 : memref<640x16xf32, #tpu.memory_space<vmem>>)
      %parallel_loop3A = arith.constant 0 : i32
      %parallel_loop3A_108 = arith.constant 640 : i32
      %parallel_loop3A_109 = arith.constant 1 : i32
      scf.for %parallel_loop3A_110 = %parallel_loop3A to %parallel_loop3A_108 step %parallel_loop3A_109  : i32 {
        %parallel_loop3A_111 = arith.index_cast %parallel_loop3A_110 : i32 to index
        %parallel_loop3A_112 = arith.constant 0 : index
        %parallel_loop3A_113 = tpu.vector_load %arg12[%parallel_loop3A_111, %parallel_loop3A_112] {strides = array<i32>} : memref<640x16xf32, #tpu.memory_space<vmem>>, vector<1x16xf32>,
        %parallel_loop3A_114 = vector.shape_cast %parallel_loop3A_113 : vector<1x16xf32> to vector<16xf32>
        %parallel_loop3A_115 = arith.index_cast %parallel_loop3A_110 : i32 to index
        %parallel_loop3A_116 = arith.constant 0 : index
        %parallel_loop3A_117 = tpu.vector_load %arg13[%parallel_loop3A_115, %parallel_loop3A_116] {strides = array<i32>} : memref<640x16xf32, #tpu.memory_space<vmem>>, vector<1x16xf32>,
        %parallel_loop3A_118 = vector.shape_cast %parallel_loop3A_117 : vector<1x16xf32> to vector<16xf32>
        %parallel_loop3A_119 = arith.mulf %parallel_loop3A_114, %parallel_loop3A_118 : vector<16xf32>
        %parallel_loop3A_120 = arith.index_cast %parallel_loop3A_110 : i32 to index
        %parallel_loop3A_121 = arith.constant 0 : index
        %parallel_loop3A_122 = tpu.vector_load %arg12[%parallel_loop3A_120, %parallel_loop3A_121] {strides = array<i32>} : memref<640x16xf32, #tpu.memory_space<vmem>>, vector<1x16xf32>,
        %parallel_loop3A_123 = vector.shape_cast %parallel_loop3A_122 : vector<1x16xf32> to vector<16xf32>
        %parallel_loop3A_124 = vector.shape_cast %parallel_loop3A_119 : vector<16xf32> to vector<1x16xf32>
        tpu.vector_store %arg12[%parallel_loop3A_120, %parallel_loop3A_121], %parallel_loop3A_124 {strides = array<i32>} : memref<640x16xf32, #tpu.memory_space<vmem>>, vector<1x16xf32>,
      } {sc.loop_unroll_factor = 8 : i64, sc.parallel_access}
      "tpu.region"() ({
        %run_scoped3A_110 = tpu.sem_alloc : memref<!tpu.dma_semaphore, #tpu.memory_space<semaphore_mem>>
        %dma_start3A_111 = arith.constant 0 : i32
        %dma_start3A_112 = arith.constant 0 : i32
        %dma_start3A_113 = tpu.memref_slice %arg14[%dma_start3A_111, %dma_start3A_112] : memref<100000x16xf32, #tpu.memory_space<vmem_shared>> -> memref<100000x16xf32, #tpu.memory_space<vmem_shared>>
        tpu.enqueue_indirect_dma source(%arg12 : memref<640x16xf32, #tpu.memory_space<vmem>>) target(%dma_start3A_113 : memref<100000x16xf32, #tpu.memory_space<vmem_shared>>) offsets(%arg11 : memref<640xi32, #tpu.memory_space<vmem>>) semaphore(%run_scoped3A_110 : memref<!tpu.dma_semaphore, #tpu.memory_space<semaphore_mem>>) {add = true}
        %dma_wait3A_114 = arith.constant 0 : i32
        %dma_wait3A_115 = arith.constant 0 : i32
        %dma_wait3A_116 = tpu.memref_slice %arg14[%dma_wait3A_114, %dma_wait3A_115] : memref<100000x16xf32, #tpu.memory_space<vmem_shared>> -> memref<100000x16xf32, #tpu.memory_space<vmem_shared>>
        tpu.wait_indirect_dma semaphore(%run_scoped3A_110 : memref<!tpu.dma_semaphore, #tpu.memory_space<semaphore_mem>>) src(%arg12 : memref<640x16xf32, #tpu.memory_space<vmem>>) dst(%dma_wait3A_116 : memref<100000x16xf32, #tpu.memory_space<vmem_shared>>)
        tpu.yield
      }) : () -> ()
    }
    %while3A_39 = arith.constant 1 : i32
    scf.for %while3A_87 = %while3A_37 to %while3A_33 step %while3A_39  : i32 {
      %mul3A_88 = arith.constant 16 : i32
      %mul3A_89 = arith.muli %while3A_87, %mul3A_88 : i32
      %add3A_90 = arith.addi %arg1, %mul3A_89 : i32
      %mul3A_91 = arith.constant 640 : i32
      %mul3A_92 = arith.muli %add3A_90, %mul3A_91 : i32
      %run_scoped3A = arith.constant 0 : i32
      "tpu.region"() ({
        %run_scoped3A_110 = tpu.sem_alloc : memref<!tpu.dma_semaphore, #tpu.memory_space<semaphore_mem>>
        %dma_start3A_111 = tpu.memref_slice %arg4[%run_scoped3A, %mul3A_92] : memref<2x1600000xi32, #tpu.memory_space<hbm>> -> memref<1x640xi32, #tpu.memory_space<hbm>>
        %dma_start3A_112 = tpu.memref_squeeze %dma_start3A_111 : memref<1x640xi32, #tpu.memory_space<hbm>> -> memref<640xi32, #tpu.memory_space<hbm>>
        %dma_start3A_113 = tpu.memref_slice %arg4[%run_scoped3A, %mul3A_92] : memref<2x1600000xi32, #tpu.memory_space<hbm>> -> memref<1x640xi32, #tpu.memory_space<hbm>>
        %dma_start3A_114 = tpu.memref_squeeze %dma_start3A_113 : memref<1x640xi32, #tpu.memory_space<hbm>> -> memref<640xi32, #tpu.memory_space<hbm>>
        tpu.enqueue_dma source(%dma_start3A_114 : memref<640xi32, #tpu.memory_space<hbm>>) target(%arg10 : memref<640xi32, #tpu.memory_space<vmem>>) target_semaphore(%run_scoped3A_110 : memref<!tpu.dma_semaphore, #tpu.memory_space<semaphore_mem>>)
        %dma_wait3A_115 = tpu.memref_slice %arg4[%run_scoped3A, %mul3A_92] : memref<2x1600000xi32, #tpu.memory_space<hbm>> -> memref<1x640xi32, #tpu.memory_space<hbm>>
        %dma_wait3A_116 = tpu.memref_squeeze %dma_wait3A_115 : memref<1x640xi32, #tpu.memory_space<hbm>> -> memref<640xi32, #tpu.memory_space<hbm>>
        %dma_wait3A_117 = tpu.memref_slice %arg4[%run_scoped3A, %mul3A_92] : memref<2x1600000xi32, #tpu.memory_space<hbm>> -> memref<1x640xi32, #tpu.memory_space<hbm>>
        %dma_wait3A_118 = tpu.memref_squeeze %dma_wait3A_117 : memref<1x640xi32, #tpu.memory_space<hbm>> -> memref<640xi32, #tpu.memory_space<hbm>>
        tpu.wait_dma2 semaphore(%run_scoped3A_110 : memref<!tpu.dma_semaphore, #tpu.memory_space<semaphore_mem>>) src(%dma_wait3A_118 : memref<640xi32, #tpu.memory_space<hbm>>) dst(%arg10 : memref<640xi32, #tpu.memory_space<vmem>>)
        tpu.yield
      }) : () -> ()
      %run_scoped3A_93 = arith.constant 1 : i32
      "tpu.region"() ({
        %run_scoped3A_110 = tpu.sem_alloc : memref<!tpu.dma_semaphore, #tpu.memory_space<semaphore_mem>>
        %dma_start3A_111 = tpu.memref_slice %arg4[%run_scoped3A_93, %mul3A_92] : memref<2x1600000xi32, #tpu.memory_space<hbm>> -> memref<1x640xi32, #tpu.memory_space<hbm>>
        %dma_start3A_112 = tpu.memref_squeeze %dma_start3A_111 : memref<1x640xi32, #tpu.memory_space<hbm>> -> memref<640xi32, #tpu.memory_space<hbm>>
        %dma_start3A_113 = tpu.memref_slice %arg4[%run_scoped3A_93, %mul3A_92] : memref<2x1600000xi32, #tpu.memory_space<hbm>> -> memref<1x640xi32, #tpu.memory_space<hbm>>
        %dma_start3A_114 = tpu.memref_squeeze %dma_start3A_113 : memref<1x640xi32, #tpu.memory_space<hbm>> -> memref<640xi32, #tpu.memory_space<hbm>>
        tpu.enqueue_dma source(%dma_start3A_114 : memref<640xi32, #tpu.memory_space<hbm>>) target(%arg11 : memref<640xi32, #tpu.memory_space<vmem>>) target_semaphore(%run_scoped3A_110 : memref<!tpu.dma_semaphore, #tpu.memory_space<semaphore_mem>>)
        %dma_wait3A_115 = tpu.memref_slice %arg4[%run_scoped3A_93, %mul3A_92] : memref<2x1600000xi32, #tpu.memory_space<hbm>> -> memref<1x640xi32, #tpu.memory_space<hbm>>
        %dma_wait3A_116 = tpu.memref_squeeze %dma_wait3A_115 : memref<1x640xi32, #tpu.memory_space<hbm>> -> memref<640xi32, #tpu.memory_space<hbm>>
        %dma_wait3A_117 = tpu.memref_slice %arg4[%run_scoped3A_93, %mul3A_92] : memref<2x1600000xi32, #tpu.memory_space<hbm>> -> memref<1x640xi32, #tpu.memory_space<hbm>>
        %dma_wait3A_118 = tpu.memref_squeeze %dma_wait3A_117 : memref<1x640xi32, #tpu.memory_space<hbm>> -> memref<640xi32, #tpu.memory_space<hbm>>
        tpu.wait_dma2 semaphore(%run_scoped3A_110 : memref<!tpu.dma_semaphore, #tpu.memory_space<semaphore_mem>>) src(%dma_wait3A_118 : memref<640xi32, #tpu.memory_space<hbm>>) dst(%arg11 : memref<640xi32, #tpu.memory_space<vmem>>)
        tpu.yield
      }) : () -> ()
      %mul3A_94 = arith.constant 16 : i32
      %mul3A_95 = arith.muli %arg0, %mul3A_94 : i32
      "tpu.region"() ({
        %run_scoped3A_110 = tpu.sem_alloc : memref<!tpu.dma_semaphore, #tpu.memory_space<semaphore_mem>>
        %dma_start3A_111 = tpu.memref_slice %arg2[%mul3A_92, %mul3A_95] : memref<1600000x32xf32, #tpu.memory_space<hbm>> -> memref<640x16xf32, #tpu.memory_space<hbm>>
        %dma_start3A_112 = tpu.memref_slice %arg2[%mul3A_92, %mul3A_95] : memref<1600000x32xf32, #tpu.memory_space<hbm>> -> memref<640x16xf32, #tpu.memory_space<hbm>>
        tpu.enqueue_dma source(%dma_start3A_112 : memref<640x16xf32, #tpu.memory_space<hbm>>) target(%arg12 : memref<640x16xf32, #tpu.memory_space<vmem>>) target_semaphore(%run_scoped3A_110 : memref<!tpu.dma_semaphore, #tpu.memory_space<semaphore_mem>>)
        %dma_wait3A_113 = tpu.memref_slice %arg2[%mul3A_92, %mul3A_95] : memref<1600000x32xf32, #tpu.memory_space<hbm>> -> memref<640x16xf32, #tpu.memory_space<hbm>>
        %dma_wait3A_114 = tpu.memref_slice %arg2[%mul3A_92, %mul3A_95] : memref<1600000x32xf32, #tpu.memory_space<hbm>> -> memref<640x16xf32, #tpu.memory_space<hbm>>
        tpu.wait_dma2 semaphore(%run_scoped3A_110 : memref<!tpu.dma_semaphore, #tpu.memory_space<semaphore_mem>>) src(%dma_wait3A_114 : memref<640x16xf32, #tpu.memory_space<hbm>>) dst(%arg12 : memref<640x16xf32, #tpu.memory_space<vmem>>)
        tpu.yield
      }) : () -> ()
      %dma_start3A = arith.constant 0 : i32
      %dma_start3A_96 = arith.constant 0 : i32
      %dma_start3A_97 = tpu.memref_slice %arg3[%arg0, %dma_start3A, %dma_start3A_96] : memref<2x100000x16xf32, #tpu.memory_space<hbm>> -> memref<1x100000x16xf32, #tpu.memory_space<hbm>>
      %dma_start3A_98 = tpu.memref_squeeze %dma_start3A_97 : memref<1x100000x16xf32, #tpu.memory_space<hbm>> -> memref<100000x16xf32, #tpu.memory_space<hbm>>
      %dma_start3A_99 = arith.constant 0 : i32
      %dma_start3A_100 = arith.constant 0 : i32
      %dma_start3A_101 = tpu.memref_slice %dma_start3A_98[%dma_start3A_99, %dma_start3A_100] : memref<100000x16xf32, #tpu.memory_space<hbm>> -> memref<100000x16xf32, #tpu.memory_space<hbm>>
      tpu.enqueue_indirect_dma source(%dma_start3A_101 : memref<100000x16xf32, #tpu.memory_space<hbm>>) target(%arg13 : memref<640x16xf32, #tpu.memory_space<vmem>>) offsets(%arg10 : memref<640xi32, #tpu.memory_space<vmem>>) semaphore(%arg15 : memref<!tpu.dma_semaphore, #tpu.memory_space<semaphore_mem>>)
      %dma_wait3A = arith.constant 0 : i32
      %dma_wait3A_102 = arith.constant 0 : i32
      %dma_wait3A_103 = tpu.memref_slice %arg3[%arg0, %dma_wait3A, %dma_wait3A_102] : memref<2x100000x16xf32, #tpu.memory_space<hbm>> -> memref<1x100000x16xf32, #tpu.memory_space<hbm>>
      %dma_wait3A_104 = tpu.memref_squeeze %dma_wait3A_103 : memref<1x100000x16xf32, #tpu.memory_space<hbm>> -> memref<100000x16xf32, #tpu.memory_space<hbm>>
      %dma_wait3A_105 = arith.constant 0 : i32
      %dma_wait3A_106 = arith.constant 0 : i32
      %dma_wait3A_107 = tpu.memref_slice %dma_wait3A_104[%dma_wait3A_105, %dma_wait3A_106] : memref<100000x16xf32, #tpu.memory_space<hbm>> -> memref<100000x16xf32, #tpu.memory_space<hbm>>
      tpu.wait_indirect_dma semaphore(%arg15 : memref<!tpu.dma_semaphore, #tpu.memory_space<semaphore_mem>>) src(%dma_wait3A_107 : memref<100000x16xf32, #tpu.memory_space<hbm>>) dst(%arg13 : memref<640x16xf32, #tpu.memory_space<vmem>>)
      %parallel_loop3A = arith.constant 0 : i32
      %parallel_loop3A_108 = arith.constant 640 : i32
      %parallel_loop3A_109 = arith.constant 1 : i32
      scf.for %parallel_loop3A_110 = %parallel_loop3A to %parallel_loop3A_108 step %parallel_loop3A_109  : i32 {
        %parallel_loop3A_111 = arith.index_cast %parallel_loop3A_110 : i32 to index
        %parallel_loop3A_112 = arith.constant 0 : index
        %parallel_loop3A_113 = tpu.vector_load %arg12[%parallel_loop3A_111, %parallel_loop3A_112] {strides = array<i32>} : memref<640x16xf32, #tpu.memory_space<vmem>>, vector<1x16xf32>,
        %parallel_loop3A_114 = vector.shape_cast %parallel_loop3A_113 : vector<1x16xf32> to vector<16xf32>
        %parallel_loop3A_115 = arith.index_cast %parallel_loop3A_110 : i32 to index
        %parallel_loop3A_116 = arith.constant 0 : index
        %parallel_loop3A_117 = tpu.vector_load %arg13[%parallel_loop3A_115, %parallel_loop3A_116] {strides = array<i32>} : memref<640x16xf32, #tpu.memory_space<vmem>>, vector<1x16xf32>,
        %parallel_loop3A_118 = vector.shape_cast %parallel_loop3A_117 : vector<1x16xf32> to vector<16xf32>
        %parallel_loop3A_119 = arith.mulf %parallel_loop3A_114, %parallel_loop3A_118 : vector<16xf32>
        %parallel_loop3A_120 = arith.index_cast %parallel_loop3A_110 : i32 to index
        %parallel_loop3A_121 = arith.constant 0 : index
        %parallel_loop3A_122 = tpu.vector_load %arg12[%parallel_loop3A_120, %parallel_loop3A_121] {strides = array<i32>} : memref<640x16xf32, #tpu.memory_space<vmem>>, vector<1x16xf32>,
        %parallel_loop3A_123 = vector.shape_cast %parallel_loop3A_122 : vector<1x16xf32> to vector<16xf32>
        %parallel_loop3A_124 = vector.shape_cast %parallel_loop3A_119 : vector<16xf32> to vector<1x16xf32>
        tpu.vector_store %arg12[%parallel_loop3A_120, %parallel_loop3A_121], %parallel_loop3A_124 {strides = array<i32>} : memref<640x16xf32, #tpu.memory_space<vmem>>, vector<1x16xf32>,
      } {sc.loop_unroll_factor = 8 : i64, sc.parallel_access}
      "tpu.region"() ({
        %run_scoped3A_110 = tpu.sem_alloc : memref<!tpu.dma_semaphore, #tpu.memory_space<semaphore_mem>>
        %dma_start3A_111 = arith.constant 0 : i32
        %dma_start3A_112 = arith.constant 0 : i32
        %dma_start3A_113 = tpu.memref_slice %arg14[%dma_start3A_111, %dma_start3A_112] : memref<100000x16xf32, #tpu.memory_space<vmem_shared>> -> memref<100000x16xf32, #tpu.memory_space<vmem_shared>>
        tpu.enqueue_indirect_dma source(%arg12 : memref<640x16xf32, #tpu.memory_space<vmem>>) target(%dma_start3A_113 : memref<100000x16xf32, #tpu.memory_space<vmem_shared>>) offsets(%arg11 : memref<640xi32, #tpu.memory_space<vmem>>) semaphore(%run_scoped3A_110 : memref<!tpu.dma_semaphore, #tpu.memory_space<semaphore_mem>>) {add = true}
        %dma_wait3A_114 = arith.constant 0 : i32
        %dma_wait3A_115 = arith.constant 0 : i32
        %dma_wait3A_116 = tpu.memref_slice %arg14[%dma_wait3A_114, %dma_wait3A_115] : memref<100000x16xf32, #tpu.memory_space<vmem_shared>> -> memref<100000x16xf32, #tpu.memory_space<vmem_shared>>
        tpu.wait_indirect_dma semaphore(%run_scoped3A_110 : memref<!tpu.dma_semaphore, #tpu.memory_space<semaphore_mem>>) src(%arg12 : memref<640x16xf32, #tpu.memory_space<vmem>>) dst(%dma_wait3A_116 : memref<100000x16xf32, #tpu.memory_space<vmem_shared>>)
        tpu.yield
      }) : () -> ()
    }
    %barrier3A_40 = arith.constant 0 : index
    tpu.barrier barrier_id(%barrier3A_40)
    %lt3A_41 = arith.constant 15 : i32
    %lt3A_42 = arith.cmpi slt, %arg1, %lt3A_41 : i32
    %convert_element_type3A_43 = arith.extui %lt3A_42 : i1 to i32
    %cond3A_44 = arith.constant 0 : i32
    %cond3A_45 = arith.cmpi ne, %convert_element_type3A_43, %cond3A_44 : i32
    scf.if %cond3A_45 {
      "tpu.region"() ({
        %run_scoped3A = tpu.sem_alloc : memref<!tpu.dma_semaphore, #tpu.memory_space<semaphore_mem>>
        %dma_start3A = arith.constant 0 : i32
        %dma_start3A_87 = tpu.memref_slice %arg8[%arg0, %mul3A_0, %dma_start3A] : memref<2x100000x16xf32, #tpu.memory_space<hbm>> -> memref<1x6400x16xf32, #tpu.memory_space<hbm>>
        %dma_start3A_88 = tpu.memref_squeeze %dma_start3A_87 : memref<1x6400x16xf32, #tpu.memory_space<hbm>> -> memref<6400x16xf32, #tpu.memory_space<hbm>>
        %dma_start3A_89 = arith.constant 0 : i32
        %dma_start3A_90 = tpu.memref_slice %arg14[%mul3A_0, %dma_start3A_89] : memref<100000x16xf32, #tpu.memory_space<vmem_shared>> -> memref<6400x16xf32, #tpu.memory_space<vmem_shared>>
        tpu.enqueue_dma source(%dma_start3A_90 : memref<6400x16xf32, #tpu.memory_space<vmem_shared>>) target(%dma_start3A_88 : memref<6400x16xf32, #tpu.memory_space<hbm>>) target_semaphore(%run_scoped3A : memref<!tpu.dma_semaphore, #tpu.memory_space<semaphore_mem>>)
        %dma_wait3A = arith.constant 0 : i32
        %dma_wait3A_91 = tpu.memref_slice %arg8[%arg0, %mul3A_0, %dma_wait3A] : memref<2x100000x16xf32, #tpu.memory_space<hbm>> -> memref<1x6400x16xf32, #tpu.memory_space<hbm>>
        %dma_wait3A_92 = tpu.memref_squeeze %dma_wait3A_91 : memref<1x6400x16xf32, #tpu.memory_space<hbm>> -> memref<6400x16xf32, #tpu.memory_space<hbm>>
        %dma_wait3A_93 = arith.constant 0 : i32
        %dma_wait3A_94 = tpu.memref_slice %arg14[%mul3A_0, %dma_wait3A_93] : memref<100000x16xf32, #tpu.memory_space<vmem_shared>> -> memref<6400x16xf32, #tpu.memory_space<vmem_shared>>
        tpu.wait_dma2 semaphore(%run_scoped3A : memref<!tpu.dma_semaphore, #tpu.memory_space<semaphore_mem>>) src(%dma_wait3A_94 : memref<6400x16xf32, #tpu.memory_space<vmem_shared>>) dst(%dma_wait3A_92 : memref<6400x16xf32, #tpu.memory_space<hbm>>)
        tpu.yield
      }) : () -> ()
    } else {
    }
    %eq3A_46 = arith.constant 15 : i32
    %eq3A_47 = arith.cmpi eq, %arg1, %eq3A_46 : i32
    %convert_element_type3A_48 = arith.extui %eq3A_47 : i1 to i32
    %cond3A_49 = arith.constant 0 : i32
    %cond3A_50 = arith.cmpi ne, %convert_element_type3A_48, %cond3A_49 : i32
    scf.if %cond3A_50 {
      "tpu.region"() ({
        %run_scoped3A = tpu.sem_alloc : memref<!tpu.dma_semaphore, #tpu.memory_space<semaphore_mem>>
        %dma_start3A = arith.constant 0 : i32
        %dma_start3A_87 = tpu.memref_slice %arg8[%arg0, %mul3A_0, %dma_start3A] : memref<2x100000x16xf32, #tpu.memory_space<hbm>> -> memref<1x4000x16xf32, #tpu.memory_space<hbm>>
        %dma_start3A_88 = tpu.memref_squeeze %dma_start3A_87 : memref<1x4000x16xf32, #tpu.memory_space<hbm>> -> memref<4000x16xf32, #tpu.memory_space<hbm>>
        %dma_start3A_89 = arith.constant 0 : i32
        %dma_start3A_90 = tpu.memref_slice %arg14[%mul3A_0, %dma_start3A_89] : memref<100000x16xf32, #tpu.memory_space<vmem_shared>> -> memref<4000x16xf32, #tpu.memory_space<vmem_shared>>
        tpu.enqueue_dma source(%dma_start3A_90 : memref<4000x16xf32, #tpu.memory_space<vmem_shared>>) target(%dma_start3A_88 : memref<4000x16xf32, #tpu.memory_space<hbm>>) target_semaphore(%run_scoped3A : memref<!tpu.dma_semaphore, #tpu.memory_space<semaphore_mem>>)
        %dma_wait3A = arith.constant 0 : i32
        %dma_wait3A_91 = tpu.memref_slice %arg8[%arg0, %mul3A_0, %dma_wait3A] : memref<2x100000x16xf32, #tpu.memory_space<hbm>> -> memref<1x4000x16xf32, #tpu.memory_space<hbm>>
        %dma_wait3A_92 = tpu.memref_squeeze %dma_wait3A_91 : memref<1x4000x16xf32, #tpu.memory_space<hbm>> -> memref<4000x16xf32, #tpu.memory_space<hbm>>
        %dma_wait3A_93 = arith.constant 0 : i32
        %dma_wait3A_94 = tpu.memref_slice %arg14[%mul3A_0, %dma_wait3A_93] : memref<100000x16xf32, #tpu.memory_space<vmem_shared>> -> memref<4000x16xf32, #tpu.memory_space<vmem_shared>>
        tpu.wait_dma2 semaphore(%run_scoped3A : memref<!tpu.dma_semaphore, #tpu.memory_space<semaphore_mem>>) src(%dma_wait3A_94 : memref<4000x16xf32, #tpu.memory_space<vmem_shared>>) dst(%dma_wait3A_92 : memref<4000x16xf32, #tpu.memory_space<hbm>>)
        tpu.yield
      }) : () -> ()
    } else {
    }
    %scan3A_51 = arith.constant 0 : i32
    %scan3A_52 = arith.constant 400 : i32
    %scan3A_53 = arith.addi %scan3A_51, %scan3A_52 : i32
    %scan3A_54 = arith.constant 1 : i32
    scf.for %scan3A_87 = %scan3A_51 to %scan3A_53 step %scan3A_54  : i32 {
      %broadcast_in_dim3A = arith.constant 0.000000e+00 : f32
      %broadcast_in_dim3A_88 = vector.broadcast %broadcast_in_dim3A : f32 to vector<16xf32>
      %swap3A = arith.index_cast %scan3A_87 : i32 to index
      %swap3A_89 = arith.constant 0 : index
      %swap3A_90 = tpu.vector_load %arg12[%swap3A, %swap3A_89] {strides = array<i32>} : memref<640x16xf32, #tpu.memory_space<vmem>>, vector<1x16xf32>,
      %swap3A_91 = vector.shape_cast %swap3A_90 : vector<1x16xf32> to vector<16xf32>
      %swap3A_92 = vector.shape_cast %broadcast_in_dim3A_88 : vector<16xf32> to vector<1x16xf32>
      tpu.vector_store %arg12[%swap3A, %swap3A_89], %swap3A_92 {strides = array<i32>} : memref<640x16xf32, #tpu.memory_space<vmem>>, vector<1x16xf32>,
    }
    %scan3A_55 = arith.constant 400 : i32
    %lt3A_56 = arith.constant 15 : i32
    %lt3A_57 = arith.cmpi slt, %arg1, %lt3A_56 : i32
    %convert_element_type3A_58 = arith.extui %lt3A_57 : i1 to i32
    %cond3A_59 = arith.constant 0 : i32
    %cond3A_60 = arith.cmpi ne, %convert_element_type3A_58, %cond3A_59 : i32
    scf.if %cond3A_60 {
      %scan3A_87 = arith.constant 0 : i32
      %scan3A_88 = arith.constant 16 : i32
      %scan3A_89 = arith.addi %scan3A_87, %scan3A_88 : i32
      %scan3A_90 = arith.constant 1 : i32
      scf.for %scan3A_92 = %scan3A_87 to %scan3A_89 step %scan3A_90  : i32 {
        %mul3A_93 = arith.constant 400 : i32
        %mul3A_94 = arith.muli %scan3A_92, %mul3A_93 : i32
        %add3A_95 = arith.addi %mul3A_0, %mul3A_94 : i32
        "tpu.region"() ({
          %run_scoped3A = tpu.sem_alloc : memref<!tpu.dma_semaphore, #tpu.memory_space<semaphore_mem>>
          %dma_start3A = arith.constant 0 : i32
          %dma_start3A_96 = arith.constant 0 : i32
          %dma_start3A_97 = tpu.memref_slice %arg12[%dma_start3A, %dma_start3A_96] : memref<640x16xf32, #tpu.memory_space<vmem>> -> memref<400x16xf32, #tpu.memory_space<vmem>>
          %dma_start3A_98 = arith.constant 0 : i32
          %dma_start3A_99 = tpu.memref_slice %arg14[%add3A_95, %dma_start3A_98] : memref<100000x16xf32, #tpu.memory_space<vmem_shared>> -> memref<400x16xf32, #tpu.memory_space<vmem_shared>>
          %dma_start3A_100 = arith.constant 0 : i32
          %dma_start3A_101 = tpu.memref_slice %arg14[%add3A_95, %dma_start3A_100] : memref<100000x16xf32, #tpu.memory_space<vmem_shared>> -> memref<400x16xf32, #tpu.memory_space<vmem_shared>>
          %dma_start3A_102 = arith.constant 0 : i32
          %dma_start3A_103 = arith.constant 0 : i32
          %dma_start3A_104 = tpu.memref_slice %arg12[%dma_start3A_102, %dma_start3A_103] : memref<640x16xf32, #tpu.memory_space<vmem>> -> memref<400x16xf32, #tpu.memory_space<vmem>>
          tpu.enqueue_dma source(%dma_start3A_104 : memref<400x16xf32, #tpu.memory_space<vmem>>) target(%dma_start3A_101 : memref<400x16xf32, #tpu.memory_space<vmem_shared>>) target_semaphore(%run_scoped3A : memref<!tpu.dma_semaphore, #tpu.memory_space<semaphore_mem>>)
          %dma_wait3A = arith.constant 0 : i32
          %dma_wait3A_105 = arith.constant 0 : i32
          %dma_wait3A_106 = tpu.memref_slice %arg12[%dma_wait3A, %dma_wait3A_105] : memref<640x16xf32, #tpu.memory_space<vmem>> -> memref<400x16xf32, #tpu.memory_space<vmem>>
          %dma_wait3A_107 = arith.constant 0 : i32
          %dma_wait3A_108 = tpu.memref_slice %arg14[%add3A_95, %dma_wait3A_107] : memref<100000x16xf32, #tpu.memory_space<vmem_shared>> -> memref<400x16xf32, #tpu.memory_space<vmem_shared>>
          %dma_wait3A_109 = arith.constant 0 : i32
          %dma_wait3A_110 = tpu.memref_slice %arg14[%add3A_95, %dma_wait3A_109] : memref<100000x16xf32, #tpu.memory_space<vmem_shared>> -> memref<400x16xf32, #tpu.memory_space<vmem_shared>>
          %dma_wait3A_111 = arith.constant 0 : i32
          %dma_wait3A_112 = arith.constant 0 : i32
          %dma_wait3A_113 = tpu.memref_slice %arg12[%dma_wait3A_111, %dma_wait3A_112] : memref<640x16xf32, #tpu.memory_space<vmem>> -> memref<400x16xf32, #tpu.memory_space<vmem>>
          tpu.wait_dma2 semaphore(%run_scoped3A : memref<!tpu.dma_semaphore, #tpu.memory_space<semaphore_mem>>) src(%dma_wait3A_113 : memref<400x16xf32, #tpu.memory_space<vmem>>) dst(%dma_wait3A_110 : memref<400x16xf32, #tpu.memory_space<vmem_shared>>)
          tpu.yield
        }) : () -> ()
      }
      %scan3A_91 = arith.constant 16 : i32
    } else {
    }
    %eq3A_61 = arith.constant 15 : i32
    %eq3A_62 = arith.cmpi eq, %arg1, %eq3A_61 : i32
    %convert_element_type3A_63 = arith.extui %eq3A_62 : i1 to i32
    %cond3A_64 = arith.constant 0 : i32
    %cond3A_65 = arith.cmpi ne, %convert_element_type3A_63, %cond3A_64 : i32
    scf.if %cond3A_65 {
      %scan3A_87 = arith.constant 0 : i32
      %scan3A_88 = arith.constant 10 : i32
      %scan3A_89 = arith.addi %scan3A_87, %scan3A_88 : i32
      %scan3A_90 = arith.constant 1 : i32
      scf.for %scan3A_92 = %scan3A_87 to %scan3A_89 step %scan3A_90  : i32 {
        %mul3A_93 = arith.constant 400 : i32
        %mul3A_94 = arith.muli %scan3A_92, %mul3A_93 : i32
        %add3A_95 = arith.addi %mul3A_0, %mul3A_94 : i32
        "tpu.region"() ({
          %run_scoped3A = tpu.sem_alloc : memref<!tpu.dma_semaphore, #tpu.memory_space<semaphore_mem>>
          %dma_start3A = arith.constant 0 : i32
          %dma_start3A_96 = arith.constant 0 : i32
          %dma_start3A_97 = tpu.memref_slice %arg12[%dma_start3A, %dma_start3A_96] : memref<640x16xf32, #tpu.memory_space<vmem>> -> memref<400x16xf32, #tpu.memory_space<vmem>>
          %dma_start3A_98 = arith.constant 0 : i32
          %dma_start3A_99 = tpu.memref_slice %arg14[%add3A_95, %dma_start3A_98] : memref<100000x16xf32, #tpu.memory_space<vmem_shared>> -> memref<400x16xf32, #tpu.memory_space<vmem_shared>>
          %dma_start3A_100 = arith.constant 0 : i32
          %dma_start3A_101 = tpu.memref_slice %arg14[%add3A_95, %dma_start3A_100] : memref<100000x16xf32, #tpu.memory_space<vmem_shared>> -> memref<400x16xf32, #tpu.memory_space<vmem_shared>>
          %dma_start3A_102 = arith.constant 0 : i32
          %dma_start3A_103 = arith.constant 0 : i32
          %dma_start3A_104 = tpu.memref_slice %arg12[%dma_start3A_102, %dma_start3A_103] : memref<640x16xf32, #tpu.memory_space<vmem>> -> memref<400x16xf32, #tpu.memory_space<vmem>>
          tpu.enqueue_dma source(%dma_start3A_104 : memref<400x16xf32, #tpu.memory_space<vmem>>) target(%dma_start3A_101 : memref<400x16xf32, #tpu.memory_space<vmem_shared>>) target_semaphore(%run_scoped3A : memref<!tpu.dma_semaphore, #tpu.memory_space<semaphore_mem>>)
          %dma_wait3A = arith.constant 0 : i32
          %dma_wait3A_105 = arith.constant 0 : i32
          %dma_wait3A_106 = tpu.memref_slice %arg12[%dma_wait3A, %dma_wait3A_105] : memref<640x16xf32, #tpu.memory_space<vmem>> -> memref<400x16xf32, #tpu.memory_space<vmem>>
          %dma_wait3A_107 = arith.constant 0 : i32
          %dma_wait3A_108 = tpu.memref_slice %arg14[%add3A_95, %dma_wait3A_107] : memref<100000x16xf32, #tpu.memory_space<vmem_shared>> -> memref<400x16xf32, #tpu.memory_space<vmem_shared>>
          %dma_wait3A_109 = arith.constant 0 : i32
          %dma_wait3A_110 = tpu.memref_slice %arg14[%add3A_95, %dma_wait3A_109] : memref<100000x16xf32, #tpu.memory_space<vmem_shared>> -> memref<400x16xf32, #tpu.memory_space<vmem_shared>>
          %dma_wait3A_111 = arith.constant 0 : i32
          %dma_wait3A_112 = arith.constant 0 : i32
          %dma_wait3A_113 = tpu.memref_slice %arg12[%dma_wait3A_111, %dma_wait3A_112] : memref<640x16xf32, #tpu.memory_space<vmem>> -> memref<400x16xf32, #tpu.memory_space<vmem>>
          tpu.wait_dma2 semaphore(%run_scoped3A : memref<!tpu.dma_semaphore, #tpu.memory_space<semaphore_mem>>) src(%dma_wait3A_113 : memref<400x16xf32, #tpu.memory_space<vmem>>) dst(%dma_wait3A_110 : memref<400x16xf32, #tpu.memory_space<vmem_shared>>)
          tpu.yield
        }) : () -> ()
      }
      %scan3A_91 = arith.constant 10 : i32
    } else {
    }
    %barrier3A_66 = arith.constant 0 : index
    tpu.barrier barrier_id(%barrier3A_66)
    %while3A_67 = arith.constant 0 : i32
    %while3A_68 = arith.subi %select_n3A, %while3A_67 : i32
    %while3A_69 = arith.addi %while3A_67, %while3A_68 : i32
    %while3A_70 = arith.constant 1 : i32
    %while3A_71 = arith.divsi %while3A_68, %while3A_70 : i32
    %while3A_72 = arith.muli %while3A_71, %while3A_70 : i32
    %while3A_73 = arith.addi %while3A_67, %while3A_72 : i32
    %while3A_74 = arith.constant 1 : i32
    scf.for %while3A_87 = %while3A_67 to %while3A_73 step %while3A_74  : i32 {
      %mul3A_88 = arith.constant 16 : i32
      %mul3A_89 = arith.muli %while3A_87, %mul3A_88 : i32
      %add3A_90 = arith.addi %arg1, %mul3A_89 : i32
      %mul3A_91 = arith.constant 640 : i32
      %mul3A_92 = arith.muli %add3A_90, %mul3A_91 : i32
      %run_scoped3A = arith.constant 0 : i32
      "tpu.region"() ({
        %run_scoped3A_110 = tpu.sem_alloc : memref<!tpu.dma_semaphore, #tpu.memory_space<semaphore_mem>>
        %dma_start3A_111 = tpu.memref_slice %arg7[%run_scoped3A, %mul3A_92] : memref<2x1600000xi32, #tpu.memory_space<hbm>> -> memref<1x640xi32, #tpu.memory_space<hbm>>
        %dma_start3A_112 = tpu.memref_squeeze %dma_start3A_111 : memref<1x640xi32, #tpu.memory_space<hbm>> -> memref<640xi32, #tpu.memory_space<hbm>>
        %dma_start3A_113 = tpu.memref_slice %arg7[%run_scoped3A, %mul3A_92] : memref<2x1600000xi32, #tpu.memory_space<hbm>> -> memref<1x640xi32, #tpu.memory_space<hbm>>
        %dma_start3A_114 = tpu.memref_squeeze %dma_start3A_113 : memref<1x640xi32, #tpu.memory_space<hbm>> -> memref<640xi32, #tpu.memory_space<hbm>>
        tpu.enqueue_dma source(%dma_start3A_114 : memref<640xi32, #tpu.memory_space<hbm>>) target(%arg10 : memref<640xi32, #tpu.memory_space<vmem>>) target_semaphore(%run_scoped3A_110 : memref<!tpu.dma_semaphore, #tpu.memory_space<semaphore_mem>>)
        %dma_wait3A_115 = tpu.memref_slice %arg7[%run_scoped3A, %mul3A_92] : memref<2x1600000xi32, #tpu.memory_space<hbm>> -> memref<1x640xi32, #tpu.memory_space<hbm>>
        %dma_wait3A_116 = tpu.memref_squeeze %dma_wait3A_115 : memref<1x640xi32, #tpu.memory_space<hbm>> -> memref<640xi32, #tpu.memory_space<hbm>>
        %dma_wait3A_117 = tpu.memref_slice %arg7[%run_scoped3A, %mul3A_92] : memref<2x1600000xi32, #tpu.memory_space<hbm>> -> memref<1x640xi32, #tpu.memory_space<hbm>>
        %dma_wait3A_118 = tpu.memref_squeeze %dma_wait3A_117 : memref<1x640xi32, #tpu.memory_space<hbm>> -> memref<640xi32, #tpu.memory_space<hbm>>
        tpu.wait_dma2 semaphore(%run_scoped3A_110 : memref<!tpu.dma_semaphore, #tpu.memory_space<semaphore_mem>>) src(%dma_wait3A_118 : memref<640xi32, #tpu.memory_space<hbm>>) dst(%arg10 : memref<640xi32, #tpu.memory_space<vmem>>)
        tpu.yield
      }) : () -> ()
      %run_scoped3A_93 = arith.constant 1 : i32
      "tpu.region"() ({
        %run_scoped3A_110 = tpu.sem_alloc : memref<!tpu.dma_semaphore, #tpu.memory_space<semaphore_mem>>
        %dma_start3A_111 = tpu.memref_slice %arg7[%run_scoped3A_93, %mul3A_92] : memref<2x1600000xi32, #tpu.memory_space<hbm>> -> memref<1x640xi32, #tpu.memory_space<hbm>>
        %dma_start3A_112 = tpu.memref_squeeze %dma_start3A_111 : memref<1x640xi32, #tpu.memory_space<hbm>> -> memref<640xi32, #tpu.memory_space<hbm>>
        %dma_start3A_113 = tpu.memref_slice %arg7[%run_scoped3A_93, %mul3A_92] : memref<2x1600000xi32, #tpu.memory_space<hbm>> -> memref<1x640xi32, #tpu.memory_space<hbm>>
        %dma_start3A_114 = tpu.memref_squeeze %dma_start3A_113 : memref<1x640xi32, #tpu.memory_space<hbm>> -> memref<640xi32, #tpu.memory_space<hbm>>
        tpu.enqueue_dma source(%dma_start3A_114 : memref<640xi32, #tpu.memory_space<hbm>>) target(%arg11 : memref<640xi32, #tpu.memory_space<vmem>>) target_semaphore(%run_scoped3A_110 : memref<!tpu.dma_semaphore, #tpu.memory_space<semaphore_mem>>)
        %dma_wait3A_115 = tpu.memref_slice %arg7[%run_scoped3A_93, %mul3A_92] : memref<2x1600000xi32, #tpu.memory_space<hbm>> -> memref<1x640xi32, #tpu.memory_space<hbm>>
        %dma_wait3A_116 = tpu.memref_squeeze %dma_wait3A_115 : memref<1x640xi32, #tpu.memory_space<hbm>> -> memref<640xi32, #tpu.memory_space<hbm>>
        %dma_wait3A_117 = tpu.memref_slice %arg7[%run_scoped3A_93, %mul3A_92] : memref<2x1600000xi32, #tpu.memory_space<hbm>> -> memref<1x640xi32, #tpu.memory_space<hbm>>
        %dma_wait3A_118 = tpu.memref_squeeze %dma_wait3A_117 : memref<1x640xi32, #tpu.memory_space<hbm>> -> memref<640xi32, #tpu.memory_space<hbm>>
        tpu.wait_dma2 semaphore(%run_scoped3A_110 : memref<!tpu.dma_semaphore, #tpu.memory_space<semaphore_mem>>) src(%dma_wait3A_118 : memref<640xi32, #tpu.memory_space<hbm>>) dst(%arg11 : memref<640xi32, #tpu.memory_space<vmem>>)
        tpu.yield
      }) : () -> ()
      %mul3A_94 = arith.constant 16 : i32
      %mul3A_95 = arith.muli %arg0, %mul3A_94 : i32
      "tpu.region"() ({
        %run_scoped3A_110 = tpu.sem_alloc : memref<!tpu.dma_semaphore, #tpu.memory_space<semaphore_mem>>
        %dma_start3A_111 = tpu.memref_slice %arg5[%mul3A_92, %mul3A_95] : memref<1600000x32xf32, #tpu.memory_space<hbm>> -> memref<640x16xf32, #tpu.memory_space<hbm>>
        %dma_start3A_112 = tpu.memref_slice %arg5[%mul3A_92, %mul3A_95] : memref<1600000x32xf32, #tpu.memory_space<hbm>> -> memref<640x16xf32, #tpu.memory_space<hbm>>
        tpu.enqueue_dma source(%dma_start3A_112 : memref<640x16xf32, #tpu.memory_space<hbm>>) target(%arg12 : memref<640x16xf32, #tpu.memory_space<vmem>>) target_semaphore(%run_scoped3A_110 : memref<!tpu.dma_semaphore, #tpu.memory_space<semaphore_mem>>)
        %dma_wait3A_113 = tpu.memref_slice %arg5[%mul3A_92, %mul3A_95] : memref<1600000x32xf32, #tpu.memory_space<hbm>> -> memref<640x16xf32, #tpu.memory_space<hbm>>
        %dma_wait3A_114 = tpu.memref_slice %arg5[%mul3A_92, %mul3A_95] : memref<1600000x32xf32, #tpu.memory_space<hbm>> -> memref<640x16xf32, #tpu.memory_space<hbm>>
        tpu.wait_dma2 semaphore(%run_scoped3A_110 : memref<!tpu.dma_semaphore, #tpu.memory_space<semaphore_mem>>) src(%dma_wait3A_114 : memref<640x16xf32, #tpu.memory_space<hbm>>) dst(%arg12 : memref<640x16xf32, #tpu.memory_space<vmem>>)
        tpu.yield
      }) : () -> ()
      %dma_start3A = arith.constant 0 : i32
      %dma_start3A_96 = arith.constant 0 : i32
      %dma_start3A_97 = tpu.memref_slice %arg6[%arg0, %dma_start3A, %dma_start3A_96] : memref<2x100000x16xf32, #tpu.memory_space<hbm>> -> memref<1x100000x16xf32, #tpu.memory_space<hbm>>
      %dma_start3A_98 = tpu.memref_squeeze %dma_start3A_97 : memref<1x100000x16xf32, #tpu.memory_space<hbm>> -> memref<100000x16xf32, #tpu.memory_space<hbm>>
      %dma_start3A_99 = arith.constant 0 : i32
      %dma_start3A_100 = arith.constant 0 : i32
      %dma_start3A_101 = tpu.memref_slice %dma_start3A_98[%dma_start3A_99, %dma_start3A_100] : memref<100000x16xf32, #tpu.memory_space<hbm>> -> memref<100000x16xf32, #tpu.memory_space<hbm>>
      tpu.enqueue_indirect_dma source(%dma_start3A_101 : memref<100000x16xf32, #tpu.memory_space<hbm>>) target(%arg13 : memref<640x16xf32, #tpu.memory_space<vmem>>) offsets(%arg10 : memref<640xi32, #tpu.memory_space<vmem>>) semaphore(%arg15 : memref<!tpu.dma_semaphore, #tpu.memory_space<semaphore_mem>>)
      %dma_wait3A = arith.constant 0 : i32
      %dma_wait3A_102 = arith.constant 0 : i32
      %dma_wait3A_103 = tpu.memref_slice %arg6[%arg0, %dma_wait3A, %dma_wait3A_102] : memref<2x100000x16xf32, #tpu.memory_space<hbm>> -> memref<1x100000x16xf32, #tpu.memory_space<hbm>>
      %dma_wait3A_104 = tpu.memref_squeeze %dma_wait3A_103 : memref<1x100000x16xf32, #tpu.memory_space<hbm>> -> memref<100000x16xf32, #tpu.memory_space<hbm>>
      %dma_wait3A_105 = arith.constant 0 : i32
      %dma_wait3A_106 = arith.constant 0 : i32
      %dma_wait3A_107 = tpu.memref_slice %dma_wait3A_104[%dma_wait3A_105, %dma_wait3A_106] : memref<100000x16xf32, #tpu.memory_space<hbm>> -> memref<100000x16xf32, #tpu.memory_space<hbm>>
      tpu.wait_indirect_dma semaphore(%arg15 : memref<!tpu.dma_semaphore, #tpu.memory_space<semaphore_mem>>) src(%dma_wait3A_107 : memref<100000x16xf32, #tpu.memory_space<hbm>>) dst(%arg13 : memref<640x16xf32, #tpu.memory_space<vmem>>)
      %parallel_loop3A = arith.constant 0 : i32
      %parallel_loop3A_108 = arith.constant 640 : i32
      %parallel_loop3A_109 = arith.constant 1 : i32
      scf.for %parallel_loop3A_110 = %parallel_loop3A to %parallel_loop3A_108 step %parallel_loop3A_109  : i32 {
        %parallel_loop3A_111 = arith.index_cast %parallel_loop3A_110 : i32 to index
        %parallel_loop3A_112 = arith.constant 0 : index
        %parallel_loop3A_113 = tpu.vector_load %arg12[%parallel_loop3A_111, %parallel_loop3A_112] {strides = array<i32>} : memref<640x16xf32, #tpu.memory_space<vmem>>, vector<1x16xf32>,
        %parallel_loop3A_114 = vector.shape_cast %parallel_loop3A_113 : vector<1x16xf32> to vector<16xf32>
        %parallel_loop3A_115 = arith.index_cast %parallel_loop3A_110 : i32 to index
        %parallel_loop3A_116 = arith.constant 0 : index
        %parallel_loop3A_117 = tpu.vector_load %arg13[%parallel_loop3A_115, %parallel_loop3A_116] {strides = array<i32>} : memref<640x16xf32, #tpu.memory_space<vmem>>, vector<1x16xf32>,
        %parallel_loop3A_118 = vector.shape_cast %parallel_loop3A_117 : vector<1x16xf32> to vector<16xf32>
        %parallel_loop3A_119 = arith.mulf %parallel_loop3A_114, %parallel_loop3A_118 : vector<16xf32>
        %parallel_loop3A_120 = arith.index_cast %parallel_loop3A_110 : i32 to index
        %parallel_loop3A_121 = arith.constant 0 : index
        %parallel_loop3A_122 = tpu.vector_load %arg12[%parallel_loop3A_120, %parallel_loop3A_121] {strides = array<i32>} : memref<640x16xf32, #tpu.memory_space<vmem>>, vector<1x16xf32>,
        %parallel_loop3A_123 = vector.shape_cast %parallel_loop3A_122 : vector<1x16xf32> to vector<16xf32>
        %parallel_loop3A_124 = vector.shape_cast %parallel_loop3A_119 : vector<16xf32> to vector<1x16xf32>
        tpu.vector_store %arg12[%parallel_loop3A_120, %parallel_loop3A_121], %parallel_loop3A_124 {strides = array<i32>} : memref<640x16xf32, #tpu.memory_space<vmem>>, vector<1x16xf32>,
      } {sc.loop_unroll_factor = 8 : i64, sc.parallel_access}
      "tpu.region"() ({
        %run_scoped3A_110 = tpu.sem_alloc : memref<!tpu.dma_semaphore, #tpu.memory_space<semaphore_mem>>
        %dma_start3A_111 = arith.constant 0 : i32
        %dma_start3A_112 = arith.constant 0 : i32
        %dma_start3A_113 = tpu.memref_slice %arg14[%dma_start3A_111, %dma_start3A_112] : memref<100000x16xf32, #tpu.memory_space<vmem_shared>> -> memref<100000x16xf32, #tpu.memory_space<vmem_shared>>
        tpu.enqueue_indirect_dma source(%arg12 : memref<640x16xf32, #tpu.memory_space<vmem>>) target(%dma_start3A_113 : memref<100000x16xf32, #tpu.memory_space<vmem_shared>>) offsets(%arg11 : memref<640xi32, #tpu.memory_space<vmem>>) semaphore(%run_scoped3A_110 : memref<!tpu.dma_semaphore, #tpu.memory_space<semaphore_mem>>) {add = true}
        %dma_wait3A_114 = arith.constant 0 : i32
        %dma_wait3A_115 = arith.constant 0 : i32
        %dma_wait3A_116 = tpu.memref_slice %arg14[%dma_wait3A_114, %dma_wait3A_115] : memref<100000x16xf32, #tpu.memory_space<vmem_shared>> -> memref<100000x16xf32, #tpu.memory_space<vmem_shared>>
        tpu.wait_indirect_dma semaphore(%run_scoped3A_110 : memref<!tpu.dma_semaphore, #tpu.memory_space<semaphore_mem>>) src(%arg12 : memref<640x16xf32, #tpu.memory_space<vmem>>) dst(%dma_wait3A_116 : memref<100000x16xf32, #tpu.memory_space<vmem_shared>>)
        tpu.yield
      }) : () -> ()
    }
    %while3A_75 = arith.constant 1 : i32
    scf.for %while3A_87 = %while3A_73 to %while3A_69 step %while3A_75  : i32 {
      %mul3A_88 = arith.constant 16 : i32
      %mul3A_89 = arith.muli %while3A_87, %mul3A_88 : i32
      %add3A_90 = arith.addi %arg1, %mul3A_89 : i32
      %mul3A_91 = arith.constant 640 : i32
      %mul3A_92 = arith.muli %add3A_90, %mul3A_91 : i32
      %run_scoped3A = arith.constant 0 : i32
      "tpu.region"() ({
        %run_scoped3A_110 = tpu.sem_alloc : memref<!tpu.dma_semaphore, #tpu.memory_space<semaphore_mem>>
        %dma_start3A_111 = tpu.memref_slice %arg7[%run_scoped3A, %mul3A_92] : memref<2x1600000xi32, #tpu.memory_space<hbm>> -> memref<1x640xi32, #tpu.memory_space<hbm>>
        %dma_start3A_112 = tpu.memref_squeeze %dma_start3A_111 : memref<1x640xi32, #tpu.memory_space<hbm>> -> memref<640xi32, #tpu.memory_space<hbm>>
        %dma_start3A_113 = tpu.memref_slice %arg7[%run_scoped3A, %mul3A_92] : memref<2x1600000xi32, #tpu.memory_space<hbm>> -> memref<1x640xi32, #tpu.memory_space<hbm>>
        %dma_start3A_114 = tpu.memref_squeeze %dma_start3A_113 : memref<1x640xi32, #tpu.memory_space<hbm>> -> memref<640xi32, #tpu.memory_space<hbm>>
        tpu.enqueue_dma source(%dma_start3A_114 : memref<640xi32, #tpu.memory_space<hbm>>) target(%arg10 : memref<640xi32, #tpu.memory_space<vmem>>) target_semaphore(%run_scoped3A_110 : memref<!tpu.dma_semaphore, #tpu.memory_space<semaphore_mem>>)
        %dma_wait3A_115 = tpu.memref_slice %arg7[%run_scoped3A, %mul3A_92] : memref<2x1600000xi32, #tpu.memory_space<hbm>> -> memref<1x640xi32, #tpu.memory_space<hbm>>
        %dma_wait3A_116 = tpu.memref_squeeze %dma_wait3A_115 : memref<1x640xi32, #tpu.memory_space<hbm>> -> memref<640xi32, #tpu.memory_space<hbm>>
        %dma_wait3A_117 = tpu.memref_slice %arg7[%run_scoped3A, %mul3A_92] : memref<2x1600000xi32, #tpu.memory_space<hbm>> -> memref<1x640xi32, #tpu.memory_space<hbm>>
        %dma_wait3A_118 = tpu.memref_squeeze %dma_wait3A_117 : memref<1x640xi32, #tpu.memory_space<hbm>> -> memref<640xi32, #tpu.memory_space<hbm>>
        tpu.wait_dma2 semaphore(%run_scoped3A_110 : memref<!tpu.dma_semaphore, #tpu.memory_space<semaphore_mem>>) src(%dma_wait3A_118 : memref<640xi32, #tpu.memory_space<hbm>>) dst(%arg10 : memref<640xi32, #tpu.memory_space<vmem>>)
        tpu.yield
      }) : () -> ()
      %run_scoped3A_93 = arith.constant 1 : i32
      "tpu.region"() ({
        %run_scoped3A_110 = tpu.sem_alloc : memref<!tpu.dma_semaphore, #tpu.memory_space<semaphore_mem>>
        %dma_start3A_111 = tpu.memref_slice %arg7[%run_scoped3A_93, %mul3A_92] : memref<2x1600000xi32, #tpu.memory_space<hbm>> -> memref<1x640xi32, #tpu.memory_space<hbm>>
        %dma_start3A_112 = tpu.memref_squeeze %dma_start3A_111 : memref<1x640xi32, #tpu.memory_space<hbm>> -> memref<640xi32, #tpu.memory_space<hbm>>
        %dma_start3A_113 = tpu.memref_slice %arg7[%run_scoped3A_93, %mul3A_92] : memref<2x1600000xi32, #tpu.memory_space<hbm>> -> memref<1x640xi32, #tpu.memory_space<hbm>>
        %dma_start3A_114 = tpu.memref_squeeze %dma_start3A_113 : memref<1x640xi32, #tpu.memory_space<hbm>> -> memref<640xi32, #tpu.memory_space<hbm>>
        tpu.enqueue_dma source(%dma_start3A_114 : memref<640xi32, #tpu.memory_space<hbm>>) target(%arg11 : memref<640xi32, #tpu.memory_space<vmem>>) target_semaphore(%run_scoped3A_110 : memref<!tpu.dma_semaphore, #tpu.memory_space<semaphore_mem>>)
        %dma_wait3A_115 = tpu.memref_slice %arg7[%run_scoped3A_93, %mul3A_92] : memref<2x1600000xi32, #tpu.memory_space<hbm>> -> memref<1x640xi32, #tpu.memory_space<hbm>>
        %dma_wait3A_116 = tpu.memref_squeeze %dma_wait3A_115 : memref<1x640xi32, #tpu.memory_space<hbm>> -> memref<640xi32, #tpu.memory_space<hbm>>
        %dma_wait3A_117 = tpu.memref_slice %arg7[%run_scoped3A_93, %mul3A_92] : memref<2x1600000xi32, #tpu.memory_space<hbm>> -> memref<1x640xi32, #tpu.memory_space<hbm>>
        %dma_wait3A_118 = tpu.memref_squeeze %dma_wait3A_117 : memref<1x640xi32, #tpu.memory_space<hbm>> -> memref<640xi32, #tpu.memory_space<hbm>>
        tpu.wait_dma2 semaphore(%run_scoped3A_110 : memref<!tpu.dma_semaphore, #tpu.memory_space<semaphore_mem>>) src(%dma_wait3A_118 : memref<640xi32, #tpu.memory_space<hbm>>) dst(%arg11 : memref<640xi32, #tpu.memory_space<vmem>>)
        tpu.yield
      }) : () -> ()
      %mul3A_94 = arith.constant 16 : i32
      %mul3A_95 = arith.muli %arg0, %mul3A_94 : i32
      "tpu.region"() ({
        %run_scoped3A_110 = tpu.sem_alloc : memref<!tpu.dma_semaphore, #tpu.memory_space<semaphore_mem>>
        %dma_start3A_111 = tpu.memref_slice %arg5[%mul3A_92, %mul3A_95] : memref<1600000x32xf32, #tpu.memory_space<hbm>> -> memref<640x16xf32, #tpu.memory_space<hbm>>
        %dma_start3A_112 = tpu.memref_slice %arg5[%mul3A_92, %mul3A_95] : memref<1600000x32xf32, #tpu.memory_space<hbm>> -> memref<640x16xf32, #tpu.memory_space<hbm>>
        tpu.enqueue_dma source(%dma_start3A_112 : memref<640x16xf32, #tpu.memory_space<hbm>>) target(%arg12 : memref<640x16xf32, #tpu.memory_space<vmem>>) target_semaphore(%run_scoped3A_110 : memref<!tpu.dma_semaphore, #tpu.memory_space<semaphore_mem>>)
        %dma_wait3A_113 = tpu.memref_slice %arg5[%mul3A_92, %mul3A_95] : memref<1600000x32xf32, #tpu.memory_space<hbm>> -> memref<640x16xf32, #tpu.memory_space<hbm>>
        %dma_wait3A_114 = tpu.memref_slice %arg5[%mul3A_92, %mul3A_95] : memref<1600000x32xf32, #tpu.memory_space<hbm>> -> memref<640x16xf32, #tpu.memory_space<hbm>>
        tpu.wait_dma2 semaphore(%run_scoped3A_110 : memref<!tpu.dma_semaphore, #tpu.memory_space<semaphore_mem>>) src(%dma_wait3A_114 : memref<640x16xf32, #tpu.memory_space<hbm>>) dst(%arg12 : memref<640x16xf32, #tpu.memory_space<vmem>>)
        tpu.yield
      }) : () -> ()
      %dma_start3A = arith.constant 0 : i32
      %dma_start3A_96 = arith.constant 0 : i32
      %dma_start3A_97 = tpu.memref_slice %arg6[%arg0, %dma_start3A, %dma_start3A_96] : memref<2x100000x16xf32, #tpu.memory_space<hbm>> -> memref<1x100000x16xf32, #tpu.memory_space<hbm>>
      %dma_start3A_98 = tpu.memref_squeeze %dma_start3A_97 : memref<1x100000x16xf32, #tpu.memory_space<hbm>> -> memref<100000x16xf32, #tpu.memory_space<hbm>>
      %dma_start3A_99 = arith.constant 0 : i32
      %dma_start3A_100 = arith.constant 0 : i32
      %dma_start3A_101 = tpu.memref_slice %dma_start3A_98[%dma_start3A_99, %dma_start3A_100] : memref<100000x16xf32, #tpu.memory_space<hbm>> -> memref<100000x16xf32, #tpu.memory_space<hbm>>
      tpu.enqueue_indirect_dma source(%dma_start3A_101 : memref<100000x16xf32, #tpu.memory_space<hbm>>) target(%arg13 : memref<640x16xf32, #tpu.memory_space<vmem>>) offsets(%arg10 : memref<640xi32, #tpu.memory_space<vmem>>) semaphore(%arg15 : memref<!tpu.dma_semaphore, #tpu.memory_space<semaphore_mem>>)
      %dma_wait3A = arith.constant 0 : i32
      %dma_wait3A_102 = arith.constant 0 : i32
      %dma_wait3A_103 = tpu.memref_slice %arg6[%arg0, %dma_wait3A, %dma_wait3A_102] : memref<2x100000x16xf32, #tpu.memory_space<hbm>> -> memref<1x100000x16xf32, #tpu.memory_space<hbm>>
      %dma_wait3A_104 = tpu.memref_squeeze %dma_wait3A_103 : memref<1x100000x16xf32, #tpu.memory_space<hbm>> -> memref<100000x16xf32, #tpu.memory_space<hbm>>
      %dma_wait3A_105 = arith.constant 0 : i32
      %dma_wait3A_106 = arith.constant 0 : i32
      %dma_wait3A_107 = tpu.memref_slice %dma_wait3A_104[%dma_wait3A_105, %dma_wait3A_106] : memref<100000x16xf32, #tpu.memory_space<hbm>> -> memref<100000x16xf32, #tpu.memory_space<hbm>>
      tpu.wait_indirect_dma semaphore(%arg15 : memref<!tpu.dma_semaphore, #tpu.memory_space<semaphore_mem>>) src(%dma_wait3A_107 : memref<100000x16xf32, #tpu.memory_space<hbm>>) dst(%arg13 : memref<640x16xf32, #tpu.memory_space<vmem>>)
      %parallel_loop3A = arith.constant 0 : i32
      %parallel_loop3A_108 = arith.constant 640 : i32
      %parallel_loop3A_109 = arith.constant 1 : i32
      scf.for %parallel_loop3A_110 = %parallel_loop3A to %parallel_loop3A_108 step %parallel_loop3A_109  : i32 {
        %parallel_loop3A_111 = arith.index_cast %parallel_loop3A_110 : i32 to index
        %parallel_loop3A_112 = arith.constant 0 : index
        %parallel_loop3A_113 = tpu.vector_load %arg12[%parallel_loop3A_111, %parallel_loop3A_112] {strides = array<i32>} : memref<640x16xf32, #tpu.memory_space<vmem>>, vector<1x16xf32>,
        %parallel_loop3A_114 = vector.shape_cast %parallel_loop3A_113 : vector<1x16xf32> to vector<16xf32>
        %parallel_loop3A_115 = arith.index_cast %parallel_loop3A_110 : i32 to index
        %parallel_loop3A_116 = arith.constant 0 : index
        %parallel_loop3A_117 = tpu.vector_load %arg13[%parallel_loop3A_115, %parallel_loop3A_116] {strides = array<i32>} : memref<640x16xf32, #tpu.memory_space<vmem>>, vector<1x16xf32>,
        %parallel_loop3A_118 = vector.shape_cast %parallel_loop3A_117 : vector<1x16xf32> to vector<16xf32>
        %parallel_loop3A_119 = arith.mulf %parallel_loop3A_114, %parallel_loop3A_118 : vector<16xf32>
        %parallel_loop3A_120 = arith.index_cast %parallel_loop3A_110 : i32 to index
        %parallel_loop3A_121 = arith.constant 0 : index
        %parallel_loop3A_122 = tpu.vector_load %arg12[%parallel_loop3A_120, %parallel_loop3A_121] {strides = array<i32>} : memref<640x16xf32, #tpu.memory_space<vmem>>, vector<1x16xf32>,
        %parallel_loop3A_123 = vector.shape_cast %parallel_loop3A_122 : vector<1x16xf32> to vector<16xf32>
        %parallel_loop3A_124 = vector.shape_cast %parallel_loop3A_119 : vector<16xf32> to vector<1x16xf32>
        tpu.vector_store %arg12[%parallel_loop3A_120, %parallel_loop3A_121], %parallel_loop3A_124 {strides = array<i32>} : memref<640x16xf32, #tpu.memory_space<vmem>>, vector<1x16xf32>,
      } {sc.loop_unroll_factor = 8 : i64, sc.parallel_access}
      "tpu.region"() ({
        %run_scoped3A_110 = tpu.sem_alloc : memref<!tpu.dma_semaphore, #tpu.memory_space<semaphore_mem>>
        %dma_start3A_111 = arith.constant 0 : i32
        %dma_start3A_112 = arith.constant 0 : i32
        %dma_start3A_113 = tpu.memref_slice %arg14[%dma_start3A_111, %dma_start3A_112] : memref<100000x16xf32, #tpu.memory_space<vmem_shared>> -> memref<100000x16xf32, #tpu.memory_space<vmem_shared>>
        tpu.enqueue_indirect_dma source(%arg12 : memref<640x16xf32, #tpu.memory_space<vmem>>) target(%dma_start3A_113 : memref<100000x16xf32, #tpu.memory_space<vmem_shared>>) offsets(%arg11 : memref<640xi32, #tpu.memory_space<vmem>>) semaphore(%run_scoped3A_110 : memref<!tpu.dma_semaphore, #tpu.memory_space<semaphore_mem>>) {add = true}
        %dma_wait3A_114 = arith.constant 0 : i32
        %dma_wait3A_115 = arith.constant 0 : i32
        %dma_wait3A_116 = tpu.memref_slice %arg14[%dma_wait3A_114, %dma_wait3A_115] : memref<100000x16xf32, #tpu.memory_space<vmem_shared>> -> memref<100000x16xf32, #tpu.memory_space<vmem_shared>>
        tpu.wait_indirect_dma semaphore(%run_scoped3A_110 : memref<!tpu.dma_semaphore, #tpu.memory_space<semaphore_mem>>) src(%arg12 : memref<640x16xf32, #tpu.memory_space<vmem>>) dst(%dma_wait3A_116 : memref<100000x16xf32, #tpu.memory_space<vmem_shared>>)
        tpu.yield
      }) : () -> ()
    }
    %barrier3A_76 = arith.constant 0 : index
    tpu.barrier barrier_id(%barrier3A_76)
    %lt3A_77 = arith.constant 15 : i32
    %lt3A_78 = arith.cmpi slt, %arg1, %lt3A_77 : i32
    %convert_element_type3A_79 = arith.extui %lt3A_78 : i1 to i32
    %cond3A_80 = arith.constant 0 : i32
    %cond3A_81 = arith.cmpi ne, %convert_element_type3A_79, %cond3A_80 : i32
    scf.if %cond3A_81 {
      "tpu.region"() ({
        %run_scoped3A = tpu.sem_alloc : memref<!tpu.dma_semaphore, #tpu.memory_space<semaphore_mem>>
        %dma_start3A = arith.constant 0 : i32
        %dma_start3A_87 = tpu.memref_slice %arg9[%arg0, %mul3A_0, %dma_start3A] : memref<2x100000x16xf32, #tpu.memory_space<hbm>> -> memref<1x6400x16xf32, #tpu.memory_space<hbm>>
        %dma_start3A_88 = tpu.memref_squeeze %dma_start3A_87 : memref<1x6400x16xf32, #tpu.memory_space<hbm>> -> memref<6400x16xf32, #tpu.memory_space<hbm>>
        %dma_start3A_89 = arith.constant 0 : i32
        %dma_start3A_90 = tpu.memref_slice %arg14[%mul3A_0, %dma_start3A_89] : memref<100000x16xf32, #tpu.memory_space<vmem_shared>> -> memref<6400x16xf32, #tpu.memory_space<vmem_shared>>
        tpu.enqueue_dma source(%dma_start3A_90 : memref<6400x16xf32, #tpu.memory_space<vmem_shared>>) target(%dma_start3A_88 : memref<6400x16xf32, #tpu.memory_space<hbm>>) target_semaphore(%run_scoped3A : memref<!tpu.dma_semaphore, #tpu.memory_space<semaphore_mem>>)
        %dma_wait3A = arith.constant 0 : i32
        %dma_wait3A_91 = tpu.memref_slice %arg9[%arg0, %mul3A_0, %dma_wait3A] : memref<2x100000x16xf32, #tpu.memory_space<hbm>> -> memref<1x6400x16xf32, #tpu.memory_space<hbm>>
        %dma_wait3A_92 = tpu.memref_squeeze %dma_wait3A_91 : memref<1x6400x16xf32, #tpu.memory_space<hbm>> -> memref<6400x16xf32, #tpu.memory_space<hbm>>
        %dma_wait3A_93 = arith.constant 0 : i32
        %dma_wait3A_94 = tpu.memref_slice %arg14[%mul3A_0, %dma_wait3A_93] : memref<100000x16xf32, #tpu.memory_space<vmem_shared>> -> memref<6400x16xf32, #tpu.memory_space<vmem_shared>>
        tpu.wait_dma2 semaphore(%run_scoped3A : memref<!tpu.dma_semaphore, #tpu.memory_space<semaphore_mem>>) src(%dma_wait3A_94 : memref<6400x16xf32, #tpu.memory_space<vmem_shared>>) dst(%dma_wait3A_92 : memref<6400x16xf32, #tpu.memory_space<hbm>>)
        tpu.yield
      }) : () -> ()
    } else {
    }
    %eq3A_82 = arith.constant 15 : i32
    %eq3A_83 = arith.cmpi eq, %arg1, %eq3A_82 : i32
    %convert_element_type3A_84 = arith.extui %eq3A_83 : i1 to i32
    %cond3A_85 = arith.constant 0 : i32
    %cond3A_86 = arith.cmpi ne, %convert_element_type3A_84, %cond3A_85 : i32
    scf.if %cond3A_86 {
      "tpu.region"() ({
        %run_scoped3A = tpu.sem_alloc : memref<!tpu.dma_semaphore, #tpu.memory_space<semaphore_mem>>
        %dma_start3A = arith.constant 0 : i32
        %dma_start3A_87 = tpu.memref_slice %arg9[%arg0, %mul3A_0, %dma_start3A] : memref<2x100000x16xf32, #tpu.memory_space<hbm>> -> memref<1x4000x16xf32, #tpu.memory_space<hbm>>
        %dma_start3A_88 = tpu.memref_squeeze %dma_start3A_87 : memref<1x4000x16xf32, #tpu.memory_space<hbm>> -> memref<4000x16xf32, #tpu.memory_space<hbm>>
        %dma_start3A_89 = arith.constant 0 : i32
        %dma_start3A_90 = tpu.memref_slice %arg14[%mul3A_0, %dma_start3A_89] : memref<100000x16xf32, #tpu.memory_space<vmem_shared>> -> memref<4000x16xf32, #tpu.memory_space<vmem_shared>>
        tpu.enqueue_dma source(%dma_start3A_90 : memref<4000x16xf32, #tpu.memory_space<vmem_shared>>) target(%dma_start3A_88 : memref<4000x16xf32, #tpu.memory_space<hbm>>) target_semaphore(%run_scoped3A : memref<!tpu.dma_semaphore, #tpu.memory_space<semaphore_mem>>)
        %dma_wait3A = arith.constant 0 : i32
        %dma_wait3A_91 = tpu.memref_slice %arg9[%arg0, %mul3A_0, %dma_wait3A] : memref<2x100000x16xf32, #tpu.memory_space<hbm>> -> memref<1x4000x16xf32, #tpu.memory_space<hbm>>
        %dma_wait3A_92 = tpu.memref_squeeze %dma_wait3A_91 : memref<1x4000x16xf32, #tpu.memory_space<hbm>> -> memref<4000x16xf32, #tpu.memory_space<hbm>>
        %dma_wait3A_93 = arith.constant 0 : i32
        %dma_wait3A_94 = tpu.memref_slice %arg14[%mul3A_0, %dma_wait3A_93] : memref<100000x16xf32, #tpu.memory_space<vmem_shared>> -> memref<4000x16xf32, #tpu.memory_space<vmem_shared>>
        tpu.wait_dma2 semaphore(%run_scoped3A : memref<!tpu.dma_semaphore, #tpu.memory_space<semaphore_mem>>) src(%dma_wait3A_94 : memref<4000x16xf32, #tpu.memory_space<vmem_shared>>) dst(%dma_wait3A_92 : memref<4000x16xf32, #tpu.memory_space<hbm>>)
        tpu.yield
      }) : () -> ()
    } else {
    }
    return
  }
}

#map = affine_map<(d0, d1) -> (0, 0)>
#map1 = affine_map<(d0, d1) -> (0)>
module attributes {stable_mosaic.version = 14 : i64} {
  func.func @body(%arg0: i32, %arg1: i32, %arg2: memref<100000x2xf32, #tpu.memory_space<hbm>>, %arg3: memref<100000x2xf32, #tpu.memory_space<hbm>>, %arg4: memref<2x1600000xi32, #tpu.memory_space<hbm>>, %arg5: memref<2x1600000xi32, #tpu.memory_space<hbm>>, %arg6: memref<1600000x2xf32, #tpu.memory_space<hbm>>, %arg7: memref<1600000x2xf32, #tpu.memory_space<hbm>>, %arg8: memref<1600000x2xf32, #tpu.memory_space<hbm>>, %arg9: memref<1600000x2xf32, #tpu.memory_space<hbm>>, %arg10: memref<100000xf32, #tpu.memory_space<hbm>>, %arg11: memref<100000xf32, #tpu.memory_space<hbm>>, %arg12: memref<6400xi32, #tpu.memory_space<vmem>>, %arg13: memref<6400x2xf32, #tpu.memory_space<vmem>>, %arg14: memref<6400xf32, #tpu.memory_space<vmem>>, %arg15: memref<800xf32, #tpu.memory_space<vmem>>, %arg16: memref<100000xf32, #tpu.memory_space<vmem_shared>>, %arg17: memref<!tpu.dma_semaphore, #tpu.memory_space<semaphore_mem>>) attributes {dimension_semantics = [#tpu.dimension_semantics<core_parallel>, #tpu.dimension_semantics<subcore_parallel>], iteration_bounds = array<i64: 2, 16>, scalar_prefetch = 0 : i64, scratch_operands = 6 : i64, tpu.core_type = #tpu.core_type<sc_vector_subcore>, window_params = [{transform_indices = #map}, {transform_indices = #map}, {transform_indices = #map}, {transform_indices = #map}, {transform_indices = #map}, {transform_indices = #map}, {transform_indices = #map}, {transform_indices = #map}, {transform_indices = #map1}, {transform_indices = #map1}]} {
    %mul3A = arith.constant 16 : i32
    %mul3A_0 = arith.muli %arg0, %mul3A : i32
    %add3A = arith.addi %mul3A_0, %arg1 : i32
    %sub3A = arith.constant 250 : i32
    %sub3A_1 = arith.subi %sub3A, %add3A : i32
    %add3A_2 = arith.constant 32 : i32
    %add3A_3 = arith.addi %sub3A_1, %add3A_2 : i32
    %sub3A_4 = arith.constant 1 : i32
    %sub3A_5 = arith.subi %add3A_3, %sub3A_4 : i32
    %jit3A = arith.constant 32 : i32
    %div3A = arith.divsi %sub3A_5, %jit3A : i32
    %sign3A = arith.constant 0 : i32
    %sign3A_6 = arith.cmpi sgt, %sub3A_5, %sign3A : i32
    %sign3A_7 = arith.extui %sign3A_6 : i1 to i32
    %sign3A_8 = arith.constant 0 : i32
    %sign3A_9 = arith.cmpi slt, %sub3A_5, %sign3A_8 : i32
    %sign3A_10 = arith.extui %sign3A_9 : i1 to i32
    %sign3A_11 = arith.subi %sign3A_7, %sign3A_10 : i32
    %sign3A_12 = arith.constant 0 : i32
    %sign3A_13 = arith.cmpi sgt, %jit3A, %sign3A_12 : i32
    %sign3A_14 = arith.extui %sign3A_13 : i1 to i32
    %sign3A_15 = arith.constant 0 : i32
    %sign3A_16 = arith.cmpi slt, %jit3A, %sign3A_15 : i32
    %sign3A_17 = arith.extui %sign3A_16 : i1 to i32
    %sign3A_18 = arith.subi %sign3A_14, %sign3A_17 : i32
    %ne3A = arith.cmpi ne, %sign3A_11, %sign3A_18 : i32
    %rem3A = arith.remsi %sub3A_5, %jit3A : i32
    %ne3A_19 = arith.constant 0 : i32
    %ne3A_20 = arith.cmpi ne, %rem3A, %ne3A_19 : i32
    %and3A = arith.andi %ne3A, %ne3A_20 : i1
    %sub3A_21 = arith.constant 1 : i32
    %sub3A_22 = arith.subi %div3A, %sub3A_21 : i32
    %select_n3A = arith.select %and3A, %sub3A_22, %div3A : i32
    %scan3A = arith.constant 0 : i32
    %scan3A_23 = arith.constant 400 : i32
    %scan3A_24 = arith.addi %scan3A, %scan3A_23 : i32
    %scan3A_25 = arith.constant 1 : i32
    scf.for %scan3A_112 = %scan3A to %scan3A_24 step %scan3A_25  : i32 {
      %broadcast_in_dim3A = arith.constant 1.000000e+00 : f32
      %broadcast_in_dim3A_113 = vector.broadcast %broadcast_in_dim3A : f32 to vector<16xf32>
      %mul3A_114 = arith.constant 16 : i32
      %mul3A_115 = arith.muli %scan3A_112, %mul3A_114 : i32
      %swap3A = arith.index_cast %mul3A_115 : i32 to index
      %swap3A_116 = tpu.vector_load %arg14[%swap3A] {strides = array<i32>} : memref<6400xf32, #tpu.memory_space<vmem>>, vector<16xf32>,
      %swap3A_117 = vector.shape_cast %swap3A_116 : vector<16xf32> to vector<16xf32>
      %swap3A_118 = vector.shape_cast %broadcast_in_dim3A_113 : vector<16xf32> to vector<16xf32>
      tpu.vector_store %arg14[%swap3A], %swap3A_118 {strides = array<i32>} : memref<6400xf32, #tpu.memory_space<vmem>>, vector<16xf32>,
    }
    %scan3A_26 = arith.constant 400 : i32
    %scan3A_27 = arith.constant 0 : i32
    %scan3A_28 = arith.constant 50 : i32
    %scan3A_29 = arith.addi %scan3A_27, %scan3A_28 : i32
    %scan3A_30 = arith.constant 1 : i32
    scf.for %scan3A_112 = %scan3A_27 to %scan3A_29 step %scan3A_30  : i32 {
      %broadcast_in_dim3A = arith.constant 0.000000e+00 : f32
      %broadcast_in_dim3A_113 = vector.broadcast %broadcast_in_dim3A : f32 to vector<16xf32>
      %mul3A_114 = arith.constant 16 : i32
      %mul3A_115 = arith.muli %scan3A_112, %mul3A_114 : i32
      %swap3A = arith.index_cast %mul3A_115 : i32 to index
      %swap3A_116 = tpu.vector_load %arg15[%swap3A] {strides = array<i32>} : memref<800xf32, #tpu.memory_space<vmem>>, vector<16xf32>,
      %swap3A_117 = vector.shape_cast %swap3A_116 : vector<16xf32> to vector<16xf32>
      %swap3A_118 = vector.shape_cast %broadcast_in_dim3A_113 : vector<16xf32> to vector<16xf32>
      tpu.vector_store %arg15[%swap3A], %swap3A_118 {strides = array<i32>} : memref<800xf32, #tpu.memory_space<vmem>>, vector<16xf32>,
    }
    %scan3A_31 = arith.constant 50 : i32
    %mul3A_32 = arith.constant 6400 : i32
    %mul3A_33 = arith.muli %arg1, %mul3A_32 : i32
    %lt3A = arith.constant 15 : i32
    %lt3A_34 = arith.cmpi slt, %arg1, %lt3A : i32
    %convert_element_type3A = arith.extui %lt3A_34 : i1 to i32
    %cond3A = arith.constant 0 : i32
    %cond3A_35 = arith.cmpi ne, %convert_element_type3A, %cond3A : i32
    scf.if %cond3A_35 {
      %scan3A_112 = arith.constant 0 : i32
      %scan3A_113 = arith.constant 8 : i32
      %scan3A_114 = arith.addi %scan3A_112, %scan3A_113 : i32
      %scan3A_115 = arith.constant 1 : i32
      scf.for %scan3A_117 = %scan3A_112 to %scan3A_114 step %scan3A_115  : i32 {
        %mul3A_118 = arith.constant 800 : i32
        %mul3A_119 = arith.muli %scan3A_117, %mul3A_118 : i32
        %add3A_120 = arith.addi %mul3A_33, %mul3A_119 : i32
        "tpu.region"() ({
          %run_scoped3A = tpu.sem_alloc : memref<!tpu.dma_semaphore, #tpu.memory_space<semaphore_mem>>
          %dma_start3A = tpu.memref_slice %arg16[%add3A_120] : memref<100000xf32, #tpu.memory_space<vmem_shared>> -> memref<800xf32, #tpu.memory_space<vmem_shared>>
          %dma_start3A_121 = tpu.memref_slice %arg16[%add3A_120] : memref<100000xf32, #tpu.memory_space<vmem_shared>> -> memref<800xf32, #tpu.memory_space<vmem_shared>>
          tpu.enqueue_dma source(%arg15 : memref<800xf32, #tpu.memory_space<vmem>>) target(%dma_start3A_121 : memref<800xf32, #tpu.memory_space<vmem_shared>>) target_semaphore(%run_scoped3A : memref<!tpu.dma_semaphore, #tpu.memory_space<semaphore_mem>>)
          %dma_wait3A = tpu.memref_slice %arg16[%add3A_120] : memref<100000xf32, #tpu.memory_space<vmem_shared>> -> memref<800xf32, #tpu.memory_space<vmem_shared>>
          %dma_wait3A_122 = tpu.memref_slice %arg16[%add3A_120] : memref<100000xf32, #tpu.memory_space<vmem_shared>> -> memref<800xf32, #tpu.memory_space<vmem_shared>>
          tpu.wait_dma2 semaphore(%run_scoped3A : memref<!tpu.dma_semaphore, #tpu.memory_space<semaphore_mem>>) src(%arg15 : memref<800xf32, #tpu.memory_space<vmem>>) dst(%dma_wait3A_122 : memref<800xf32, #tpu.memory_space<vmem_shared>>)
          tpu.yield
        }) : () -> ()
      }
      %scan3A_116 = arith.constant 8 : i32
    } else {
    }
    %eq3A = arith.constant 15 : i32
    %eq3A_36 = arith.cmpi eq, %arg1, %eq3A : i32
    %convert_element_type3A_37 = arith.extui %eq3A_36 : i1 to i32
    %cond3A_38 = arith.constant 0 : i32
    %cond3A_39 = arith.cmpi ne, %convert_element_type3A_37, %cond3A_38 : i32
    scf.if %cond3A_39 {
      %scan3A_112 = arith.constant 0 : i32
      %scan3A_113 = arith.constant 5 : i32
      %scan3A_114 = arith.addi %scan3A_112, %scan3A_113 : i32
      %scan3A_115 = arith.constant 1 : i32
      scf.for %scan3A_117 = %scan3A_112 to %scan3A_114 step %scan3A_115  : i32 {
        %mul3A_118 = arith.constant 800 : i32
        %mul3A_119 = arith.muli %scan3A_117, %mul3A_118 : i32
        %add3A_120 = arith.addi %mul3A_33, %mul3A_119 : i32
        "tpu.region"() ({
          %run_scoped3A = tpu.sem_alloc : memref<!tpu.dma_semaphore, #tpu.memory_space<semaphore_mem>>
          %dma_start3A = tpu.memref_slice %arg16[%add3A_120] : memref<100000xf32, #tpu.memory_space<vmem_shared>> -> memref<800xf32, #tpu.memory_space<vmem_shared>>
          %dma_start3A_121 = tpu.memref_slice %arg16[%add3A_120] : memref<100000xf32, #tpu.memory_space<vmem_shared>> -> memref<800xf32, #tpu.memory_space<vmem_shared>>
          tpu.enqueue_dma source(%arg15 : memref<800xf32, #tpu.memory_space<vmem>>) target(%dma_start3A_121 : memref<800xf32, #tpu.memory_space<vmem_shared>>) target_semaphore(%run_scoped3A : memref<!tpu.dma_semaphore, #tpu.memory_space<semaphore_mem>>)
          %dma_wait3A = tpu.memref_slice %arg16[%add3A_120] : memref<100000xf32, #tpu.memory_space<vmem_shared>> -> memref<800xf32, #tpu.memory_space<vmem_shared>>
          %dma_wait3A_122 = tpu.memref_slice %arg16[%add3A_120] : memref<100000xf32, #tpu.memory_space<vmem_shared>> -> memref<800xf32, #tpu.memory_space<vmem_shared>>
          tpu.wait_dma2 semaphore(%run_scoped3A : memref<!tpu.dma_semaphore, #tpu.memory_space<semaphore_mem>>) src(%arg15 : memref<800xf32, #tpu.memory_space<vmem>>) dst(%dma_wait3A_122 : memref<800xf32, #tpu.memory_space<vmem_shared>>)
          tpu.yield
        }) : () -> ()
      }
      %scan3A_116 = arith.constant 5 : i32
    } else {
    }
    %barrier3A = arith.constant 0 : index
    tpu.barrier barrier_id(%barrier3A)
    %while3A = arith.constant 0 : i32
    %while3A_40 = arith.constant 0 : i32
    %while3A_41 = arith.subi %select_n3A, %while3A_40 : i32
    %while3A_42 = arith.addi %while3A_40, %while3A_41 : i32
    %while3A_43 = arith.constant 1 : i32
    %while3A_44 = arith.divsi %while3A_41, %while3A_43 : i32
    %while3A_45 = arith.muli %while3A_44, %while3A_43 : i32
    %while3A_46 = arith.addi %while3A_40, %while3A_45 : i32
    %while3A_47 = arith.constant 1 : i32
    scf.for %while3A_112 = %while3A_40 to %while3A_46 step %while3A_47  : i32 {
      %mul3A_113 = arith.constant 32 : i32
      %mul3A_114 = arith.muli %while3A_112, %mul3A_113 : i32
      %add3A_115 = arith.addi %add3A, %mul3A_114 : i32
      %mul3A_116 = arith.constant 6400 : i32
      %mul3A_117 = arith.muli %add3A_115, %mul3A_116 : i32
      "tpu.region"() ({
        %run_scoped3A = tpu.sem_alloc : memref<!tpu.dma_semaphore, #tpu.memory_space<semaphore_mem>>
        %dma_start3A_122 = arith.constant 0 : i32
        %dma_start3A_123 = tpu.memref_slice %arg4[%while3A, %dma_start3A_122] : memref<2x1600000xi32, #tpu.memory_space<hbm>> -> memref<1x1600000xi32, #tpu.memory_space<hbm>>
        %dma_start3A_124 = tpu.memref_squeeze %dma_start3A_123 : memref<1x1600000xi32, #tpu.memory_space<hbm>> -> memref<1600000xi32, #tpu.memory_space<hbm>>
        %dma_start3A_125 = tpu.memref_slice %dma_start3A_124[%mul3A_117] : memref<1600000xi32, #tpu.memory_space<hbm>> -> memref<6400xi32, #tpu.memory_space<hbm>>
        %dma_start3A_126 = arith.constant 0 : i32
        %dma_start3A_127 = tpu.memref_slice %arg4[%while3A, %dma_start3A_126] : memref<2x1600000xi32, #tpu.memory_space<hbm>> -> memref<1x1600000xi32, #tpu.memory_space<hbm>>
        %dma_start3A_128 = tpu.memref_squeeze %dma_start3A_127 : memref<1x1600000xi32, #tpu.memory_space<hbm>> -> memref<1600000xi32, #tpu.memory_space<hbm>>
        %dma_start3A_129 = tpu.memref_slice %dma_start3A_128[%mul3A_117] : memref<1600000xi32, #tpu.memory_space<hbm>> -> memref<6400xi32, #tpu.memory_space<hbm>>
        tpu.enqueue_dma source(%dma_start3A_129 : memref<6400xi32, #tpu.memory_space<hbm>>) target(%arg12 : memref<6400xi32, #tpu.memory_space<vmem>>) target_semaphore(%run_scoped3A : memref<!tpu.dma_semaphore, #tpu.memory_space<semaphore_mem>>)
        %dma_wait3A_130 = arith.constant 0 : i32
        %dma_wait3A_131 = tpu.memref_slice %arg4[%while3A, %dma_wait3A_130] : memref<2x1600000xi32, #tpu.memory_space<hbm>> -> memref<1x1600000xi32, #tpu.memory_space<hbm>>
        %dma_wait3A_132 = tpu.memref_squeeze %dma_wait3A_131 : memref<1x1600000xi32, #tpu.memory_space<hbm>> -> memref<1600000xi32, #tpu.memory_space<hbm>>
        %dma_wait3A_133 = tpu.memref_slice %dma_wait3A_132[%mul3A_117] : memref<1600000xi32, #tpu.memory_space<hbm>> -> memref<6400xi32, #tpu.memory_space<hbm>>
        %dma_wait3A_134 = arith.constant 0 : i32
        %dma_wait3A_135 = tpu.memref_slice %arg4[%while3A, %dma_wait3A_134] : memref<2x1600000xi32, #tpu.memory_space<hbm>> -> memref<1x1600000xi32, #tpu.memory_space<hbm>>
        %dma_wait3A_136 = tpu.memref_squeeze %dma_wait3A_135 : memref<1x1600000xi32, #tpu.memory_space<hbm>> -> memref<1600000xi32, #tpu.memory_space<hbm>>
        %dma_wait3A_137 = tpu.memref_slice %dma_wait3A_136[%mul3A_117] : memref<1600000xi32, #tpu.memory_space<hbm>> -> memref<6400xi32, #tpu.memory_space<hbm>>
        tpu.wait_dma2 semaphore(%run_scoped3A : memref<!tpu.dma_semaphore, #tpu.memory_space<semaphore_mem>>) src(%dma_wait3A_137 : memref<6400xi32, #tpu.memory_space<hbm>>) dst(%arg12 : memref<6400xi32, #tpu.memory_space<vmem>>)
        tpu.yield
      }) : () -> ()
      %dma_start3A = arith.constant 0 : i32
      %dma_start3A_118 = arith.constant 0 : i32
      %dma_start3A_119 = tpu.memref_slice %arg3[%dma_start3A, %dma_start3A_118] : memref<100000x2xf32, #tpu.memory_space<hbm>> -> memref<100000x2xf32, #tpu.memory_space<hbm>>
      tpu.enqueue_indirect_dma source(%dma_start3A_119 : memref<100000x2xf32, #tpu.memory_space<hbm>>) target(%arg13 : memref<6400x2xf32, #tpu.memory_space<vmem>>) offsets(%arg12 : memref<6400xi32, #tpu.memory_space<vmem>>) semaphore(%arg17 : memref<!tpu.dma_semaphore, #tpu.memory_space<semaphore_mem>>)
      %dma_wait3A = arith.constant 0 : i32
      %dma_wait3A_120 = arith.constant 0 : i32
      %dma_wait3A_121 = tpu.memref_slice %arg3[%dma_wait3A, %dma_wait3A_120] : memref<100000x2xf32, #tpu.memory_space<hbm>> -> memref<100000x2xf32, #tpu.memory_space<hbm>>
      tpu.wait_indirect_dma semaphore(%arg17 : memref<!tpu.dma_semaphore, #tpu.memory_space<semaphore_mem>>) src(%dma_wait3A_121 : memref<100000x2xf32, #tpu.memory_space<hbm>>) dst(%arg13 : memref<6400x2xf32, #tpu.memory_space<vmem>>)
      "tpu.region"() ({
        %run_scoped3A = tpu.sem_alloc : memref<!tpu.dma_semaphore, #tpu.memory_space<semaphore_mem>>
        %dma_start3A_122 = arith.constant 0 : i32
        %dma_start3A_123 = tpu.memref_slice %arg6[%mul3A_117, %dma_start3A_122] : memref<1600000x2xf32, #tpu.memory_space<hbm>> -> memref<6400x2xf32, #tpu.memory_space<hbm>>
        %dma_start3A_124 = arith.constant 0 : i32
        %dma_start3A_125 = tpu.memref_slice %arg6[%mul3A_117, %dma_start3A_124] : memref<1600000x2xf32, #tpu.memory_space<hbm>> -> memref<6400x2xf32, #tpu.memory_space<hbm>>
        tpu.enqueue_dma source(%arg13 : memref<6400x2xf32, #tpu.memory_space<vmem>>) target(%dma_start3A_125 : memref<6400x2xf32, #tpu.memory_space<hbm>>) target_semaphore(%run_scoped3A : memref<!tpu.dma_semaphore, #tpu.memory_space<semaphore_mem>>)
        %dma_wait3A_126 = arith.constant 0 : i32
        %dma_wait3A_127 = tpu.memref_slice %arg6[%mul3A_117, %dma_wait3A_126] : memref<1600000x2xf32, #tpu.memory_space<hbm>> -> memref<6400x2xf32, #tpu.memory_space<hbm>>
        %dma_wait3A_128 = arith.constant 0 : i32
        %dma_wait3A_129 = tpu.memref_slice %arg6[%mul3A_117, %dma_wait3A_128] : memref<1600000x2xf32, #tpu.memory_space<hbm>> -> memref<6400x2xf32, #tpu.memory_space<hbm>>
        tpu.wait_dma2 semaphore(%run_scoped3A : memref<!tpu.dma_semaphore, #tpu.memory_space<semaphore_mem>>) src(%arg13 : memref<6400x2xf32, #tpu.memory_space<vmem>>) dst(%dma_wait3A_129 : memref<6400x2xf32, #tpu.memory_space<hbm>>)
        tpu.yield
      }) : () -> ()
    }
    %while3A_48 = arith.constant 1 : i32
    scf.for %while3A_112 = %while3A_46 to %while3A_42 step %while3A_48  : i32 {
      %mul3A_113 = arith.constant 32 : i32
      %mul3A_114 = arith.muli %while3A_112, %mul3A_113 : i32
      %add3A_115 = arith.addi %add3A, %mul3A_114 : i32
      %mul3A_116 = arith.constant 6400 : i32
      %mul3A_117 = arith.muli %add3A_115, %mul3A_116 : i32
      "tpu.region"() ({
        %run_scoped3A = tpu.sem_alloc : memref<!tpu.dma_semaphore, #tpu.memory_space<semaphore_mem>>
        %dma_start3A_122 = arith.constant 0 : i32
        %dma_start3A_123 = tpu.memref_slice %arg4[%while3A, %dma_start3A_122] : memref<2x1600000xi32, #tpu.memory_space<hbm>> -> memref<1x1600000xi32, #tpu.memory_space<hbm>>
        %dma_start3A_124 = tpu.memref_squeeze %dma_start3A_123 : memref<1x1600000xi32, #tpu.memory_space<hbm>> -> memref<1600000xi32, #tpu.memory_space<hbm>>
        %dma_start3A_125 = tpu.memref_slice %dma_start3A_124[%mul3A_117] : memref<1600000xi32, #tpu.memory_space<hbm>> -> memref<6400xi32, #tpu.memory_space<hbm>>
        %dma_start3A_126 = arith.constant 0 : i32
        %dma_start3A_127 = tpu.memref_slice %arg4[%while3A, %dma_start3A_126] : memref<2x1600000xi32, #tpu.memory_space<hbm>> -> memref<1x1600000xi32, #tpu.memory_space<hbm>>
        %dma_start3A_128 = tpu.memref_squeeze %dma_start3A_127 : memref<1x1600000xi32, #tpu.memory_space<hbm>> -> memref<1600000xi32, #tpu.memory_space<hbm>>
        %dma_start3A_129 = tpu.memref_slice %dma_start3A_128[%mul3A_117] : memref<1600000xi32, #tpu.memory_space<hbm>> -> memref<6400xi32, #tpu.memory_space<hbm>>
        tpu.enqueue_dma source(%dma_start3A_129 : memref<6400xi32, #tpu.memory_space<hbm>>) target(%arg12 : memref<6400xi32, #tpu.memory_space<vmem>>) target_semaphore(%run_scoped3A : memref<!tpu.dma_semaphore, #tpu.memory_space<semaphore_mem>>)
        %dma_wait3A_130 = arith.constant 0 : i32
        %dma_wait3A_131 = tpu.memref_slice %arg4[%while3A, %dma_wait3A_130] : memref<2x1600000xi32, #tpu.memory_space<hbm>> -> memref<1x1600000xi32, #tpu.memory_space<hbm>>
        %dma_wait3A_132 = tpu.memref_squeeze %dma_wait3A_131 : memref<1x1600000xi32, #tpu.memory_space<hbm>> -> memref<1600000xi32, #tpu.memory_space<hbm>>
        %dma_wait3A_133 = tpu.memref_slice %dma_wait3A_132[%mul3A_117] : memref<1600000xi32, #tpu.memory_space<hbm>> -> memref<6400xi32, #tpu.memory_space<hbm>>
        %dma_wait3A_134 = arith.constant 0 : i32
        %dma_wait3A_135 = tpu.memref_slice %arg4[%while3A, %dma_wait3A_134] : memref<2x1600000xi32, #tpu.memory_space<hbm>> -> memref<1x1600000xi32, #tpu.memory_space<hbm>>
        %dma_wait3A_136 = tpu.memref_squeeze %dma_wait3A_135 : memref<1x1600000xi32, #tpu.memory_space<hbm>> -> memref<1600000xi32, #tpu.memory_space<hbm>>
        %dma_wait3A_137 = tpu.memref_slice %dma_wait3A_136[%mul3A_117] : memref<1600000xi32, #tpu.memory_space<hbm>> -> memref<6400xi32, #tpu.memory_space<hbm>>
        tpu.wait_dma2 semaphore(%run_scoped3A : memref<!tpu.dma_semaphore, #tpu.memory_space<semaphore_mem>>) src(%dma_wait3A_137 : memref<6400xi32, #tpu.memory_space<hbm>>) dst(%arg12 : memref<6400xi32, #tpu.memory_space<vmem>>)
        tpu.yield
      }) : () -> ()
      %dma_start3A = arith.constant 0 : i32
      %dma_start3A_118 = arith.constant 0 : i32
      %dma_start3A_119 = tpu.memref_slice %arg3[%dma_start3A, %dma_start3A_118] : memref<100000x2xf32, #tpu.memory_space<hbm>> -> memref<100000x2xf32, #tpu.memory_space<hbm>>
      tpu.enqueue_indirect_dma source(%dma_start3A_119 : memref<100000x2xf32, #tpu.memory_space<hbm>>) target(%arg13 : memref<6400x2xf32, #tpu.memory_space<vmem>>) offsets(%arg12 : memref<6400xi32, #tpu.memory_space<vmem>>) semaphore(%arg17 : memref<!tpu.dma_semaphore, #tpu.memory_space<semaphore_mem>>)
      %dma_wait3A = arith.constant 0 : i32
      %dma_wait3A_120 = arith.constant 0 : i32
      %dma_wait3A_121 = tpu.memref_slice %arg3[%dma_wait3A, %dma_wait3A_120] : memref<100000x2xf32, #tpu.memory_space<hbm>> -> memref<100000x2xf32, #tpu.memory_space<hbm>>
      tpu.wait_indirect_dma semaphore(%arg17 : memref<!tpu.dma_semaphore, #tpu.memory_space<semaphore_mem>>) src(%dma_wait3A_121 : memref<100000x2xf32, #tpu.memory_space<hbm>>) dst(%arg13 : memref<6400x2xf32, #tpu.memory_space<vmem>>)
      "tpu.region"() ({
        %run_scoped3A = tpu.sem_alloc : memref<!tpu.dma_semaphore, #tpu.memory_space<semaphore_mem>>
        %dma_start3A_122 = arith.constant 0 : i32
        %dma_start3A_123 = tpu.memref_slice %arg6[%mul3A_117, %dma_start3A_122] : memref<1600000x2xf32, #tpu.memory_space<hbm>> -> memref<6400x2xf32, #tpu.memory_space<hbm>>
        %dma_start3A_124 = arith.constant 0 : i32
        %dma_start3A_125 = tpu.memref_slice %arg6[%mul3A_117, %dma_start3A_124] : memref<1600000x2xf32, #tpu.memory_space<hbm>> -> memref<6400x2xf32, #tpu.memory_space<hbm>>
        tpu.enqueue_dma source(%arg13 : memref<6400x2xf32, #tpu.memory_space<vmem>>) target(%dma_start3A_125 : memref<6400x2xf32, #tpu.memory_space<hbm>>) target_semaphore(%run_scoped3A : memref<!tpu.dma_semaphore, #tpu.memory_space<semaphore_mem>>)
        %dma_wait3A_126 = arith.constant 0 : i32
        %dma_wait3A_127 = tpu.memref_slice %arg6[%mul3A_117, %dma_wait3A_126] : memref<1600000x2xf32, #tpu.memory_space<hbm>> -> memref<6400x2xf32, #tpu.memory_space<hbm>>
        %dma_wait3A_128 = arith.constant 0 : i32
        %dma_wait3A_129 = tpu.memref_slice %arg6[%mul3A_117, %dma_wait3A_128] : memref<1600000x2xf32, #tpu.memory_space<hbm>> -> memref<6400x2xf32, #tpu.memory_space<hbm>>
        tpu.wait_dma2 semaphore(%run_scoped3A : memref<!tpu.dma_semaphore, #tpu.memory_space<semaphore_mem>>) src(%arg13 : memref<6400x2xf32, #tpu.memory_space<vmem>>) dst(%dma_wait3A_129 : memref<6400x2xf32, #tpu.memory_space<hbm>>)
        tpu.yield
      }) : () -> ()
    }
    %while3A_49 = arith.constant 1 : i32
    %while3A_50 = arith.constant 0 : i32
    %while3A_51 = arith.subi %select_n3A, %while3A_50 : i32
    %while3A_52 = arith.addi %while3A_50, %while3A_51 : i32
    %while3A_53 = arith.constant 1 : i32
    %while3A_54 = arith.divsi %while3A_51, %while3A_53 : i32
    %while3A_55 = arith.muli %while3A_54, %while3A_53 : i32
    %while3A_56 = arith.addi %while3A_50, %while3A_55 : i32
    %while3A_57 = arith.constant 1 : i32
    scf.for %while3A_112 = %while3A_50 to %while3A_56 step %while3A_57  : i32 {
      %mul3A_113 = arith.constant 32 : i32
      %mul3A_114 = arith.muli %while3A_112, %mul3A_113 : i32
      %add3A_115 = arith.addi %add3A, %mul3A_114 : i32
      %mul3A_116 = arith.constant 6400 : i32
      %mul3A_117 = arith.muli %add3A_115, %mul3A_116 : i32
      "tpu.region"() ({
        %run_scoped3A = tpu.sem_alloc : memref<!tpu.dma_semaphore, #tpu.memory_space<semaphore_mem>>
        %dma_start3A_122 = arith.constant 0 : i32
        %dma_start3A_123 = tpu.memref_slice %arg4[%while3A_49, %dma_start3A_122] : memref<2x1600000xi32, #tpu.memory_space<hbm>> -> memref<1x1600000xi32, #tpu.memory_space<hbm>>
        %dma_start3A_124 = tpu.memref_squeeze %dma_start3A_123 : memref<1x1600000xi32, #tpu.memory_space<hbm>> -> memref<1600000xi32, #tpu.memory_space<hbm>>
        %dma_start3A_125 = tpu.memref_slice %dma_start3A_124[%mul3A_117] : memref<1600000xi32, #tpu.memory_space<hbm>> -> memref<6400xi32, #tpu.memory_space<hbm>>
        %dma_start3A_126 = arith.constant 0 : i32
        %dma_start3A_127 = tpu.memref_slice %arg4[%while3A_49, %dma_start3A_126] : memref<2x1600000xi32, #tpu.memory_space<hbm>> -> memref<1x1600000xi32, #tpu.memory_space<hbm>>
        %dma_start3A_128 = tpu.memref_squeeze %dma_start3A_127 : memref<1x1600000xi32, #tpu.memory_space<hbm>> -> memref<1600000xi32, #tpu.memory_space<hbm>>
        %dma_start3A_129 = tpu.memref_slice %dma_start3A_128[%mul3A_117] : memref<1600000xi32, #tpu.memory_space<hbm>> -> memref<6400xi32, #tpu.memory_space<hbm>>
        tpu.enqueue_dma source(%dma_start3A_129 : memref<6400xi32, #tpu.memory_space<hbm>>) target(%arg12 : memref<6400xi32, #tpu.memory_space<vmem>>) target_semaphore(%run_scoped3A : memref<!tpu.dma_semaphore, #tpu.memory_space<semaphore_mem>>)
        %dma_wait3A_130 = arith.constant 0 : i32
        %dma_wait3A_131 = tpu.memref_slice %arg4[%while3A_49, %dma_wait3A_130] : memref<2x1600000xi32, #tpu.memory_space<hbm>> -> memref<1x1600000xi32, #tpu.memory_space<hbm>>
        %dma_wait3A_132 = tpu.memref_squeeze %dma_wait3A_131 : memref<1x1600000xi32, #tpu.memory_space<hbm>> -> memref<1600000xi32, #tpu.memory_space<hbm>>
        %dma_wait3A_133 = tpu.memref_slice %dma_wait3A_132[%mul3A_117] : memref<1600000xi32, #tpu.memory_space<hbm>> -> memref<6400xi32, #tpu.memory_space<hbm>>
        %dma_wait3A_134 = arith.constant 0 : i32
        %dma_wait3A_135 = tpu.memref_slice %arg4[%while3A_49, %dma_wait3A_134] : memref<2x1600000xi32, #tpu.memory_space<hbm>> -> memref<1x1600000xi32, #tpu.memory_space<hbm>>
        %dma_wait3A_136 = tpu.memref_squeeze %dma_wait3A_135 : memref<1x1600000xi32, #tpu.memory_space<hbm>> -> memref<1600000xi32, #tpu.memory_space<hbm>>
        %dma_wait3A_137 = tpu.memref_slice %dma_wait3A_136[%mul3A_117] : memref<1600000xi32, #tpu.memory_space<hbm>> -> memref<6400xi32, #tpu.memory_space<hbm>>
        tpu.wait_dma2 semaphore(%run_scoped3A : memref<!tpu.dma_semaphore, #tpu.memory_space<semaphore_mem>>) src(%dma_wait3A_137 : memref<6400xi32, #tpu.memory_space<hbm>>) dst(%arg12 : memref<6400xi32, #tpu.memory_space<vmem>>)
        tpu.yield
      }) : () -> ()
      %dma_start3A = arith.constant 0 : i32
      %dma_start3A_118 = arith.constant 0 : i32
      %dma_start3A_119 = tpu.memref_slice %arg2[%dma_start3A, %dma_start3A_118] : memref<100000x2xf32, #tpu.memory_space<hbm>> -> memref<100000x2xf32, #tpu.memory_space<hbm>>
      tpu.enqueue_indirect_dma source(%dma_start3A_119 : memref<100000x2xf32, #tpu.memory_space<hbm>>) target(%arg13 : memref<6400x2xf32, #tpu.memory_space<vmem>>) offsets(%arg12 : memref<6400xi32, #tpu.memory_space<vmem>>) semaphore(%arg17 : memref<!tpu.dma_semaphore, #tpu.memory_space<semaphore_mem>>)
      %dma_wait3A = arith.constant 0 : i32
      %dma_wait3A_120 = arith.constant 0 : i32
      %dma_wait3A_121 = tpu.memref_slice %arg2[%dma_wait3A, %dma_wait3A_120] : memref<100000x2xf32, #tpu.memory_space<hbm>> -> memref<100000x2xf32, #tpu.memory_space<hbm>>
      tpu.wait_indirect_dma semaphore(%arg17 : memref<!tpu.dma_semaphore, #tpu.memory_space<semaphore_mem>>) src(%dma_wait3A_121 : memref<100000x2xf32, #tpu.memory_space<hbm>>) dst(%arg13 : memref<6400x2xf32, #tpu.memory_space<vmem>>)
      "tpu.region"() ({
        %run_scoped3A = tpu.sem_alloc : memref<!tpu.dma_semaphore, #tpu.memory_space<semaphore_mem>>
        %dma_start3A_122 = arith.constant 0 : i32
        %dma_start3A_123 = tpu.memref_slice %arg7[%mul3A_117, %dma_start3A_122] : memref<1600000x2xf32, #tpu.memory_space<hbm>> -> memref<6400x2xf32, #tpu.memory_space<hbm>>
        %dma_start3A_124 = arith.constant 0 : i32
        %dma_start3A_125 = tpu.memref_slice %arg7[%mul3A_117, %dma_start3A_124] : memref<1600000x2xf32, #tpu.memory_space<hbm>> -> memref<6400x2xf32, #tpu.memory_space<hbm>>
        tpu.enqueue_dma source(%arg13 : memref<6400x2xf32, #tpu.memory_space<vmem>>) target(%dma_start3A_125 : memref<6400x2xf32, #tpu.memory_space<hbm>>) target_semaphore(%run_scoped3A : memref<!tpu.dma_semaphore, #tpu.memory_space<semaphore_mem>>)
        %dma_wait3A_126 = arith.constant 0 : i32
        %dma_wait3A_127 = tpu.memref_slice %arg7[%mul3A_117, %dma_wait3A_126] : memref<1600000x2xf32, #tpu.memory_space<hbm>> -> memref<6400x2xf32, #tpu.memory_space<hbm>>
        %dma_wait3A_128 = arith.constant 0 : i32
        %dma_wait3A_129 = tpu.memref_slice %arg7[%mul3A_117, %dma_wait3A_128] : memref<1600000x2xf32, #tpu.memory_space<hbm>> -> memref<6400x2xf32, #tpu.memory_space<hbm>>
        tpu.wait_dma2 semaphore(%run_scoped3A : memref<!tpu.dma_semaphore, #tpu.memory_space<semaphore_mem>>) src(%arg13 : memref<6400x2xf32, #tpu.memory_space<vmem>>) dst(%dma_wait3A_129 : memref<6400x2xf32, #tpu.memory_space<hbm>>)
        tpu.yield
      }) : () -> ()
    }
    %while3A_58 = arith.constant 1 : i32
    scf.for %while3A_112 = %while3A_56 to %while3A_52 step %while3A_58  : i32 {
      %mul3A_113 = arith.constant 32 : i32
      %mul3A_114 = arith.muli %while3A_112, %mul3A_113 : i32
      %add3A_115 = arith.addi %add3A, %mul3A_114 : i32
      %mul3A_116 = arith.constant 6400 : i32
      %mul3A_117 = arith.muli %add3A_115, %mul3A_116 : i32
      "tpu.region"() ({
        %run_scoped3A = tpu.sem_alloc : memref<!tpu.dma_semaphore, #tpu.memory_space<semaphore_mem>>
        %dma_start3A_122 = arith.constant 0 : i32
        %dma_start3A_123 = tpu.memref_slice %arg4[%while3A_49, %dma_start3A_122] : memref<2x1600000xi32, #tpu.memory_space<hbm>> -> memref<1x1600000xi32, #tpu.memory_space<hbm>>
        %dma_start3A_124 = tpu.memref_squeeze %dma_start3A_123 : memref<1x1600000xi32, #tpu.memory_space<hbm>> -> memref<1600000xi32, #tpu.memory_space<hbm>>
        %dma_start3A_125 = tpu.memref_slice %dma_start3A_124[%mul3A_117] : memref<1600000xi32, #tpu.memory_space<hbm>> -> memref<6400xi32, #tpu.memory_space<hbm>>
        %dma_start3A_126 = arith.constant 0 : i32
        %dma_start3A_127 = tpu.memref_slice %arg4[%while3A_49, %dma_start3A_126] : memref<2x1600000xi32, #tpu.memory_space<hbm>> -> memref<1x1600000xi32, #tpu.memory_space<hbm>>
        %dma_start3A_128 = tpu.memref_squeeze %dma_start3A_127 : memref<1x1600000xi32, #tpu.memory_space<hbm>> -> memref<1600000xi32, #tpu.memory_space<hbm>>
        %dma_start3A_129 = tpu.memref_slice %dma_start3A_128[%mul3A_117] : memref<1600000xi32, #tpu.memory_space<hbm>> -> memref<6400xi32, #tpu.memory_space<hbm>>
        tpu.enqueue_dma source(%dma_start3A_129 : memref<6400xi32, #tpu.memory_space<hbm>>) target(%arg12 : memref<6400xi32, #tpu.memory_space<vmem>>) target_semaphore(%run_scoped3A : memref<!tpu.dma_semaphore, #tpu.memory_space<semaphore_mem>>)
        %dma_wait3A_130 = arith.constant 0 : i32
        %dma_wait3A_131 = tpu.memref_slice %arg4[%while3A_49, %dma_wait3A_130] : memref<2x1600000xi32, #tpu.memory_space<hbm>> -> memref<1x1600000xi32, #tpu.memory_space<hbm>>
        %dma_wait3A_132 = tpu.memref_squeeze %dma_wait3A_131 : memref<1x1600000xi32, #tpu.memory_space<hbm>> -> memref<1600000xi32, #tpu.memory_space<hbm>>
        %dma_wait3A_133 = tpu.memref_slice %dma_wait3A_132[%mul3A_117] : memref<1600000xi32, #tpu.memory_space<hbm>> -> memref<6400xi32, #tpu.memory_space<hbm>>
        %dma_wait3A_134 = arith.constant 0 : i32
        %dma_wait3A_135 = tpu.memref_slice %arg4[%while3A_49, %dma_wait3A_134] : memref<2x1600000xi32, #tpu.memory_space<hbm>> -> memref<1x1600000xi32, #tpu.memory_space<hbm>>
        %dma_wait3A_136 = tpu.memref_squeeze %dma_wait3A_135 : memref<1x1600000xi32, #tpu.memory_space<hbm>> -> memref<1600000xi32, #tpu.memory_space<hbm>>
        %dma_wait3A_137 = tpu.memref_slice %dma_wait3A_136[%mul3A_117] : memref<1600000xi32, #tpu.memory_space<hbm>> -> memref<6400xi32, #tpu.memory_space<hbm>>
        tpu.wait_dma2 semaphore(%run_scoped3A : memref<!tpu.dma_semaphore, #tpu.memory_space<semaphore_mem>>) src(%dma_wait3A_137 : memref<6400xi32, #tpu.memory_space<hbm>>) dst(%arg12 : memref<6400xi32, #tpu.memory_space<vmem>>)
        tpu.yield
      }) : () -> ()
      %dma_start3A = arith.constant 0 : i32
      %dma_start3A_118 = arith.constant 0 : i32
      %dma_start3A_119 = tpu.memref_slice %arg2[%dma_start3A, %dma_start3A_118] : memref<100000x2xf32, #tpu.memory_space<hbm>> -> memref<100000x2xf32, #tpu.memory_space<hbm>>
      tpu.enqueue_indirect_dma source(%dma_start3A_119 : memref<100000x2xf32, #tpu.memory_space<hbm>>) target(%arg13 : memref<6400x2xf32, #tpu.memory_space<vmem>>) offsets(%arg12 : memref<6400xi32, #tpu.memory_space<vmem>>) semaphore(%arg17 : memref<!tpu.dma_semaphore, #tpu.memory_space<semaphore_mem>>)
      %dma_wait3A = arith.constant 0 : i32
      %dma_wait3A_120 = arith.constant 0 : i32
      %dma_wait3A_121 = tpu.memref_slice %arg2[%dma_wait3A, %dma_wait3A_120] : memref<100000x2xf32, #tpu.memory_space<hbm>> -> memref<100000x2xf32, #tpu.memory_space<hbm>>
      tpu.wait_indirect_dma semaphore(%arg17 : memref<!tpu.dma_semaphore, #tpu.memory_space<semaphore_mem>>) src(%dma_wait3A_121 : memref<100000x2xf32, #tpu.memory_space<hbm>>) dst(%arg13 : memref<6400x2xf32, #tpu.memory_space<vmem>>)
      "tpu.region"() ({
        %run_scoped3A = tpu.sem_alloc : memref<!tpu.dma_semaphore, #tpu.memory_space<semaphore_mem>>
        %dma_start3A_122 = arith.constant 0 : i32
        %dma_start3A_123 = tpu.memref_slice %arg7[%mul3A_117, %dma_start3A_122] : memref<1600000x2xf32, #tpu.memory_space<hbm>> -> memref<6400x2xf32, #tpu.memory_space<hbm>>
        %dma_start3A_124 = arith.constant 0 : i32
        %dma_start3A_125 = tpu.memref_slice %arg7[%mul3A_117, %dma_start3A_124] : memref<1600000x2xf32, #tpu.memory_space<hbm>> -> memref<6400x2xf32, #tpu.memory_space<hbm>>
        tpu.enqueue_dma source(%arg13 : memref<6400x2xf32, #tpu.memory_space<vmem>>) target(%dma_start3A_125 : memref<6400x2xf32, #tpu.memory_space<hbm>>) target_semaphore(%run_scoped3A : memref<!tpu.dma_semaphore, #tpu.memory_space<semaphore_mem>>)
        %dma_wait3A_126 = arith.constant 0 : i32
        %dma_wait3A_127 = tpu.memref_slice %arg7[%mul3A_117, %dma_wait3A_126] : memref<1600000x2xf32, #tpu.memory_space<hbm>> -> memref<6400x2xf32, #tpu.memory_space<hbm>>
        %dma_wait3A_128 = arith.constant 0 : i32
        %dma_wait3A_129 = tpu.memref_slice %arg7[%mul3A_117, %dma_wait3A_128] : memref<1600000x2xf32, #tpu.memory_space<hbm>> -> memref<6400x2xf32, #tpu.memory_space<hbm>>
        tpu.wait_dma2 semaphore(%run_scoped3A : memref<!tpu.dma_semaphore, #tpu.memory_space<semaphore_mem>>) src(%arg13 : memref<6400x2xf32, #tpu.memory_space<vmem>>) dst(%dma_wait3A_129 : memref<6400x2xf32, #tpu.memory_space<hbm>>)
        tpu.yield
      }) : () -> ()
    }
    %while3A_59 = arith.constant 0 : i32
    %while3A_60 = arith.constant 0 : i32
    %while3A_61 = arith.subi %select_n3A, %while3A_60 : i32
    %while3A_62 = arith.addi %while3A_60, %while3A_61 : i32
    %while3A_63 = arith.constant 1 : i32
    %while3A_64 = arith.divsi %while3A_61, %while3A_63 : i32
    %while3A_65 = arith.muli %while3A_64, %while3A_63 : i32
    %while3A_66 = arith.addi %while3A_60, %while3A_65 : i32
    %while3A_67 = arith.constant 1 : i32
    scf.for %while3A_112 = %while3A_60 to %while3A_66 step %while3A_67  : i32 {
      %mul3A_113 = arith.constant 32 : i32
      %mul3A_114 = arith.muli %while3A_112, %mul3A_113 : i32
      %add3A_115 = arith.addi %add3A, %mul3A_114 : i32
      %mul3A_116 = arith.constant 6400 : i32
      %mul3A_117 = arith.muli %add3A_115, %mul3A_116 : i32
      "tpu.region"() ({
        %run_scoped3A = tpu.sem_alloc : memref<!tpu.dma_semaphore, #tpu.memory_space<semaphore_mem>>
        %dma_start3A_122 = arith.constant 0 : i32
        %dma_start3A_123 = tpu.memref_slice %arg5[%while3A_59, %dma_start3A_122] : memref<2x1600000xi32, #tpu.memory_space<hbm>> -> memref<1x1600000xi32, #tpu.memory_space<hbm>>
        %dma_start3A_124 = tpu.memref_squeeze %dma_start3A_123 : memref<1x1600000xi32, #tpu.memory_space<hbm>> -> memref<1600000xi32, #tpu.memory_space<hbm>>
        %dma_start3A_125 = tpu.memref_slice %dma_start3A_124[%mul3A_117] : memref<1600000xi32, #tpu.memory_space<hbm>> -> memref<6400xi32, #tpu.memory_space<hbm>>
        %dma_start3A_126 = arith.constant 0 : i32
        %dma_start3A_127 = tpu.memref_slice %arg5[%while3A_59, %dma_start3A_126] : memref<2x1600000xi32, #tpu.memory_space<hbm>> -> memref<1x1600000xi32, #tpu.memory_space<hbm>>
        %dma_start3A_128 = tpu.memref_squeeze %dma_start3A_127 : memref<1x1600000xi32, #tpu.memory_space<hbm>> -> memref<1600000xi32, #tpu.memory_space<hbm>>
        %dma_start3A_129 = tpu.memref_slice %dma_start3A_128[%mul3A_117] : memref<1600000xi32, #tpu.memory_space<hbm>> -> memref<6400xi32, #tpu.memory_space<hbm>>
        tpu.enqueue_dma source(%dma_start3A_129 : memref<6400xi32, #tpu.memory_space<hbm>>) target(%arg12 : memref<6400xi32, #tpu.memory_space<vmem>>) target_semaphore(%run_scoped3A : memref<!tpu.dma_semaphore, #tpu.memory_space<semaphore_mem>>)
        %dma_wait3A_130 = arith.constant 0 : i32
        %dma_wait3A_131 = tpu.memref_slice %arg5[%while3A_59, %dma_wait3A_130] : memref<2x1600000xi32, #tpu.memory_space<hbm>> -> memref<1x1600000xi32, #tpu.memory_space<hbm>>
        %dma_wait3A_132 = tpu.memref_squeeze %dma_wait3A_131 : memref<1x1600000xi32, #tpu.memory_space<hbm>> -> memref<1600000xi32, #tpu.memory_space<hbm>>
        %dma_wait3A_133 = tpu.memref_slice %dma_wait3A_132[%mul3A_117] : memref<1600000xi32, #tpu.memory_space<hbm>> -> memref<6400xi32, #tpu.memory_space<hbm>>
        %dma_wait3A_134 = arith.constant 0 : i32
        %dma_wait3A_135 = tpu.memref_slice %arg5[%while3A_59, %dma_wait3A_134] : memref<2x1600000xi32, #tpu.memory_space<hbm>> -> memref<1x1600000xi32, #tpu.memory_space<hbm>>
        %dma_wait3A_136 = tpu.memref_squeeze %dma_wait3A_135 : memref<1x1600000xi32, #tpu.memory_space<hbm>> -> memref<1600000xi32, #tpu.memory_space<hbm>>
        %dma_wait3A_137 = tpu.memref_slice %dma_wait3A_136[%mul3A_117] : memref<1600000xi32, #tpu.memory_space<hbm>> -> memref<6400xi32, #tpu.memory_space<hbm>>
        tpu.wait_dma2 semaphore(%run_scoped3A : memref<!tpu.dma_semaphore, #tpu.memory_space<semaphore_mem>>) src(%dma_wait3A_137 : memref<6400xi32, #tpu.memory_space<hbm>>) dst(%arg12 : memref<6400xi32, #tpu.memory_space<vmem>>)
        tpu.yield
      }) : () -> ()
      %dma_start3A = arith.constant 0 : i32
      %dma_start3A_118 = arith.constant 0 : i32
      %dma_start3A_119 = tpu.memref_slice %arg2[%dma_start3A, %dma_start3A_118] : memref<100000x2xf32, #tpu.memory_space<hbm>> -> memref<100000x2xf32, #tpu.memory_space<hbm>>
      tpu.enqueue_indirect_dma source(%dma_start3A_119 : memref<100000x2xf32, #tpu.memory_space<hbm>>) target(%arg13 : memref<6400x2xf32, #tpu.memory_space<vmem>>) offsets(%arg12 : memref<6400xi32, #tpu.memory_space<vmem>>) semaphore(%arg17 : memref<!tpu.dma_semaphore, #tpu.memory_space<semaphore_mem>>)
      %dma_wait3A = arith.constant 0 : i32
      %dma_wait3A_120 = arith.constant 0 : i32
      %dma_wait3A_121 = tpu.memref_slice %arg2[%dma_wait3A, %dma_wait3A_120] : memref<100000x2xf32, #tpu.memory_space<hbm>> -> memref<100000x2xf32, #tpu.memory_space<hbm>>
      tpu.wait_indirect_dma semaphore(%arg17 : memref<!tpu.dma_semaphore, #tpu.memory_space<semaphore_mem>>) src(%dma_wait3A_121 : memref<100000x2xf32, #tpu.memory_space<hbm>>) dst(%arg13 : memref<6400x2xf32, #tpu.memory_space<vmem>>)
      "tpu.region"() ({
        %run_scoped3A = tpu.sem_alloc : memref<!tpu.dma_semaphore, #tpu.memory_space<semaphore_mem>>
        %dma_start3A_122 = arith.constant 0 : i32
        %dma_start3A_123 = tpu.memref_slice %arg8[%mul3A_117, %dma_start3A_122] : memref<1600000x2xf32, #tpu.memory_space<hbm>> -> memref<6400x2xf32, #tpu.memory_space<hbm>>
        %dma_start3A_124 = arith.constant 0 : i32
        %dma_start3A_125 = tpu.memref_slice %arg8[%mul3A_117, %dma_start3A_124] : memref<1600000x2xf32, #tpu.memory_space<hbm>> -> memref<6400x2xf32, #tpu.memory_space<hbm>>
        tpu.enqueue_dma source(%arg13 : memref<6400x2xf32, #tpu.memory_space<vmem>>) target(%dma_start3A_125 : memref<6400x2xf32, #tpu.memory_space<hbm>>) target_semaphore(%run_scoped3A : memref<!tpu.dma_semaphore, #tpu.memory_space<semaphore_mem>>)
        %dma_wait3A_126 = arith.constant 0 : i32
        %dma_wait3A_127 = tpu.memref_slice %arg8[%mul3A_117, %dma_wait3A_126] : memref<1600000x2xf32, #tpu.memory_space<hbm>> -> memref<6400x2xf32, #tpu.memory_space<hbm>>
        %dma_wait3A_128 = arith.constant 0 : i32
        %dma_wait3A_129 = tpu.memref_slice %arg8[%mul3A_117, %dma_wait3A_128] : memref<1600000x2xf32, #tpu.memory_space<hbm>> -> memref<6400x2xf32, #tpu.memory_space<hbm>>
        tpu.wait_dma2 semaphore(%run_scoped3A : memref<!tpu.dma_semaphore, #tpu.memory_space<semaphore_mem>>) src(%arg13 : memref<6400x2xf32, #tpu.memory_space<vmem>>) dst(%dma_wait3A_129 : memref<6400x2xf32, #tpu.memory_space<hbm>>)
        tpu.yield
      }) : () -> ()
    }
    %while3A_68 = arith.constant 1 : i32
    scf.for %while3A_112 = %while3A_66 to %while3A_62 step %while3A_68  : i32 {
      %mul3A_113 = arith.constant 32 : i32
      %mul3A_114 = arith.muli %while3A_112, %mul3A_113 : i32
      %add3A_115 = arith.addi %add3A, %mul3A_114 : i32
      %mul3A_116 = arith.constant 6400 : i32
      %mul3A_117 = arith.muli %add3A_115, %mul3A_116 : i32
      "tpu.region"() ({
        %run_scoped3A = tpu.sem_alloc : memref<!tpu.dma_semaphore, #tpu.memory_space<semaphore_mem>>
        %dma_start3A_122 = arith.constant 0 : i32
        %dma_start3A_123 = tpu.memref_slice %arg5[%while3A_59, %dma_start3A_122] : memref<2x1600000xi32, #tpu.memory_space<hbm>> -> memref<1x1600000xi32, #tpu.memory_space<hbm>>
        %dma_start3A_124 = tpu.memref_squeeze %dma_start3A_123 : memref<1x1600000xi32, #tpu.memory_space<hbm>> -> memref<1600000xi32, #tpu.memory_space<hbm>>
        %dma_start3A_125 = tpu.memref_slice %dma_start3A_124[%mul3A_117] : memref<1600000xi32, #tpu.memory_space<hbm>> -> memref<6400xi32, #tpu.memory_space<hbm>>
        %dma_start3A_126 = arith.constant 0 : i32
        %dma_start3A_127 = tpu.memref_slice %arg5[%while3A_59, %dma_start3A_126] : memref<2x1600000xi32, #tpu.memory_space<hbm>> -> memref<1x1600000xi32, #tpu.memory_space<hbm>>
        %dma_start3A_128 = tpu.memref_squeeze %dma_start3A_127 : memref<1x1600000xi32, #tpu.memory_space<hbm>> -> memref<1600000xi32, #tpu.memory_space<hbm>>
        %dma_start3A_129 = tpu.memref_slice %dma_start3A_128[%mul3A_117] : memref<1600000xi32, #tpu.memory_space<hbm>> -> memref<6400xi32, #tpu.memory_space<hbm>>
        tpu.enqueue_dma source(%dma_start3A_129 : memref<6400xi32, #tpu.memory_space<hbm>>) target(%arg12 : memref<6400xi32, #tpu.memory_space<vmem>>) target_semaphore(%run_scoped3A : memref<!tpu.dma_semaphore, #tpu.memory_space<semaphore_mem>>)
        %dma_wait3A_130 = arith.constant 0 : i32
        %dma_wait3A_131 = tpu.memref_slice %arg5[%while3A_59, %dma_wait3A_130] : memref<2x1600000xi32, #tpu.memory_space<hbm>> -> memref<1x1600000xi32, #tpu.memory_space<hbm>>
        %dma_wait3A_132 = tpu.memref_squeeze %dma_wait3A_131 : memref<1x1600000xi32, #tpu.memory_space<hbm>> -> memref<1600000xi32, #tpu.memory_space<hbm>>
        %dma_wait3A_133 = tpu.memref_slice %dma_wait3A_132[%mul3A_117] : memref<1600000xi32, #tpu.memory_space<hbm>> -> memref<6400xi32, #tpu.memory_space<hbm>>
        %dma_wait3A_134 = arith.constant 0 : i32
        %dma_wait3A_135 = tpu.memref_slice %arg5[%while3A_59, %dma_wait3A_134] : memref<2x1600000xi32, #tpu.memory_space<hbm>> -> memref<1x1600000xi32, #tpu.memory_space<hbm>>
        %dma_wait3A_136 = tpu.memref_squeeze %dma_wait3A_135 : memref<1x1600000xi32, #tpu.memory_space<hbm>> -> memref<1600000xi32, #tpu.memory_space<hbm>>
        %dma_wait3A_137 = tpu.memref_slice %dma_wait3A_136[%mul3A_117] : memref<1600000xi32, #tpu.memory_space<hbm>> -> memref<6400xi32, #tpu.memory_space<hbm>>
        tpu.wait_dma2 semaphore(%run_scoped3A : memref<!tpu.dma_semaphore, #tpu.memory_space<semaphore_mem>>) src(%dma_wait3A_137 : memref<6400xi32, #tpu.memory_space<hbm>>) dst(%arg12 : memref<6400xi32, #tpu.memory_space<vmem>>)
        tpu.yield
      }) : () -> ()
      %dma_start3A = arith.constant 0 : i32
      %dma_start3A_118 = arith.constant 0 : i32
      %dma_start3A_119 = tpu.memref_slice %arg2[%dma_start3A, %dma_start3A_118] : memref<100000x2xf32, #tpu.memory_space<hbm>> -> memref<100000x2xf32, #tpu.memory_space<hbm>>
      tpu.enqueue_indirect_dma source(%dma_start3A_119 : memref<100000x2xf32, #tpu.memory_space<hbm>>) target(%arg13 : memref<6400x2xf32, #tpu.memory_space<vmem>>) offsets(%arg12 : memref<6400xi32, #tpu.memory_space<vmem>>) semaphore(%arg17 : memref<!tpu.dma_semaphore, #tpu.memory_space<semaphore_mem>>)
      %dma_wait3A = arith.constant 0 : i32
      %dma_wait3A_120 = arith.constant 0 : i32
      %dma_wait3A_121 = tpu.memref_slice %arg2[%dma_wait3A, %dma_wait3A_120] : memref<100000x2xf32, #tpu.memory_space<hbm>> -> memref<100000x2xf32, #tpu.memory_space<hbm>>
      tpu.wait_indirect_dma semaphore(%arg17 : memref<!tpu.dma_semaphore, #tpu.memory_space<semaphore_mem>>) src(%dma_wait3A_121 : memref<100000x2xf32, #tpu.memory_space<hbm>>) dst(%arg13 : memref<6400x2xf32, #tpu.memory_space<vmem>>)
      "tpu.region"() ({
        %run_scoped3A = tpu.sem_alloc : memref<!tpu.dma_semaphore, #tpu.memory_space<semaphore_mem>>
        %dma_start3A_122 = arith.constant 0 : i32
        %dma_start3A_123 = tpu.memref_slice %arg8[%mul3A_117, %dma_start3A_122] : memref<1600000x2xf32, #tpu.memory_space<hbm>> -> memref<6400x2xf32, #tpu.memory_space<hbm>>
        %dma_start3A_124 = arith.constant 0 : i32
        %dma_start3A_125 = tpu.memref_slice %arg8[%mul3A_117, %dma_start3A_124] : memref<1600000x2xf32, #tpu.memory_space<hbm>> -> memref<6400x2xf32, #tpu.memory_space<hbm>>
        tpu.enqueue_dma source(%arg13 : memref<6400x2xf32, #tpu.memory_space<vmem>>) target(%dma_start3A_125 : memref<6400x2xf32, #tpu.memory_space<hbm>>) target_semaphore(%run_scoped3A : memref<!tpu.dma_semaphore, #tpu.memory_space<semaphore_mem>>)
        %dma_wait3A_126 = arith.constant 0 : i32
        %dma_wait3A_127 = tpu.memref_slice %arg8[%mul3A_117, %dma_wait3A_126] : memref<1600000x2xf32, #tpu.memory_space<hbm>> -> memref<6400x2xf32, #tpu.memory_space<hbm>>
        %dma_wait3A_128 = arith.constant 0 : i32
        %dma_wait3A_129 = tpu.memref_slice %arg8[%mul3A_117, %dma_wait3A_128] : memref<1600000x2xf32, #tpu.memory_space<hbm>> -> memref<6400x2xf32, #tpu.memory_space<hbm>>
        tpu.wait_dma2 semaphore(%run_scoped3A : memref<!tpu.dma_semaphore, #tpu.memory_space<semaphore_mem>>) src(%arg13 : memref<6400x2xf32, #tpu.memory_space<vmem>>) dst(%dma_wait3A_129 : memref<6400x2xf32, #tpu.memory_space<hbm>>)
        tpu.yield
      }) : () -> ()
    }
    %while3A_69 = arith.constant 1 : i32
    %while3A_70 = arith.constant 0 : i32
    %while3A_71 = arith.subi %select_n3A, %while3A_70 : i32
    %while3A_72 = arith.addi %while3A_70, %while3A_71 : i32
    %while3A_73 = arith.constant 1 : i32
    %while3A_74 = arith.divsi %while3A_71, %while3A_73 : i32
    %while3A_75 = arith.muli %while3A_74, %while3A_73 : i32
    %while3A_76 = arith.addi %while3A_70, %while3A_75 : i32
    %while3A_77 = arith.constant 1 : i32
    scf.for %while3A_112 = %while3A_70 to %while3A_76 step %while3A_77  : i32 {
      %mul3A_113 = arith.constant 32 : i32
      %mul3A_114 = arith.muli %while3A_112, %mul3A_113 : i32
      %add3A_115 = arith.addi %add3A, %mul3A_114 : i32
      %mul3A_116 = arith.constant 6400 : i32
      %mul3A_117 = arith.muli %add3A_115, %mul3A_116 : i32
      "tpu.region"() ({
        %run_scoped3A = tpu.sem_alloc : memref<!tpu.dma_semaphore, #tpu.memory_space<semaphore_mem>>
        %dma_start3A_122 = arith.constant 0 : i32
        %dma_start3A_123 = tpu.memref_slice %arg5[%while3A_69, %dma_start3A_122] : memref<2x1600000xi32, #tpu.memory_space<hbm>> -> memref<1x1600000xi32, #tpu.memory_space<hbm>>
        %dma_start3A_124 = tpu.memref_squeeze %dma_start3A_123 : memref<1x1600000xi32, #tpu.memory_space<hbm>> -> memref<1600000xi32, #tpu.memory_space<hbm>>
        %dma_start3A_125 = tpu.memref_slice %dma_start3A_124[%mul3A_117] : memref<1600000xi32, #tpu.memory_space<hbm>> -> memref<6400xi32, #tpu.memory_space<hbm>>
        %dma_start3A_126 = arith.constant 0 : i32
        %dma_start3A_127 = tpu.memref_slice %arg5[%while3A_69, %dma_start3A_126] : memref<2x1600000xi32, #tpu.memory_space<hbm>> -> memref<1x1600000xi32, #tpu.memory_space<hbm>>
        %dma_start3A_128 = tpu.memref_squeeze %dma_start3A_127 : memref<1x1600000xi32, #tpu.memory_space<hbm>> -> memref<1600000xi32, #tpu.memory_space<hbm>>
        %dma_start3A_129 = tpu.memref_slice %dma_start3A_128[%mul3A_117] : memref<1600000xi32, #tpu.memory_space<hbm>> -> memref<6400xi32, #tpu.memory_space<hbm>>
        tpu.enqueue_dma source(%dma_start3A_129 : memref<6400xi32, #tpu.memory_space<hbm>>) target(%arg12 : memref<6400xi32, #tpu.memory_space<vmem>>) target_semaphore(%run_scoped3A : memref<!tpu.dma_semaphore, #tpu.memory_space<semaphore_mem>>)
        %dma_wait3A_130 = arith.constant 0 : i32
        %dma_wait3A_131 = tpu.memref_slice %arg5[%while3A_69, %dma_wait3A_130] : memref<2x1600000xi32, #tpu.memory_space<hbm>> -> memref<1x1600000xi32, #tpu.memory_space<hbm>>
        %dma_wait3A_132 = tpu.memref_squeeze %dma_wait3A_131 : memref<1x1600000xi32, #tpu.memory_space<hbm>> -> memref<1600000xi32, #tpu.memory_space<hbm>>
        %dma_wait3A_133 = tpu.memref_slice %dma_wait3A_132[%mul3A_117] : memref<1600000xi32, #tpu.memory_space<hbm>> -> memref<6400xi32, #tpu.memory_space<hbm>>
        %dma_wait3A_134 = arith.constant 0 : i32
        %dma_wait3A_135 = tpu.memref_slice %arg5[%while3A_69, %dma_wait3A_134] : memref<2x1600000xi32, #tpu.memory_space<hbm>> -> memref<1x1600000xi32, #tpu.memory_space<hbm>>
        %dma_wait3A_136 = tpu.memref_squeeze %dma_wait3A_135 : memref<1x1600000xi32, #tpu.memory_space<hbm>> -> memref<1600000xi32, #tpu.memory_space<hbm>>
        %dma_wait3A_137 = tpu.memref_slice %dma_wait3A_136[%mul3A_117] : memref<1600000xi32, #tpu.memory_space<hbm>> -> memref<6400xi32, #tpu.memory_space<hbm>>
        tpu.wait_dma2 semaphore(%run_scoped3A : memref<!tpu.dma_semaphore, #tpu.memory_space<semaphore_mem>>) src(%dma_wait3A_137 : memref<6400xi32, #tpu.memory_space<hbm>>) dst(%arg12 : memref<6400xi32, #tpu.memory_space<vmem>>)
        tpu.yield
      }) : () -> ()
      %dma_start3A = arith.constant 0 : i32
      %dma_start3A_118 = arith.constant 0 : i32
      %dma_start3A_119 = tpu.memref_slice %arg2[%dma_start3A, %dma_start3A_118] : memref<100000x2xf32, #tpu.memory_space<hbm>> -> memref<100000x2xf32, #tpu.memory_space<hbm>>
      tpu.enqueue_indirect_dma source(%dma_start3A_119 : memref<100000x2xf32, #tpu.memory_space<hbm>>) target(%arg13 : memref<6400x2xf32, #tpu.memory_space<vmem>>) offsets(%arg12 : memref<6400xi32, #tpu.memory_space<vmem>>) semaphore(%arg17 : memref<!tpu.dma_semaphore, #tpu.memory_space<semaphore_mem>>)
      %dma_wait3A = arith.constant 0 : i32
      %dma_wait3A_120 = arith.constant 0 : i32
      %dma_wait3A_121 = tpu.memref_slice %arg2[%dma_wait3A, %dma_wait3A_120] : memref<100000x2xf32, #tpu.memory_space<hbm>> -> memref<100000x2xf32, #tpu.memory_space<hbm>>
      tpu.wait_indirect_dma semaphore(%arg17 : memref<!tpu.dma_semaphore, #tpu.memory_space<semaphore_mem>>) src(%dma_wait3A_121 : memref<100000x2xf32, #tpu.memory_space<hbm>>) dst(%arg13 : memref<6400x2xf32, #tpu.memory_space<vmem>>)
      "tpu.region"() ({
        %run_scoped3A = tpu.sem_alloc : memref<!tpu.dma_semaphore, #tpu.memory_space<semaphore_mem>>
        %dma_start3A_122 = arith.constant 0 : i32
        %dma_start3A_123 = tpu.memref_slice %arg9[%mul3A_117, %dma_start3A_122] : memref<1600000x2xf32, #tpu.memory_space<hbm>> -> memref<6400x2xf32, #tpu.memory_space<hbm>>
        %dma_start3A_124 = arith.constant 0 : i32
        %dma_start3A_125 = tpu.memref_slice %arg9[%mul3A_117, %dma_start3A_124] : memref<1600000x2xf32, #tpu.memory_space<hbm>> -> memref<6400x2xf32, #tpu.memory_space<hbm>>
        tpu.enqueue_dma source(%arg13 : memref<6400x2xf32, #tpu.memory_space<vmem>>) target(%dma_start3A_125 : memref<6400x2xf32, #tpu.memory_space<hbm>>) target_semaphore(%run_scoped3A : memref<!tpu.dma_semaphore, #tpu.memory_space<semaphore_mem>>)
        %dma_wait3A_126 = arith.constant 0 : i32
        %dma_wait3A_127 = tpu.memref_slice %arg9[%mul3A_117, %dma_wait3A_126] : memref<1600000x2xf32, #tpu.memory_space<hbm>> -> memref<6400x2xf32, #tpu.memory_space<hbm>>
        %dma_wait3A_128 = arith.constant 0 : i32
        %dma_wait3A_129 = tpu.memref_slice %arg9[%mul3A_117, %dma_wait3A_128] : memref<1600000x2xf32, #tpu.memory_space<hbm>> -> memref<6400x2xf32, #tpu.memory_space<hbm>>
        tpu.wait_dma2 semaphore(%run_scoped3A : memref<!tpu.dma_semaphore, #tpu.memory_space<semaphore_mem>>) src(%arg13 : memref<6400x2xf32, #tpu.memory_space<vmem>>) dst(%dma_wait3A_129 : memref<6400x2xf32, #tpu.memory_space<hbm>>)
        tpu.yield
      }) : () -> ()
      "tpu.region"() ({
        %run_scoped3A = tpu.sem_alloc : memref<!tpu.dma_semaphore, #tpu.memory_space<semaphore_mem>>
        %dma_start3A_122 = arith.constant 0 : i32
        %dma_start3A_123 = tpu.memref_slice %arg16[%dma_start3A_122] : memref<100000xf32, #tpu.memory_space<vmem_shared>> -> memref<100000xf32, #tpu.memory_space<vmem_shared>>
        tpu.enqueue_indirect_dma source(%arg14 : memref<6400xf32, #tpu.memory_space<vmem>>) target(%dma_start3A_123 : memref<100000xf32, #tpu.memory_space<vmem_shared>>) offsets(%arg12 : memref<6400xi32, #tpu.memory_space<vmem>>) semaphore(%run_scoped3A : memref<!tpu.dma_semaphore, #tpu.memory_space<semaphore_mem>>) {add = true}
        %dma_wait3A_124 = arith.constant 0 : i32
        %dma_wait3A_125 = tpu.memref_slice %arg16[%dma_wait3A_124] : memref<100000xf32, #tpu.memory_space<vmem_shared>> -> memref<100000xf32, #tpu.memory_space<vmem_shared>>
        tpu.wait_indirect_dma semaphore(%run_scoped3A : memref<!tpu.dma_semaphore, #tpu.memory_space<semaphore_mem>>) src(%arg14 : memref<6400xf32, #tpu.memory_space<vmem>>) dst(%dma_wait3A_125 : memref<100000xf32, #tpu.memory_space<vmem_shared>>)
        tpu.yield
      }) : () -> ()
    }
    %while3A_78 = arith.constant 1 : i32
    scf.for %while3A_112 = %while3A_76 to %while3A_72 step %while3A_78  : i32 {
      %mul3A_113 = arith.constant 32 : i32
      %mul3A_114 = arith.muli %while3A_112, %mul3A_113 : i32
      %add3A_115 = arith.addi %add3A, %mul3A_114 : i32
      %mul3A_116 = arith.constant 6400 : i32
      %mul3A_117 = arith.muli %add3A_115, %mul3A_116 : i32
      "tpu.region"() ({
        %run_scoped3A = tpu.sem_alloc : memref<!tpu.dma_semaphore, #tpu.memory_space<semaphore_mem>>
        %dma_start3A_122 = arith.constant 0 : i32
        %dma_start3A_123 = tpu.memref_slice %arg5[%while3A_69, %dma_start3A_122] : memref<2x1600000xi32, #tpu.memory_space<hbm>> -> memref<1x1600000xi32, #tpu.memory_space<hbm>>
        %dma_start3A_124 = tpu.memref_squeeze %dma_start3A_123 : memref<1x1600000xi32, #tpu.memory_space<hbm>> -> memref<1600000xi32, #tpu.memory_space<hbm>>
        %dma_start3A_125 = tpu.memref_slice %dma_start3A_124[%mul3A_117] : memref<1600000xi32, #tpu.memory_space<hbm>> -> memref<6400xi32, #tpu.memory_space<hbm>>
        %dma_start3A_126 = arith.constant 0 : i32
        %dma_start3A_127 = tpu.memref_slice %arg5[%while3A_69, %dma_start3A_126] : memref<2x1600000xi32, #tpu.memory_space<hbm>> -> memref<1x1600000xi32, #tpu.memory_space<hbm>>
        %dma_start3A_128 = tpu.memref_squeeze %dma_start3A_127 : memref<1x1600000xi32, #tpu.memory_space<hbm>> -> memref<1600000xi32, #tpu.memory_space<hbm>>
        %dma_start3A_129 = tpu.memref_slice %dma_start3A_128[%mul3A_117] : memref<1600000xi32, #tpu.memory_space<hbm>> -> memref<6400xi32, #tpu.memory_space<hbm>>
        tpu.enqueue_dma source(%dma_start3A_129 : memref<6400xi32, #tpu.memory_space<hbm>>) target(%arg12 : memref<6400xi32, #tpu.memory_space<vmem>>) target_semaphore(%run_scoped3A : memref<!tpu.dma_semaphore, #tpu.memory_space<semaphore_mem>>)
        %dma_wait3A_130 = arith.constant 0 : i32
        %dma_wait3A_131 = tpu.memref_slice %arg5[%while3A_69, %dma_wait3A_130] : memref<2x1600000xi32, #tpu.memory_space<hbm>> -> memref<1x1600000xi32, #tpu.memory_space<hbm>>
        %dma_wait3A_132 = tpu.memref_squeeze %dma_wait3A_131 : memref<1x1600000xi32, #tpu.memory_space<hbm>> -> memref<1600000xi32, #tpu.memory_space<hbm>>
        %dma_wait3A_133 = tpu.memref_slice %dma_wait3A_132[%mul3A_117] : memref<1600000xi32, #tpu.memory_space<hbm>> -> memref<6400xi32, #tpu.memory_space<hbm>>
        %dma_wait3A_134 = arith.constant 0 : i32
        %dma_wait3A_135 = tpu.memref_slice %arg5[%while3A_69, %dma_wait3A_134] : memref<2x1600000xi32, #tpu.memory_space<hbm>> -> memref<1x1600000xi32, #tpu.memory_space<hbm>>
        %dma_wait3A_136 = tpu.memref_squeeze %dma_wait3A_135 : memref<1x1600000xi32, #tpu.memory_space<hbm>> -> memref<1600000xi32, #tpu.memory_space<hbm>>
        %dma_wait3A_137 = tpu.memref_slice %dma_wait3A_136[%mul3A_117] : memref<1600000xi32, #tpu.memory_space<hbm>> -> memref<6400xi32, #tpu.memory_space<hbm>>
        tpu.wait_dma2 semaphore(%run_scoped3A : memref<!tpu.dma_semaphore, #tpu.memory_space<semaphore_mem>>) src(%dma_wait3A_137 : memref<6400xi32, #tpu.memory_space<hbm>>) dst(%arg12 : memref<6400xi32, #tpu.memory_space<vmem>>)
        tpu.yield
      }) : () -> ()
      %dma_start3A = arith.constant 0 : i32
      %dma_start3A_118 = arith.constant 0 : i32
      %dma_start3A_119 = tpu.memref_slice %arg2[%dma_start3A, %dma_start3A_118] : memref<100000x2xf32, #tpu.memory_space<hbm>> -> memref<100000x2xf32, #tpu.memory_space<hbm>>
      tpu.enqueue_indirect_dma source(%dma_start3A_119 : memref<100000x2xf32, #tpu.memory_space<hbm>>) target(%arg13 : memref<6400x2xf32, #tpu.memory_space<vmem>>) offsets(%arg12 : memref<6400xi32, #tpu.memory_space<vmem>>) semaphore(%arg17 : memref<!tpu.dma_semaphore, #tpu.memory_space<semaphore_mem>>)
      %dma_wait3A = arith.constant 0 : i32
      %dma_wait3A_120 = arith.constant 0 : i32
      %dma_wait3A_121 = tpu.memref_slice %arg2[%dma_wait3A, %dma_wait3A_120] : memref<100000x2xf32, #tpu.memory_space<hbm>> -> memref<100000x2xf32, #tpu.memory_space<hbm>>
      tpu.wait_indirect_dma semaphore(%arg17 : memref<!tpu.dma_semaphore, #tpu.memory_space<semaphore_mem>>) src(%dma_wait3A_121 : memref<100000x2xf32, #tpu.memory_space<hbm>>) dst(%arg13 : memref<6400x2xf32, #tpu.memory_space<vmem>>)
      "tpu.region"() ({
        %run_scoped3A = tpu.sem_alloc : memref<!tpu.dma_semaphore, #tpu.memory_space<semaphore_mem>>
        %dma_start3A_122 = arith.constant 0 : i32
        %dma_start3A_123 = tpu.memref_slice %arg9[%mul3A_117, %dma_start3A_122] : memref<1600000x2xf32, #tpu.memory_space<hbm>> -> memref<6400x2xf32, #tpu.memory_space<hbm>>
        %dma_start3A_124 = arith.constant 0 : i32
        %dma_start3A_125 = tpu.memref_slice %arg9[%mul3A_117, %dma_start3A_124] : memref<1600000x2xf32, #tpu.memory_space<hbm>> -> memref<6400x2xf32, #tpu.memory_space<hbm>>
        tpu.enqueue_dma source(%arg13 : memref<6400x2xf32, #tpu.memory_space<vmem>>) target(%dma_start3A_125 : memref<6400x2xf32, #tpu.memory_space<hbm>>) target_semaphore(%run_scoped3A : memref<!tpu.dma_semaphore, #tpu.memory_space<semaphore_mem>>)
        %dma_wait3A_126 = arith.constant 0 : i32
        %dma_wait3A_127 = tpu.memref_slice %arg9[%mul3A_117, %dma_wait3A_126] : memref<1600000x2xf32, #tpu.memory_space<hbm>> -> memref<6400x2xf32, #tpu.memory_space<hbm>>
        %dma_wait3A_128 = arith.constant 0 : i32
        %dma_wait3A_129 = tpu.memref_slice %arg9[%mul3A_117, %dma_wait3A_128] : memref<1600000x2xf32, #tpu.memory_space<hbm>> -> memref<6400x2xf32, #tpu.memory_space<hbm>>
        tpu.wait_dma2 semaphore(%run_scoped3A : memref<!tpu.dma_semaphore, #tpu.memory_space<semaphore_mem>>) src(%arg13 : memref<6400x2xf32, #tpu.memory_space<vmem>>) dst(%dma_wait3A_129 : memref<6400x2xf32, #tpu.memory_space<hbm>>)
        tpu.yield
      }) : () -> ()
      "tpu.region"() ({
        %run_scoped3A = tpu.sem_alloc : memref<!tpu.dma_semaphore, #tpu.memory_space<semaphore_mem>>
        %dma_start3A_122 = arith.constant 0 : i32
        %dma_start3A_123 = tpu.memref_slice %arg16[%dma_start3A_122] : memref<100000xf32, #tpu.memory_space<vmem_shared>> -> memref<100000xf32, #tpu.memory_space<vmem_shared>>
        tpu.enqueue_indirect_dma source(%arg14 : memref<6400xf32, #tpu.memory_space<vmem>>) target(%dma_start3A_123 : memref<100000xf32, #tpu.memory_space<vmem_shared>>) offsets(%arg12 : memref<6400xi32, #tpu.memory_space<vmem>>) semaphore(%run_scoped3A : memref<!tpu.dma_semaphore, #tpu.memory_space<semaphore_mem>>) {add = true}
        %dma_wait3A_124 = arith.constant 0 : i32
        %dma_wait3A_125 = tpu.memref_slice %arg16[%dma_wait3A_124] : memref<100000xf32, #tpu.memory_space<vmem_shared>> -> memref<100000xf32, #tpu.memory_space<vmem_shared>>
        tpu.wait_indirect_dma semaphore(%run_scoped3A : memref<!tpu.dma_semaphore, #tpu.memory_space<semaphore_mem>>) src(%arg14 : memref<6400xf32, #tpu.memory_space<vmem>>) dst(%dma_wait3A_125 : memref<100000xf32, #tpu.memory_space<vmem_shared>>)
        tpu.yield
      }) : () -> ()
    }
    %barrier3A_79 = arith.constant 0 : index
    tpu.barrier barrier_id(%barrier3A_79)
    %lt3A_80 = arith.constant 15 : i32
    %lt3A_81 = arith.cmpi slt, %arg1, %lt3A_80 : i32
    %eq3A_82 = arith.constant 0 : i32
    %eq3A_83 = arith.cmpi eq, %arg0, %eq3A_82 : i32
    %and3A_84 = arith.andi %lt3A_81, %eq3A_83 : i1
    %convert_element_type3A_85 = arith.extui %and3A_84 : i1 to i32
    %cond3A_86 = arith.constant 0 : i32
    %cond3A_87 = arith.cmpi ne, %convert_element_type3A_85, %cond3A_86 : i32
    scf.if %cond3A_87 {
      "tpu.region"() ({
        %run_scoped3A = tpu.sem_alloc : memref<!tpu.dma_semaphore, #tpu.memory_space<semaphore_mem>>
        %dma_start3A = tpu.memref_slice %arg10[%mul3A_33] : memref<100000xf32, #tpu.memory_space<hbm>> -> memref<6400xf32, #tpu.memory_space<hbm>>
        %dma_start3A_112 = tpu.memref_slice %arg16[%mul3A_33] : memref<100000xf32, #tpu.memory_space<vmem_shared>> -> memref<6400xf32, #tpu.memory_space<vmem_shared>>
        tpu.enqueue_dma source(%dma_start3A_112 : memref<6400xf32, #tpu.memory_space<vmem_shared>>) target(%dma_start3A : memref<6400xf32, #tpu.memory_space<hbm>>) target_semaphore(%run_scoped3A : memref<!tpu.dma_semaphore, #tpu.memory_space<semaphore_mem>>)
        %dma_wait3A = tpu.memref_slice %arg10[%mul3A_33] : memref<100000xf32, #tpu.memory_space<hbm>> -> memref<6400xf32, #tpu.memory_space<hbm>>
        %dma_wait3A_113 = tpu.memref_slice %arg16[%mul3A_33] : memref<100000xf32, #tpu.memory_space<vmem_shared>> -> memref<6400xf32, #tpu.memory_space<vmem_shared>>
        tpu.wait_dma2 semaphore(%run_scoped3A : memref<!tpu.dma_semaphore, #tpu.memory_space<semaphore_mem>>) src(%dma_wait3A_113 : memref<6400xf32, #tpu.memory_space<vmem_shared>>) dst(%dma_wait3A : memref<6400xf32, #tpu.memory_space<hbm>>)
        tpu.yield
      }) : () -> ()
    } else {
    }
    %eq3A_88 = arith.constant 15 : i32
    %eq3A_89 = arith.cmpi eq, %arg1, %eq3A_88 : i32
    %eq3A_90 = arith.constant 0 : i32
    %eq3A_91 = arith.cmpi eq, %arg0, %eq3A_90 : i32
    %and3A_92 = arith.andi %eq3A_89, %eq3A_91 : i1
    %convert_element_type3A_93 = arith.extui %and3A_92 : i1 to i32
    %cond3A_94 = arith.constant 0 : i32
    %cond3A_95 = arith.cmpi ne, %convert_element_type3A_93, %cond3A_94 : i32
    scf.if %cond3A_95 {
      "tpu.region"() ({
        %run_scoped3A = tpu.sem_alloc : memref<!tpu.dma_semaphore, #tpu.memory_space<semaphore_mem>>
        %dma_start3A = tpu.memref_slice %arg10[%mul3A_33] : memref<100000xf32, #tpu.memory_space<hbm>> -> memref<4000xf32, #tpu.memory_space<hbm>>
        %dma_start3A_112 = tpu.memref_slice %arg16[%mul3A_33] : memref<100000xf32, #tpu.memory_space<vmem_shared>> -> memref<4000xf32, #tpu.memory_space<vmem_shared>>
        tpu.enqueue_dma source(%dma_start3A_112 : memref<4000xf32, #tpu.memory_space<vmem_shared>>) target(%dma_start3A : memref<4000xf32, #tpu.memory_space<hbm>>) target_semaphore(%run_scoped3A : memref<!tpu.dma_semaphore, #tpu.memory_space<semaphore_mem>>)
        %dma_wait3A = tpu.memref_slice %arg10[%mul3A_33] : memref<100000xf32, #tpu.memory_space<hbm>> -> memref<4000xf32, #tpu.memory_space<hbm>>
        %dma_wait3A_113 = tpu.memref_slice %arg16[%mul3A_33] : memref<100000xf32, #tpu.memory_space<vmem_shared>> -> memref<4000xf32, #tpu.memory_space<vmem_shared>>
        tpu.wait_dma2 semaphore(%run_scoped3A : memref<!tpu.dma_semaphore, #tpu.memory_space<semaphore_mem>>) src(%dma_wait3A_113 : memref<4000xf32, #tpu.memory_space<vmem_shared>>) dst(%dma_wait3A : memref<4000xf32, #tpu.memory_space<hbm>>)
        tpu.yield
      }) : () -> ()
    } else {
    }
    %lt3A_96 = arith.constant 15 : i32
    %lt3A_97 = arith.cmpi slt, %arg1, %lt3A_96 : i32
    %eq3A_98 = arith.constant 1 : i32
    %eq3A_99 = arith.cmpi eq, %arg0, %eq3A_98 : i32
    %and3A_100 = arith.andi %lt3A_97, %eq3A_99 : i1
    %convert_element_type3A_101 = arith.extui %and3A_100 : i1 to i32
    %cond3A_102 = arith.constant 0 : i32
    %cond3A_103 = arith.cmpi ne, %convert_element_type3A_101, %cond3A_102 : i32
    scf.if %cond3A_103 {
      "tpu.region"() ({
        %run_scoped3A = tpu.sem_alloc : memref<!tpu.dma_semaphore, #tpu.memory_space<semaphore_mem>>
        %dma_start3A = tpu.memref_slice %arg11[%mul3A_33] : memref<100000xf32, #tpu.memory_space<hbm>> -> memref<6400xf32, #tpu.memory_space<hbm>>
        %dma_start3A_112 = tpu.memref_slice %arg16[%mul3A_33] : memref<100000xf32, #tpu.memory_space<vmem_shared>> -> memref<6400xf32, #tpu.memory_space<vmem_shared>>
        tpu.enqueue_dma source(%dma_start3A_112 : memref<6400xf32, #tpu.memory_space<vmem_shared>>) target(%dma_start3A : memref<6400xf32, #tpu.memory_space<hbm>>) target_semaphore(%run_scoped3A : memref<!tpu.dma_semaphore, #tpu.memory_space<semaphore_mem>>)
        %dma_wait3A = tpu.memref_slice %arg11[%mul3A_33] : memref<100000xf32, #tpu.memory_space<hbm>> -> memref<6400xf32, #tpu.memory_space<hbm>>
        %dma_wait3A_113 = tpu.memref_slice %arg16[%mul3A_33] : memref<100000xf32, #tpu.memory_space<vmem_shared>> -> memref<6400xf32, #tpu.memory_space<vmem_shared>>
        tpu.wait_dma2 semaphore(%run_scoped3A : memref<!tpu.dma_semaphore, #tpu.memory_space<semaphore_mem>>) src(%dma_wait3A_113 : memref<6400xf32, #tpu.memory_space<vmem_shared>>) dst(%dma_wait3A : memref<6400xf32, #tpu.memory_space<hbm>>)
        tpu.yield
      }) : () -> ()
    } else {
    }
    %eq3A_104 = arith.constant 15 : i32
    %eq3A_105 = arith.cmpi eq, %arg1, %eq3A_104 : i32
    %eq3A_106 = arith.constant 1 : i32
    %eq3A_107 = arith.cmpi eq, %arg0, %eq3A_106 : i32
    %and3A_108 = arith.andi %eq3A_105, %eq3A_107 : i1
    %convert_element_type3A_109 = arith.extui %and3A_108 : i1 to i32
    %cond3A_110 = arith.constant 0 : i32
    %cond3A_111 = arith.cmpi ne, %convert_element_type3A_109, %cond3A_110 : i32
    scf.if %cond3A_111 {
      "tpu.region"() ({
        %run_scoped3A = tpu.sem_alloc : memref<!tpu.dma_semaphore, #tpu.memory_space<semaphore_mem>>
        %dma_start3A = tpu.memref_slice %arg11[%mul3A_33] : memref<100000xf32, #tpu.memory_space<hbm>> -> memref<4000xf32, #tpu.memory_space<hbm>>
        %dma_start3A_112 = tpu.memref_slice %arg16[%mul3A_33] : memref<100000xf32, #tpu.memory_space<vmem_shared>> -> memref<4000xf32, #tpu.memory_space<vmem_shared>>
        tpu.enqueue_dma source(%dma_start3A_112 : memref<4000xf32, #tpu.memory_space<vmem_shared>>) target(%dma_start3A : memref<4000xf32, #tpu.memory_space<hbm>>) target_semaphore(%run_scoped3A : memref<!tpu.dma_semaphore, #tpu.memory_space<semaphore_mem>>)
        %dma_wait3A = tpu.memref_slice %arg11[%mul3A_33] : memref<100000xf32, #tpu.memory_space<hbm>> -> memref<4000xf32, #tpu.memory_space<hbm>>
        %dma_wait3A_113 = tpu.memref_slice %arg16[%mul3A_33] : memref<100000xf32, #tpu.memory_space<vmem_shared>> -> memref<4000xf32, #tpu.memory_space<vmem_shared>>
        tpu.wait_dma2 semaphore(%run_scoped3A : memref<!tpu.dma_semaphore, #tpu.memory_space<semaphore_mem>>) src(%dma_wait3A_113 : memref<4000xf32, #tpu.memory_space<vmem_shared>>) dst(%dma_wait3A : memref<4000xf32, #tpu.memory_space<hbm>>)
        tpu.yield
      }) : () -> ()
    } else {
    }
    return
  }
}

module attributes {stable_mosaic.version = 14 : i64} {
  func.func @_icnn_body(%arg0: i32, %arg1: memref<2000x32xf32, #tpu.memory_space<vmem>>, %arg2: memref<32x32xf32, #tpu.memory_space<vmem>>, %arg3: memref<32x32xf32, #tpu.memory_space<vmem>>, %arg4: memref<32x32xf32, #tpu.memory_space<vmem>>, %arg5: memref<1x32xf32, #tpu.memory_space<vmem>>, %arg6: memref<1x32xf32, #tpu.memory_space<vmem>>, %arg7: memref<1x32xf32, #tpu.memory_space<vmem>>, %arg8: memref<1x32xf32, #tpu.memory_space<vmem>>, %arg9: memref<1x32xf32, #tpu.memory_space<vmem>>, %arg10: memref<2x2000x16xf32, #tpu.memory_space<vmem>>) attributes {dimension_semantics = [#tpu.dimension_semantics<arbitrary>], iteration_bounds = array<i64: 50>, scalar_prefetch = 0 : i64, scratch_operands = 0 : i64, tpu.core_type = #tpu.core_type<tc>, window_params = [{transform_indices = @transform_0, window_bounds = array<i64: 2000, 32>}, {pipeline_mode = #tpu.pipeline_mode<synchronous>, transform_indices = @transform_1, window_bounds = array<i64: 32, 32>}, {pipeline_mode = #tpu.pipeline_mode<synchronous>, transform_indices = @transform_2, window_bounds = array<i64: 32, 32>}, {pipeline_mode = #tpu.pipeline_mode<synchronous>, transform_indices = @transform_3, window_bounds = array<i64: 32, 32>}, {pipeline_mode = #tpu.pipeline_mode<synchronous>, transform_indices = @transform_4, window_bounds = array<i64: 1, 32>}, {pipeline_mode = #tpu.pipeline_mode<synchronous>, transform_indices = @transform_5, window_bounds = array<i64: 1, 32>}, {pipeline_mode = #tpu.pipeline_mode<synchronous>, transform_indices = @transform_6, window_bounds = array<i64: 1, 32>}, {pipeline_mode = #tpu.pipeline_mode<synchronous>, transform_indices = @transform_7, window_bounds = array<i64: 1, 32>}, {pipeline_mode = #tpu.pipeline_mode<synchronous>, transform_indices = @transform_8, window_bounds = array<i64: 1, 32>}, {transform_indices = @transform_9, window_bounds = array<i64: 2, 2000, 16>}]} {
    %get3A = arith.constant 0 : index
    %get3A_0 = arith.constant 0 : index
    %get3A_1 = vector.load %arg1[%get3A, %get3A_0] : memref<2000x32xf32, #tpu.memory_space<vmem>>, vector<2000x32xf32>
    %get3A_2 = arith.constant 0 : index
    %get3A_3 = arith.constant 0 : index
    %get3A_4 = vector.load %arg2[%get3A_2, %get3A_3] : memref<32x32xf32, #tpu.memory_space<vmem>>, vector<32x32xf32>
    %max3A = arith.constant 0.000000e+00 : f32
    %max3A_5 = vector.broadcast %max3A : f32 to vector<32x32xf32>
    %max3A_6 = arith.maximumf %get3A_4, %max3A_5 : vector<32x32xf32>
    %dot_general3A = arith.constant dense<0.000000e+00> : vector<2000x32xf32>
    %dot_general3A_7 = tpu.matmul %get3A_1, %max3A_6, %dot_general3A {dimension_numbers = #tpu.dot_dimension_numbers<[1], [0], [0], [1], [0, 0, 1, 1], [], []>, transpose_lhs_hint = false} : vector<2000x32xf32>, vector<32x32xf32>, vector<2000x32xf32> -> vector<2000x32xf32>
    %get3A_8 = arith.constant 0 : index
    %get3A_9 = arith.constant 0 : index
    %get3A_10 = vector.load %arg5[%get3A_8, %get3A_9] : memref<1x32xf32, #tpu.memory_space<vmem>>, vector<1x32xf32>
    %add3A = vector.broadcast %get3A_10 : vector<1x32xf32> to vector<2000x32xf32>
    %add3A_11 = arith.addf %dot_general3A_7, %add3A : vector<2000x32xf32>
    %get3A_12 = arith.constant 0 : index
    %get3A_13 = arith.constant 0 : index
    %get3A_14 = vector.load %arg8[%get3A_12, %get3A_13] : memref<1x32xf32, #tpu.memory_space<vmem>>, vector<1x32xf32>
    %jit3A = arith.constant 0.000000e+00 : f32
    %jit3A_15 = arith.constant 1.000000e+00 : f32
    %max3A_16 = vector.broadcast %jit3A : f32 to vector<1x32xf32>
    %max3A_17 = arith.maximumf %max3A_16, %get3A_14 : vector<1x32xf32>
    %min3A = vector.broadcast %jit3A_15 : f32 to vector<1x32xf32>
    %min3A_18 = arith.minimumf %min3A, %max3A_17 : vector<1x32xf32>
    %ge3A = arith.constant 0.000000e+00 : f32
    %ge3A_19 = vector.broadcast %ge3A : f32 to vector<2000x32xf32>
    %ge3A_20 = arith.cmpf oge, %add3A_11, %ge3A_19 : vector<2000x32xf32>
    %mul3A = vector.broadcast %min3A_18 : vector<1x32xf32> to vector<2000x32xf32>
    %mul3A_21 = arith.mulf %mul3A, %add3A_11 : vector<2000x32xf32>
    %select_n3A = arith.select %ge3A_20, %add3A_11, %mul3A_21 : vector<2000x32xi1>, vector<2000x32xf32>
    %get3A_22 = arith.constant 0 : index
    %get3A_23 = arith.constant 0 : index
    %get3A_24 = vector.load %arg3[%get3A_22, %get3A_23] : memref<32x32xf32, #tpu.memory_space<vmem>>, vector<32x32xf32>
    %max3A_25 = arith.constant 0.000000e+00 : f32
    %max3A_26 = vector.broadcast %max3A_25 : f32 to vector<32x32xf32>
    %max3A_27 = arith.maximumf %get3A_24, %max3A_26 : vector<32x32xf32>
    %dot_general3A_28 = arith.constant dense<0.000000e+00> : vector<2000x32xf32>
    %dot_general3A_29 = tpu.matmul %select_n3A, %max3A_27, %dot_general3A_28 {dimension_numbers = #tpu.dot_dimension_numbers<[1], [0], [0], [1], [0, 0, 1, 1], [], []>, transpose_lhs_hint = false} : vector<2000x32xf32>, vector<32x32xf32>, vector<2000x32xf32> -> vector<2000x32xf32>
    %get3A_30 = arith.constant 0 : index
    %get3A_31 = arith.constant 0 : index
    %get3A_32 = vector.load %arg6[%get3A_30, %get3A_31] : memref<1x32xf32, #tpu.memory_space<vmem>>, vector<1x32xf32>
    %add3A_33 = vector.broadcast %get3A_32 : vector<1x32xf32> to vector<2000x32xf32>
    %add3A_34 = arith.addf %dot_general3A_29, %add3A_33 : vector<2000x32xf32>
    %get3A_35 = arith.constant 0 : index
    %get3A_36 = arith.constant 0 : index
    %get3A_37 = vector.load %arg9[%get3A_35, %get3A_36] : memref<1x32xf32, #tpu.memory_space<vmem>>, vector<1x32xf32>
    %jit3A_38 = arith.constant 0.000000e+00 : f32
    %jit3A_39 = arith.constant 1.000000e+00 : f32
    %max3A_40 = vector.broadcast %jit3A_38 : f32 to vector<1x32xf32>
    %max3A_41 = arith.maximumf %max3A_40, %get3A_37 : vector<1x32xf32>
    %min3A_42 = vector.broadcast %jit3A_39 : f32 to vector<1x32xf32>
    %min3A_43 = arith.minimumf %min3A_42, %max3A_41 : vector<1x32xf32>
    %ge3A_44 = arith.constant 0.000000e+00 : f32
    %ge3A_45 = vector.broadcast %ge3A_44 : f32 to vector<2000x32xf32>
    %ge3A_46 = arith.cmpf oge, %add3A_34, %ge3A_45 : vector<2000x32xf32>
    %mul3A_47 = vector.broadcast %min3A_43 : vector<1x32xf32> to vector<2000x32xf32>
    %mul3A_48 = arith.mulf %mul3A_47, %add3A_34 : vector<2000x32xf32>
    %select_n3A_49 = arith.select %ge3A_46, %add3A_34, %mul3A_48 : vector<2000x32xi1>, vector<2000x32xf32>
    %get3A_50 = arith.constant 0 : index
    %get3A_51 = arith.constant 0 : index
    %get3A_52 = vector.load %arg4[%get3A_50, %get3A_51] : memref<32x32xf32, #tpu.memory_space<vmem>>, vector<32x32xf32>
    %max3A_53 = arith.constant 0.000000e+00 : f32
    %max3A_54 = vector.broadcast %max3A_53 : f32 to vector<32x32xf32>
    %max3A_55 = arith.maximumf %get3A_52, %max3A_54 : vector<32x32xf32>
    %dot_general3A_56 = arith.constant dense<0.000000e+00> : vector<2000x32xf32>
    %dot_general3A_57 = tpu.matmul %select_n3A_49, %max3A_55, %dot_general3A_56 {dimension_numbers = #tpu.dot_dimension_numbers<[1], [0], [0], [1], [0, 0, 1, 1], [], []>, transpose_lhs_hint = false} : vector<2000x32xf32>, vector<32x32xf32>, vector<2000x32xf32> -> vector<2000x32xf32>
    %get3A_58 = arith.constant 0 : index
    %get3A_59 = arith.constant 0 : index
    %get3A_60 = vector.load %arg7[%get3A_58, %get3A_59] : memref<1x32xf32, #tpu.memory_space<vmem>>, vector<1x32xf32>
    %add3A_61 = vector.broadcast %get3A_60 : vector<1x32xf32> to vector<2000x32xf32>
    %add3A_62 = arith.addf %dot_general3A_57, %add3A_61 : vector<2000x32xf32>
    %slice3A = vector.extract_strided_slice %add3A_62 {offsets = [0, 0], sizes = [2000, 16], strides = [1, 1]} : vector<2000x32xf32> to vector<2000x16xf32>
    %swap3A = arith.constant 0 : index
    %swap3A_63 = arith.constant 0 : index
    %swap3A_64 = arith.constant 0 : index
    %swap3A_65 = vector.load %arg10[%swap3A, %swap3A_63, %swap3A_64] : memref<2x2000x16xf32, #tpu.memory_space<vmem>>, vector<1x2000x16xf32>
    %swap3A_66 = vector.shape_cast %swap3A_65 : vector<1x2000x16xf32> to vector<2000x16xf32>
    %swap3A_67 = vector.shape_cast %slice3A : vector<2000x16xf32> to vector<1x2000x16xf32>
    tpu.vector_store %arg10[%swap3A, %swap3A_63, %swap3A_64], %swap3A_67 {strides = array<i32>} : memref<2x2000x16xf32, #tpu.memory_space<vmem>>, vector<1x2000x16xf32>,
    %slice3A_68 = vector.extract_strided_slice %add3A_62 {offsets = [0, 16], sizes = [2000, 16], strides = [1, 1]} : vector<2000x32xf32> to vector<2000x16xf32>
    %swap3A_69 = arith.constant 1 : index
    %swap3A_70 = arith.constant 0 : index
    %swap3A_71 = arith.constant 0 : index
    %swap3A_72 = vector.load %arg10[%swap3A_69, %swap3A_70, %swap3A_71] : memref<2x2000x16xf32, #tpu.memory_space<vmem>>, vector<1x2000x16xf32>
    %swap3A_73 = vector.shape_cast %swap3A_72 : vector<1x2000x16xf32> to vector<2000x16xf32>
    %swap3A_74 = vector.shape_cast %slice3A_68 : vector<2000x16xf32> to vector<1x2000x16xf32>
    tpu.vector_store %arg10[%swap3A_69, %swap3A_70, %swap3A_71], %swap3A_74 {strides = array<i32>} : memref<2x2000x16xf32, #tpu.memory_space<vmem>>, vector<1x2000x16xf32>,
    return
  }
  func.func @transform_0(%arg0: i32) -> (i32, i32) {
    %c0_i32 = arith.constant 0 : i32
    %c0_i32_0 = arith.constant 0 : i32
    return %arg0, %c0_i32 : i32, i32
  }
  func.func @transform_1(%arg0: i32) -> (i32, i32) {
    %c0_i32 = arith.constant 0 : i32
    %c0_i32_0 = arith.constant 0 : i32
    %c0_i32_1 = arith.constant 0 : i32
    return %c0_i32, %c0_i32_0 : i32, i32
  }
  func.func @transform_2(%arg0: i32) -> (i32, i32) {
    %c0_i32 = arith.constant 0 : i32
    %c0_i32_0 = arith.constant 0 : i32
    %c0_i32_1 = arith.constant 0 : i32
    return %c0_i32, %c0_i32_0 : i32, i32
  }
  func.func @transform_3(%arg0: i32) -> (i32, i32) {
    %c0_i32 = arith.constant 0 : i32
    %c0_i32_0 = arith.constant 0 : i32
    %c0_i32_1 = arith.constant 0 : i32
    return %c0_i32, %c0_i32_0 : i32, i32
  }
  func.func @transform_4(%arg0: i32) -> (i32, i32) {
    %c0_i32 = arith.constant 0 : i32
    %c0_i32_0 = arith.constant 0 : i32
    %c0_i32_1 = arith.constant 0 : i32
    return %c0_i32, %c0_i32_0 : i32, i32
  }
  func.func @transform_5(%arg0: i32) -> (i32, i32) {
    %c0_i32 = arith.constant 0 : i32
    %c0_i32_0 = arith.constant 0 : i32
    %c0_i32_1 = arith.constant 0 : i32
    return %c0_i32, %c0_i32_0 : i32, i32
  }
  func.func @transform_6(%arg0: i32) -> (i32, i32) {
    %c0_i32 = arith.constant 0 : i32
    %c0_i32_0 = arith.constant 0 : i32
    %c0_i32_1 = arith.constant 0 : i32
    return %c0_i32, %c0_i32_0 : i32, i32
  }
  func.func @transform_7(%arg0: i32) -> (i32, i32) {
    %c0_i32 = arith.constant 0 : i32
    %c0_i32_0 = arith.constant 0 : i32
    %c0_i32_1 = arith.constant 0 : i32
    return %c0_i32, %c0_i32_0 : i32, i32
  }
  func.func @transform_8(%arg0: i32) -> (i32, i32) {
    %c0_i32 = arith.constant 0 : i32
    %c0_i32_0 = arith.constant 0 : i32
    %c0_i32_1 = arith.constant 0 : i32
    return %c0_i32, %c0_i32_0 : i32, i32
  }
  func.func @transform_9(%arg0: i32) -> (i32, i32, i32) {
    %c0_i32 = arith.constant 0 : i32
    %c0_i32_0 = arith.constant 0 : i32
    %c0_i32_1 = arith.constant 0 : i32
    return %c0_i32, %arg0, %c0_i32_0 : i32, i32, i32
  }
}

module attributes {stable_mosaic.version = 14 : i64} {
  func.func @_gate_body(%arg0: i32, %arg1: memref<4000x2xf32, #tpu.memory_space<vmem>>, %arg2: memref<4000x2xf32, #tpu.memory_space<vmem>>, %arg3: memref<4000x1xf32, #tpu.memory_space<vmem>>, %arg4: memref<8x32xf32, #tpu.memory_space<vmem>>, %arg5: memref<32x32xf32, #tpu.memory_space<vmem>>, %arg6: memref<32x32xf32, #tpu.memory_space<vmem>>, %arg7: memref<1x32xf32, #tpu.memory_space<vmem>>, %arg8: memref<1x32xf32, #tpu.memory_space<vmem>>, %arg9: memref<1x32xf32, #tpu.memory_space<vmem>>, %arg10: memref<4000x32xf32, #tpu.memory_space<vmem>>) attributes {dimension_semantics = [#tpu.dimension_semantics<arbitrary>], iteration_bounds = array<i64: 400>, scalar_prefetch = 0 : i64, scratch_operands = 0 : i64, tpu.core_type = #tpu.core_type<tc>, window_params = [{transform_indices = @transform_0, window_bounds = array<i64: 4000, 2>}, {transform_indices = @transform_1, window_bounds = array<i64: 4000, 2>}, {transform_indices = @transform_2, window_bounds = array<i64: 4000, 1>}, {pipeline_mode = #tpu.pipeline_mode<synchronous>, transform_indices = @transform_3, window_bounds = array<i64: 8, 32>}, {pipeline_mode = #tpu.pipeline_mode<synchronous>, transform_indices = @transform_4, window_bounds = array<i64: 32, 32>}, {pipeline_mode = #tpu.pipeline_mode<synchronous>, transform_indices = @transform_5, window_bounds = array<i64: 32, 32>}, {pipeline_mode = #tpu.pipeline_mode<synchronous>, transform_indices = @transform_6, window_bounds = array<i64: 1, 32>}, {pipeline_mode = #tpu.pipeline_mode<synchronous>, transform_indices = @transform_7, window_bounds = array<i64: 1, 32>}, {pipeline_mode = #tpu.pipeline_mode<synchronous>, transform_indices = @transform_8, window_bounds = array<i64: 1, 32>}, {transform_indices = @transform_9, window_bounds = array<i64: 4000, 32>}]} {
    %get3A = arith.constant 0 : index
    %get3A_0 = arith.constant 0 : index
    %get3A_1 = vector.load %arg4[%get3A, %get3A_0] : memref<8x32xf32, #tpu.memory_space<vmem>>, vector<8x32xf32>
    %get3A_2 = arith.constant 0 : index
    %get3A_3 = arith.constant 0 : index
    %get3A_4 = vector.load %arg1[%get3A_2, %get3A_3] : memref<4000x2xf32, #tpu.memory_space<vmem>>, vector<4000x2xf32>
    %slice3A = vector.extract_strided_slice %get3A_1 {offsets = [0, 0], sizes = [2, 32], strides = [1, 1]} : vector<8x32xf32> to vector<2x32xf32>
    %dot_general3A = arith.constant dense<0.000000e+00> : vector<4000x32xf32>
    %dot_general3A_5 = tpu.matmul %get3A_4, %slice3A, %dot_general3A {dimension_numbers = #tpu.dot_dimension_numbers<[1], [0], [0], [1], [0, 0, 1, 1], [], []>, transpose_lhs_hint = false} : vector<4000x2xf32>, vector<2x32xf32>, vector<4000x32xf32> -> vector<4000x32xf32>
    %get3A_6 = arith.constant 0 : index
    %get3A_7 = arith.constant 0 : index
    %get3A_8 = vector.load %arg2[%get3A_6, %get3A_7] : memref<4000x2xf32, #tpu.memory_space<vmem>>, vector<4000x2xf32>
    %slice3A_9 = vector.extract_strided_slice %get3A_1 {offsets = [2, 0], sizes = [2, 32], strides = [1, 1]} : vector<8x32xf32> to vector<2x32xf32>
    %dot_general3A_10 = arith.constant dense<0.000000e+00> : vector<4000x32xf32>
    %dot_general3A_11 = tpu.matmul %get3A_8, %slice3A_9, %dot_general3A_10 {dimension_numbers = #tpu.dot_dimension_numbers<[1], [0], [0], [1], [0, 0, 1, 1], [], []>, transpose_lhs_hint = false} : vector<4000x2xf32>, vector<2x32xf32>, vector<4000x32xf32> -> vector<4000x32xf32>
    %add3A = arith.addf %dot_general3A_5, %dot_general3A_11 : vector<4000x32xf32>
    %get3A_12 = arith.constant 0 : index
    %get3A_13 = arith.constant 0 : index
    %get3A_14 = vector.load %arg3[%get3A_12, %get3A_13] : memref<4000x1xf32, #tpu.memory_space<vmem>>, vector<4000x1xf32>
    %slice3A_15 = vector.extract_strided_slice %get3A_1 {offsets = [4, 0], sizes = [1, 32], strides = [1, 1]} : vector<8x32xf32> to vector<1x32xf32>
    %dot_general3A_16 = arith.constant dense<0.000000e+00> : vector<4000x32xf32>
    %dot_general3A_17 = tpu.matmul %get3A_14, %slice3A_15, %dot_general3A_16 {dimension_numbers = #tpu.dot_dimension_numbers<[1], [0], [0], [1], [0, 0, 1, 1], [], []>, transpose_lhs_hint = false} : vector<4000x1xf32>, vector<1x32xf32>, vector<4000x32xf32> -> vector<4000x32xf32>
    %add3A_18 = arith.addf %add3A, %dot_general3A_17 : vector<4000x32xf32>
    %get3A_19 = arith.constant 0 : index
    %get3A_20 = arith.constant 0 : index
    %get3A_21 = vector.load %arg7[%get3A_19, %get3A_20] : memref<1x32xf32, #tpu.memory_space<vmem>>, vector<1x32xf32>
    %add3A_22 = vector.broadcast %get3A_21 : vector<1x32xf32> to vector<4000x32xf32>
    %add3A_23 = arith.addf %add3A_18, %add3A_22 : vector<4000x32xf32>
    %tanh3A = math.tanh %add3A_23 : vector<4000x32xf32>
    %get3A_24 = arith.constant 0 : index
    %get3A_25 = arith.constant 0 : index
    %get3A_26 = vector.load %arg5[%get3A_24, %get3A_25] : memref<32x32xf32, #tpu.memory_space<vmem>>, vector<32x32xf32>
    %dot_general3A_27 = arith.constant dense<0.000000e+00> : vector<4000x32xf32>
    %dot_general3A_28 = tpu.matmul %tanh3A, %get3A_26, %dot_general3A_27 {dimension_numbers = #tpu.dot_dimension_numbers<[1], [0], [0], [1], [0, 0, 1, 1], [], []>, transpose_lhs_hint = false} : vector<4000x32xf32>, vector<32x32xf32>, vector<4000x32xf32> -> vector<4000x32xf32>
    %get3A_29 = arith.constant 0 : index
    %get3A_30 = arith.constant 0 : index
    %get3A_31 = vector.load %arg8[%get3A_29, %get3A_30] : memref<1x32xf32, #tpu.memory_space<vmem>>, vector<1x32xf32>
    %add3A_32 = vector.broadcast %get3A_31 : vector<1x32xf32> to vector<4000x32xf32>
    %add3A_33 = arith.addf %dot_general3A_28, %add3A_32 : vector<4000x32xf32>
    %tanh3A_34 = math.tanh %add3A_33 : vector<4000x32xf32>
    %get3A_35 = arith.constant 0 : index
    %get3A_36 = arith.constant 0 : index
    %get3A_37 = vector.load %arg6[%get3A_35, %get3A_36] : memref<32x32xf32, #tpu.memory_space<vmem>>, vector<32x32xf32>
    %dot_general3A_38 = arith.constant dense<0.000000e+00> : vector<4000x32xf32>
    %dot_general3A_39 = tpu.matmul %tanh3A_34, %get3A_37, %dot_general3A_38 {dimension_numbers = #tpu.dot_dimension_numbers<[1], [0], [0], [1], [0, 0, 1, 1], [], []>, transpose_lhs_hint = false} : vector<4000x32xf32>, vector<32x32xf32>, vector<4000x32xf32> -> vector<4000x32xf32>
    %get3A_40 = arith.constant 0 : index
    %get3A_41 = arith.constant 0 : index
    %get3A_42 = vector.load %arg9[%get3A_40, %get3A_41] : memref<1x32xf32, #tpu.memory_space<vmem>>, vector<1x32xf32>
    %add3A_43 = vector.broadcast %get3A_42 : vector<1x32xf32> to vector<4000x32xf32>
    %add3A_44 = arith.addf %dot_general3A_39, %add3A_43 : vector<4000x32xf32>
    %logistic3A = arith.negf %add3A_44 : vector<4000x32xf32>
    %logistic3A_45 = math.exp %logistic3A : vector<4000x32xf32>
    %logistic3A_46 = arith.constant 1.000000e+00 : f32
    %logistic3A_47 = vector.broadcast %logistic3A_46 : f32 to vector<4000x32xf32>
    %logistic3A_48 = arith.addf %logistic3A_47, %logistic3A_45 : vector<4000x32xf32>
    %logistic3A_49 = arith.divf %logistic3A_47, %logistic3A_48 : vector<4000x32xf32>
    %swap3A = arith.constant 0 : index
    %swap3A_50 = arith.constant 0 : index
    %swap3A_51 = vector.load %arg10[%swap3A, %swap3A_50] : memref<4000x32xf32, #tpu.memory_space<vmem>>, vector<4000x32xf32>
    tpu.vector_store %arg10[%swap3A, %swap3A_50], %logistic3A_49 {strides = array<i32>} : memref<4000x32xf32, #tpu.memory_space<vmem>>, vector<4000x32xf32>,
    return
  }
  func.func @transform_0(%arg0: i32) -> (i32, i32) {
    %c0_i32 = arith.constant 0 : i32
    %c0_i32_0 = arith.constant 0 : i32
    return %arg0, %c0_i32 : i32, i32
  }
  func.func @transform_1(%arg0: i32) -> (i32, i32) {
    %c0_i32 = arith.constant 0 : i32
    %c0_i32_0 = arith.constant 0 : i32
    return %arg0, %c0_i32 : i32, i32
  }
  func.func @transform_2(%arg0: i32) -> (i32, i32) {
    %c0_i32 = arith.constant 0 : i32
    %c0_i32_0 = arith.constant 0 : i32
    return %arg0, %c0_i32 : i32, i32
  }
  func.func @transform_3(%arg0: i32) -> (i32, i32) {
    %c0_i32 = arith.constant 0 : i32
    %c0_i32_0 = arith.constant 0 : i32
    %c0_i32_1 = arith.constant 0 : i32
    return %c0_i32, %c0_i32_0 : i32, i32
  }
  func.func @transform_4(%arg0: i32) -> (i32, i32) {
    %c0_i32 = arith.constant 0 : i32
    %c0_i32_0 = arith.constant 0 : i32
    %c0_i32_1 = arith.constant 0 : i32
    return %c0_i32, %c0_i32_0 : i32, i32
  }
  func.func @transform_5(%arg0: i32) -> (i32, i32) {
    %c0_i32 = arith.constant 0 : i32
    %c0_i32_0 = arith.constant 0 : i32
    %c0_i32_1 = arith.constant 0 : i32
    return %c0_i32, %c0_i32_0 : i32, i32
  }
  func.func @transform_6(%arg0: i32) -> (i32, i32) {
    %c0_i32 = arith.constant 0 : i32
    %c0_i32_0 = arith.constant 0 : i32
    %c0_i32_1 = arith.constant 0 : i32
    return %c0_i32, %c0_i32_0 : i32, i32
  }
  func.func @transform_7(%arg0: i32) -> (i32, i32) {
    %c0_i32 = arith.constant 0 : i32
    %c0_i32_0 = arith.constant 0 : i32
    %c0_i32_1 = arith.constant 0 : i32
    return %c0_i32, %c0_i32_0 : i32, i32
  }
  func.func @transform_8(%arg0: i32) -> (i32, i32) {
    %c0_i32 = arith.constant 0 : i32
    %c0_i32_0 = arith.constant 0 : i32
    %c0_i32_1 = arith.constant 0 : i32
    return %c0_i32, %c0_i32_0 : i32, i32
  }
  func.func @transform_9(%arg0: i32) -> (i32, i32) {
    %c0_i32 = arith.constant 0 : i32
    %c0_i32_0 = arith.constant 0 : i32
    return %arg0, %c0_i32 : i32, i32
  }
}

module attributes {stable_mosaic.version = 14 : i64} {
  func.func @_upd_body(%arg0: i32, %arg1: memref<2000x32xf32, #tpu.memory_space<vmem>>, %arg2: memref<2000x2xf32, #tpu.memory_space<vmem>>, %arg3: memref<2x2000x16xf32, #tpu.memory_space<vmem>>, %arg4: memref<2x2000x16xf32, #tpu.memory_space<vmem>>, %arg5: memref<2x2000x1xf32, #tpu.memory_space<vmem>>, %arg6: memref<2x32xf32, #tpu.memory_space<vmem>>, %arg7: memref<2x32xf32, #tpu.memory_space<vmem>>, %arg8: memref<96x32xf32, #tpu.memory_space<vmem>>, %arg9: memref<1x32xf32, #tpu.memory_space<vmem>>, %arg10: memref<1x32xf32, #tpu.memory_space<vmem>>, %arg11: memref<1x32xf32, #tpu.memory_space<vmem>>, %arg12: memref<32x32xf32, #tpu.memory_space<vmem>>, %arg13: memref<32x32xf32, #tpu.memory_space<vmem>>, %arg14: memref<32x32xf32, #tpu.memory_space<vmem>>, %arg15: memref<1x32xf32, #tpu.memory_space<vmem>>, %arg16: memref<1x32xf32, #tpu.memory_space<vmem>>, %arg17: memref<1x32xf32, #tpu.memory_space<vmem>>, %arg18: memref<32x32xf32, #tpu.memory_space<vmem>>, %arg19: memref<32x32xf32, #tpu.memory_space<vmem>>, %arg20: memref<1x32xf32, #tpu.memory_space<vmem>>, %arg21: memref<2000x32xf32, #tpu.memory_space<vmem>>) attributes {dimension_semantics = [#tpu.dimension_semantics<arbitrary>], iteration_bounds = array<i64: 50>, scalar_prefetch = 0 : i64, scratch_operands = 0 : i64, tpu.core_type = #tpu.core_type<tc>, window_params = [{transform_indices = @transform_0, window_bounds = array<i64: 2000, 32>}, {transform_indices = @transform_1, window_bounds = array<i64: 2000, 2>}, {transform_indices = @transform_2, window_bounds = array<i64: 2, 2000, 16>}, {transform_indices = @transform_3, window_bounds = array<i64: 2, 2000, 16>}, {transform_indices = @transform_4, window_bounds = array<i64: 2, 2000, 1>}, {pipeline_mode = #tpu.pipeline_mode<synchronous>, transform_indices = @transform_5, window_bounds = array<i64: 2, 32>}, {pipeline_mode = #tpu.pipeline_mode<synchronous>, transform_indices = @transform_6, window_bounds = array<i64: 2, 32>}, {pipeline_mode = #tpu.pipeline_mode<synchronous>, transform_indices = @transform_7, window_bounds = array<i64: 96, 32>}, {pipeline_mode = #tpu.pipeline_mode<synchronous>, transform_indices = @transform_8, window_bounds = array<i64: 1, 32>}, {pipeline_mode = #tpu.pipeline_mode<synchronous>, transform_indices = @transform_9, window_bounds = array<i64: 1, 32>}, {pipeline_mode = #tpu.pipeline_mode<synchronous>, transform_indices = @transform_10, window_bounds = array<i64: 1, 32>}, {pipeline_mode = #tpu.pipeline_mode<synchronous>, transform_indices = @transform_11, window_bounds = array<i64: 32, 32>}, {pipeline_mode = #tpu.pipeline_mode<synchronous>, transform_indices = @transform_12, window_bounds = array<i64: 32, 32>}, {pipeline_mode = #tpu.pipeline_mode<synchronous>, transform_indices = @transform_13, window_bounds = array<i64: 32, 32>}, {pipeline_mode = #tpu.pipeline_mode<synchronous>, transform_indices = @transform_14, window_bounds = array<i64: 1, 32>}, {pipeline_mode = #tpu.pipeline_mode<synchronous>, transform_indices = @transform_15, window_bounds = array<i64: 1, 32>}, {pipeline_mode = #tpu.pipeline_mode<synchronous>, transform_indices = @transform_16, window_bounds = array<i64: 1, 32>}, {pipeline_mode = #tpu.pipeline_mode<synchronous>, transform_indices = @transform_17, window_bounds = array<i64: 32, 32>}, {pipeline_mode = #tpu.pipeline_mode<synchronous>, transform_indices = @transform_18, window_bounds = array<i64: 32, 32>}, {pipeline_mode = #tpu.pipeline_mode<synchronous>, transform_indices = @transform_19, window_bounds = array<i64: 1, 32>}, {transform_indices = @transform_20, window_bounds = array<i64: 2000, 32>}]} {
    %get3A = arith.constant 0 : index
    %get3A_0 = arith.constant 0 : index
    %get3A_1 = vector.load %arg1[%get3A, %get3A_0] : memref<2000x32xf32, #tpu.memory_space<vmem>>, vector<2000x32xf32>
    %get3A_2 = arith.constant 0 : index
    %get3A_3 = arith.constant 0 : index
    %get3A_4 = vector.load %arg2[%get3A_2, %get3A_3] : memref<2000x2xf32, #tpu.memory_space<vmem>>, vector<2000x2xf32>
    %get3A_5 = arith.constant 0 : index
    %get3A_6 = arith.constant 0 : index
    %get3A_7 = arith.constant 0 : index
    %get3A_8 = vector.load %arg5[%get3A_5, %get3A_6, %get3A_7] : memref<2x2000x1xf32, #tpu.memory_space<vmem>>, vector<1x2000x1xf32>
    %get3A_9 = vector.shape_cast %get3A_8 : vector<1x2000x1xf32> to vector<2000x1xf32>
    %get3A_10 = arith.constant 1 : index
    %get3A_11 = arith.constant 0 : index
    %get3A_12 = arith.constant 0 : index
    %get3A_13 = vector.load %arg5[%get3A_10, %get3A_11, %get3A_12] : memref<2x2000x1xf32, #tpu.memory_space<vmem>>, vector<1x2000x1xf32>
    %get3A_14 = vector.shape_cast %get3A_13 : vector<1x2000x1xf32> to vector<2000x1xf32>
    %add3A = arith.addf %get3A_9, %get3A_14 : vector<2000x1xf32>
    %max3A = arith.constant 1.000000e+00 : f32
    %max3A_15 = vector.broadcast %max3A : f32 to vector<2000x1xf32>
    %max3A_16 = arith.maximumf %add3A, %max3A_15 : vector<2000x1xf32>
    %get3A_17 = arith.constant 0 : index
    %get3A_18 = arith.constant 0 : index
    %get3A_19 = arith.constant 0 : index
    %get3A_20 = vector.load %arg4[%get3A_17, %get3A_18, %get3A_19] : memref<2x2000x16xf32, #tpu.memory_space<vmem>>, vector<1x2000x16xf32>
    %get3A_21 = vector.shape_cast %get3A_20 : vector<1x2000x16xf32> to vector<2000x16xf32>
    %div3A = vector.broadcast %max3A_16 : vector<2000x1xf32> to vector<2000x16xf32>
    %div3A_22 = arith.divf %get3A_21, %div3A : vector<2000x16xf32>
    %get3A_23 = arith.constant 1 : index
    %get3A_24 = arith.constant 0 : index
    %get3A_25 = arith.constant 0 : index
    %get3A_26 = vector.load %arg4[%get3A_23, %get3A_24, %get3A_25] : memref<2x2000x16xf32, #tpu.memory_space<vmem>>, vector<1x2000x16xf32>
    %get3A_27 = vector.shape_cast %get3A_26 : vector<1x2000x16xf32> to vector<2000x16xf32>
    %div3A_28 = vector.broadcast %max3A_16 : vector<2000x1xf32> to vector<2000x16xf32>
    %div3A_29 = arith.divf %get3A_27, %div3A_28 : vector<2000x16xf32>
    %get3A_30 = arith.constant 0 : index
    %get3A_31 = arith.constant 0 : index
    %get3A_32 = arith.constant 0 : index
    %get3A_33 = vector.load %arg3[%get3A_30, %get3A_31, %get3A_32] : memref<2x2000x16xf32, #tpu.memory_space<vmem>>, vector<1x2000x16xf32>
    %get3A_34 = vector.shape_cast %get3A_33 : vector<1x2000x16xf32> to vector<2000x16xf32>
    %get3A_35 = arith.constant 1 : index
    %get3A_36 = arith.constant 0 : index
    %get3A_37 = arith.constant 0 : index
    %get3A_38 = vector.load %arg3[%get3A_35, %get3A_36, %get3A_37] : memref<2x2000x16xf32, #tpu.memory_space<vmem>>, vector<1x2000x16xf32>
    %get3A_39 = vector.shape_cast %get3A_38 : vector<1x2000x16xf32> to vector<2000x16xf32>
    %concatenate3A = tpu.concatenate %get3A_1, %get3A_34, %get3A_39, %div3A_22, %div3A_29 in 1 : vector<2000x32xf32>, vector<2000x16xf32>, vector<2000x16xf32>, vector<2000x16xf32>, vector<2000x16xf32> -> vector<2000x96xf32>
    %get3A_40 = arith.constant 0 : index
    %get3A_41 = arith.constant 0 : index
    %get3A_42 = vector.load %arg6[%get3A_40, %get3A_41] : memref<2x32xf32, #tpu.memory_space<vmem>>, vector<2x32xf32>
    %slice3A = vector.extract_strided_slice %get3A_4 {offsets = [0, 0], sizes = [2000, 1], strides = [1, 1]} : vector<2000x2xf32> to vector<2000x1xf32>
    %slice3A_43 = vector.extract_strided_slice %get3A_42 {offsets = [0, 0], sizes = [1, 32], strides = [1, 1]} : vector<2x32xf32> to vector<1x32xf32>
    %mul3A = vector.broadcast %slice3A : vector<2000x1xf32> to vector<2000x32xf32>
    %mul3A_44 = vector.broadcast %slice3A_43 : vector<1x32xf32> to vector<2000x32xf32>
    %mul3A_45 = arith.mulf %mul3A, %mul3A_44 : vector<2000x32xf32>
    %slice3A_46 = vector.extract_strided_slice %get3A_4 {offsets = [0, 1], sizes = [2000, 1], strides = [1, 1]} : vector<2000x2xf32> to vector<2000x1xf32>
    %slice3A_47 = vector.extract_strided_slice %get3A_42 {offsets = [1, 0], sizes = [1, 32], strides = [1, 1]} : vector<2x32xf32> to vector<1x32xf32>
    %mul3A_48 = vector.broadcast %slice3A_46 : vector<2000x1xf32> to vector<2000x32xf32>
    %mul3A_49 = vector.broadcast %slice3A_47 : vector<1x32xf32> to vector<2000x32xf32>
    %mul3A_50 = arith.mulf %mul3A_48, %mul3A_49 : vector<2000x32xf32>
    %add3A_51 = arith.addf %mul3A_45, %mul3A_50 : vector<2000x32xf32>
    %get3A_52 = arith.constant 0 : index
    %get3A_53 = arith.constant 0 : index
    %get3A_54 = vector.load %arg9[%get3A_52, %get3A_53] : memref<1x32xf32, #tpu.memory_space<vmem>>, vector<1x32xf32>
    %add3A_55 = vector.broadcast %get3A_54 : vector<1x32xf32> to vector<2000x32xf32>
    %add3A_56 = arith.addf %add3A_51, %add3A_55 : vector<2000x32xf32>
    %tanh3A = math.tanh %add3A_56 : vector<2000x32xf32>
    %get3A_57 = arith.constant 0 : index
    %get3A_58 = arith.constant 0 : index
    %get3A_59 = vector.load %arg7[%get3A_57, %get3A_58] : memref<2x32xf32, #tpu.memory_space<vmem>>, vector<2x32xf32>
    %get3A_60 = arith.constant 0 : index
    %get3A_61 = arith.constant 0 : index
    %get3A_62 = vector.load %arg8[%get3A_60, %get3A_61] : memref<96x32xf32, #tpu.memory_space<vmem>>, vector<96x32xf32>
    %max3A_63 = arith.constant 0.000000e+00 : f32
    %max3A_64 = vector.broadcast %max3A_63 : f32 to vector<96x32xf32>
    %max3A_65 = arith.maximumf %get3A_62, %max3A_64 : vector<96x32xf32>
    %dot_general3A = arith.constant dense<0.000000e+00> : vector<2000x32xf32>
    %dot_general3A_66 = tpu.matmul %concatenate3A, %max3A_65, %dot_general3A {dimension_numbers = #tpu.dot_dimension_numbers<[1], [0], [0], [1], [0, 0, 1, 1], [], []>, transpose_lhs_hint = false} : vector<2000x96xf32>, vector<96x32xf32>, vector<2000x32xf32> -> vector<2000x32xf32>
    %slice3A_67 = vector.extract_strided_slice %get3A_4 {offsets = [0, 0], sizes = [2000, 1], strides = [1, 1]} : vector<2000x2xf32> to vector<2000x1xf32>
    %slice3A_68 = vector.extract_strided_slice %get3A_59 {offsets = [0, 0], sizes = [1, 32], strides = [1, 1]} : vector<2x32xf32> to vector<1x32xf32>
    %mul3A_69 = vector.broadcast %slice3A_67 : vector<2000x1xf32> to vector<2000x32xf32>
    %mul3A_70 = vector.broadcast %slice3A_68 : vector<1x32xf32> to vector<2000x32xf32>
    %mul3A_71 = arith.mulf %mul3A_69, %mul3A_70 : vector<2000x32xf32>
    %add3A_72 = arith.addf %dot_general3A_66, %mul3A_71 : vector<2000x32xf32>
    %slice3A_73 = vector.extract_strided_slice %get3A_4 {offsets = [0, 1], sizes = [2000, 1], strides = [1, 1]} : vector<2000x2xf32> to vector<2000x1xf32>
    %slice3A_74 = vector.extract_strided_slice %get3A_59 {offsets = [1, 0], sizes = [1, 32], strides = [1, 1]} : vector<2x32xf32> to vector<1x32xf32>
    %mul3A_75 = vector.broadcast %slice3A_73 : vector<2000x1xf32> to vector<2000x32xf32>
    %mul3A_76 = vector.broadcast %slice3A_74 : vector<1x32xf32> to vector<2000x32xf32>
    %mul3A_77 = arith.mulf %mul3A_75, %mul3A_76 : vector<2000x32xf32>
    %add3A_78 = arith.addf %add3A_72, %mul3A_77 : vector<2000x32xf32>
    %get3A_79 = arith.constant 0 : index
    %get3A_80 = arith.constant 0 : index
    %get3A_81 = vector.load %arg10[%get3A_79, %get3A_80] : memref<1x32xf32, #tpu.memory_space<vmem>>, vector<1x32xf32>
    %add3A_82 = vector.broadcast %get3A_81 : vector<1x32xf32> to vector<2000x32xf32>
    %add3A_83 = arith.addf %add3A_78, %add3A_82 : vector<2000x32xf32>
    %get3A_84 = arith.constant 0 : index
    %get3A_85 = arith.constant 0 : index
    %get3A_86 = vector.load %arg11[%get3A_84, %get3A_85] : memref<1x32xf32, #tpu.memory_space<vmem>>, vector<1x32xf32>
    %jit3A = arith.constant 0.000000e+00 : f32
    %jit3A_87 = arith.constant 1.000000e+00 : f32
    %max3A_88 = vector.broadcast %jit3A : f32 to vector<1x32xf32>
    %max3A_89 = arith.maximumf %max3A_88, %get3A_86 : vector<1x32xf32>
    %min3A = vector.broadcast %jit3A_87 : f32 to vector<1x32xf32>
    %min3A_90 = arith.minimumf %min3A, %max3A_89 : vector<1x32xf32>
    %ge3A = arith.constant 0.000000e+00 : f32
    %ge3A_91 = vector.broadcast %ge3A : f32 to vector<2000x32xf32>
    %ge3A_92 = arith.cmpf oge, %add3A_83, %ge3A_91 : vector<2000x32xf32>
    %mul3A_93 = vector.broadcast %min3A_90 : vector<1x32xf32> to vector<2000x32xf32>
    %mul3A_94 = arith.mulf %mul3A_93, %add3A_83 : vector<2000x32xf32>
    %select_n3A = arith.select %ge3A_92, %add3A_83, %mul3A_94 : vector<2000x32xi1>, vector<2000x32xf32>
    %get3A_95 = arith.constant 0 : index
    %get3A_96 = arith.constant 0 : index
    %get3A_97 = vector.load %arg12[%get3A_95, %get3A_96] : memref<32x32xf32, #tpu.memory_space<vmem>>, vector<32x32xf32>
    %dot_general3A_98 = arith.constant dense<0.000000e+00> : vector<2000x32xf32>
    %dot_general3A_99 = tpu.matmul %tanh3A, %get3A_97, %dot_general3A_98 {dimension_numbers = #tpu.dot_dimension_numbers<[1], [0], [0], [1], [0, 0, 1, 1], [], []>, transpose_lhs_hint = false} : vector<2000x32xf32>, vector<32x32xf32>, vector<2000x32xf32> -> vector<2000x32xf32>
    %get3A_100 = arith.constant 0 : index
    %get3A_101 = arith.constant 0 : index
    %get3A_102 = vector.load %arg15[%get3A_100, %get3A_101] : memref<1x32xf32, #tpu.memory_space<vmem>>, vector<1x32xf32>
    %add3A_103 = vector.broadcast %get3A_102 : vector<1x32xf32> to vector<2000x32xf32>
    %add3A_104 = arith.addf %dot_general3A_99, %add3A_103 : vector<2000x32xf32>
    %tanh3A_105 = math.tanh %add3A_104 : vector<2000x32xf32>
    %get3A_106 = arith.constant 0 : index
    %get3A_107 = arith.constant 0 : index
    %get3A_108 = vector.load %arg14[%get3A_106, %get3A_107] : memref<32x32xf32, #tpu.memory_space<vmem>>, vector<32x32xf32>
    %max3A_109 = arith.constant 0.000000e+00 : f32
    %max3A_110 = vector.broadcast %max3A_109 : f32 to vector<32x32xf32>
    %max3A_111 = arith.maximumf %get3A_108, %max3A_110 : vector<32x32xf32>
    %dot_general3A_112 = arith.constant dense<0.000000e+00> : vector<2000x32xf32>
    %dot_general3A_113 = tpu.matmul %select_n3A, %max3A_111, %dot_general3A_112 {dimension_numbers = #tpu.dot_dimension_numbers<[1], [0], [0], [1], [0, 0, 1, 1], [], []>, transpose_lhs_hint = false} : vector<2000x32xf32>, vector<32x32xf32>, vector<2000x32xf32> -> vector<2000x32xf32>
    %get3A_114 = arith.constant 0 : index
    %get3A_115 = arith.constant 0 : index
    %get3A_116 = vector.load %arg13[%get3A_114, %get3A_115] : memref<32x32xf32, #tpu.memory_space<vmem>>, vector<32x32xf32>
    %dot_general3A_117 = arith.constant dense<0.000000e+00> : vector<2000x32xf32>
    %dot_general3A_118 = tpu.matmul %tanh3A, %get3A_116, %dot_general3A_117 {dimension_numbers = #tpu.dot_dimension_numbers<[1], [0], [0], [1], [0, 0, 1, 1], [], []>, transpose_lhs_hint = false} : vector<2000x32xf32>, vector<32x32xf32>, vector<2000x32xf32> -> vector<2000x32xf32>
    %add3A_119 = arith.addf %dot_general3A_113, %dot_general3A_118 : vector<2000x32xf32>
    %get3A_120 = arith.constant 0 : index
    %get3A_121 = arith.constant 0 : index
    %get3A_122 = vector.load %arg16[%get3A_120, %get3A_121] : memref<1x32xf32, #tpu.memory_space<vmem>>, vector<1x32xf32>
    %add3A_123 = vector.broadcast %get3A_122 : vector<1x32xf32> to vector<2000x32xf32>
    %add3A_124 = arith.addf %add3A_119, %add3A_123 : vector<2000x32xf32>
    %get3A_125 = arith.constant 0 : index
    %get3A_126 = arith.constant 0 : index
    %get3A_127 = vector.load %arg17[%get3A_125, %get3A_126] : memref<1x32xf32, #tpu.memory_space<vmem>>, vector<1x32xf32>
    %jit3A_128 = arith.constant 0.000000e+00 : f32
    %jit3A_129 = arith.constant 1.000000e+00 : f32
    %max3A_130 = vector.broadcast %jit3A_128 : f32 to vector<1x32xf32>
    %max3A_131 = arith.maximumf %max3A_130, %get3A_127 : vector<1x32xf32>
    %min3A_132 = vector.broadcast %jit3A_129 : f32 to vector<1x32xf32>
    %min3A_133 = arith.minimumf %min3A_132, %max3A_131 : vector<1x32xf32>
    %ge3A_134 = arith.constant 0.000000e+00 : f32
    %ge3A_135 = vector.broadcast %ge3A_134 : f32 to vector<2000x32xf32>
    %ge3A_136 = arith.cmpf oge, %add3A_124, %ge3A_135 : vector<2000x32xf32>
    %mul3A_137 = vector.broadcast %min3A_133 : vector<1x32xf32> to vector<2000x32xf32>
    %mul3A_138 = arith.mulf %mul3A_137, %add3A_124 : vector<2000x32xf32>
    %select_n3A_139 = arith.select %ge3A_136, %add3A_124, %mul3A_138 : vector<2000x32xi1>, vector<2000x32xf32>
    %get3A_140 = arith.constant 0 : index
    %get3A_141 = arith.constant 0 : index
    %get3A_142 = vector.load %arg19[%get3A_140, %get3A_141] : memref<32x32xf32, #tpu.memory_space<vmem>>, vector<32x32xf32>
    %max3A_143 = arith.constant 0.000000e+00 : f32
    %max3A_144 = vector.broadcast %max3A_143 : f32 to vector<32x32xf32>
    %max3A_145 = arith.maximumf %get3A_142, %max3A_144 : vector<32x32xf32>
    %dot_general3A_146 = arith.constant dense<0.000000e+00> : vector<2000x32xf32>
    %dot_general3A_147 = tpu.matmul %select_n3A_139, %max3A_145, %dot_general3A_146 {dimension_numbers = #tpu.dot_dimension_numbers<[1], [0], [0], [1], [0, 0, 1, 1], [], []>, transpose_lhs_hint = false} : vector<2000x32xf32>, vector<32x32xf32>, vector<2000x32xf32> -> vector<2000x32xf32>
    %get3A_148 = arith.constant 0 : index
    %get3A_149 = arith.constant 0 : index
    %get3A_150 = vector.load %arg18[%get3A_148, %get3A_149] : memref<32x32xf32, #tpu.memory_space<vmem>>, vector<32x32xf32>
    %dot_general3A_151 = arith.constant dense<0.000000e+00> : vector<2000x32xf32>
    %dot_general3A_152 = tpu.matmul %tanh3A_105, %get3A_150, %dot_general3A_151 {dimension_numbers = #tpu.dot_dimension_numbers<[1], [0], [0], [1], [0, 0, 1, 1], [], []>, transpose_lhs_hint = false} : vector<2000x32xf32>, vector<32x32xf32>, vector<2000x32xf32> -> vector<2000x32xf32>
    %add3A_153 = arith.addf %dot_general3A_147, %dot_general3A_152 : vector<2000x32xf32>
    %get3A_154 = arith.constant 0 : index
    %get3A_155 = arith.constant 0 : index
    %get3A_156 = vector.load %arg20[%get3A_154, %get3A_155] : memref<1x32xf32, #tpu.memory_space<vmem>>, vector<1x32xf32>
    %add3A_157 = vector.broadcast %get3A_156 : vector<1x32xf32> to vector<2000x32xf32>
    %add3A_158 = arith.addf %add3A_153, %add3A_157 : vector<2000x32xf32>
    %swap3A = arith.constant 0 : index
    %swap3A_159 = arith.constant 0 : index
    %swap3A_160 = vector.load %arg21[%swap3A, %swap3A_159] : memref<2000x32xf32, #tpu.memory_space<vmem>>, vector<2000x32xf32>
    tpu.vector_store %arg21[%swap3A, %swap3A_159], %add3A_158 {strides = array<i32>} : memref<2000x32xf32, #tpu.memory_space<vmem>>, vector<2000x32xf32>,
    return
  }
  func.func @transform_0(%arg0: i32) -> (i32, i32) {
    %c0_i32 = arith.constant 0 : i32
    %c0_i32_0 = arith.constant 0 : i32
    return %arg0, %c0_i32 : i32, i32
  }
  func.func @transform_1(%arg0: i32) -> (i32, i32) {
    %c0_i32 = arith.constant 0 : i32
    %c0_i32_0 = arith.constant 0 : i32
    return %arg0, %c0_i32 : i32, i32
  }
  func.func @transform_2(%arg0: i32) -> (i32, i32, i32) {
    %c0_i32 = arith.constant 0 : i32
    %c0_i32_0 = arith.constant 0 : i32
    %c0_i32_1 = arith.constant 0 : i32
    return %c0_i32, %arg0, %c0_i32_0 : i32, i32, i32
  }
  func.func @transform_3(%arg0: i32) -> (i32, i32, i32) {
    %c0_i32 = arith.constant 0 : i32
    %c0_i32_0 = arith.constant 0 : i32
    %c0_i32_1 = arith.constant 0 : i32
    return %c0_i32, %arg0, %c0_i32_0 : i32, i32, i32
  }
  func.func @transform_4(%arg0: i32) -> (i32, i32, i32) {
    %c0_i32 = arith.constant 0 : i32
    %c0_i32_0 = arith.constant 0 : i32
    %c0_i32_1 = arith.constant 0 : i32
    return %c0_i32, %arg0, %c0_i32_0 : i32, i32, i32
  }
  func.func @transform_5(%arg0: i32) -> (i32, i32) {
    %c0_i32 = arith.constant 0 : i32
    %c0_i32_0 = arith.constant 0 : i32
    %c0_i32_1 = arith.constant 0 : i32
    return %c0_i32, %c0_i32_0 : i32, i32
  }
  func.func @transform_6(%arg0: i32) -> (i32, i32) {
    %c0_i32 = arith.constant 0 : i32
    %c0_i32_0 = arith.constant 0 : i32
    %c0_i32_1 = arith.constant 0 : i32
    return %c0_i32, %c0_i32_0 : i32, i32
  }
  func.func @transform_7(%arg0: i32) -> (i32, i32) {
    %c0_i32 = arith.constant 0 : i32
    %c0_i32_0 = arith.constant 0 : i32
    %c0_i32_1 = arith.constant 0 : i32
    return %c0_i32, %c0_i32_0 : i32, i32
  }
  func.func @transform_8(%arg0: i32) -> (i32, i32) {
    %c0_i32 = arith.constant 0 : i32
    %c0_i32_0 = arith.constant 0 : i32
    %c0_i32_1 = arith.constant 0 : i32
    return %c0_i32, %c0_i32_0 : i32, i32
  }
  func.func @transform_9(%arg0: i32) -> (i32, i32) {
    %c0_i32 = arith.constant 0 : i32
    %c0_i32_0 = arith.constant 0 : i32
    %c0_i32_1 = arith.constant 0 : i32
    return %c0_i32, %c0_i32_0 : i32, i32
  }
  func.func @transform_10(%arg0: i32) -> (i32, i32) {
    %c0_i32 = arith.constant 0 : i32
    %c0_i32_0 = arith.constant 0 : i32
    %c0_i32_1 = arith.constant 0 : i32
    return %c0_i32, %c0_i32_0 : i32, i32
  }
  func.func @transform_11(%arg0: i32) -> (i32, i32) {
    %c0_i32 = arith.constant 0 : i32
    %c0_i32_0 = arith.constant 0 : i32
    %c0_i32_1 = arith.constant 0 : i32
    return %c0_i32, %c0_i32_0 : i32, i32
  }
  func.func @transform_12(%arg0: i32) -> (i32, i32) {
    %c0_i32 = arith.constant 0 : i32
    %c0_i32_0 = arith.constant 0 : i32
    %c0_i32_1 = arith.constant 0 : i32
    return %c0_i32, %c0_i32_0 : i32, i32
  }
  func.func @transform_13(%arg0: i32) -> (i32, i32) {
    %c0_i32 = arith.constant 0 : i32
    %c0_i32_0 = arith.constant 0 : i32
    %c0_i32_1 = arith.constant 0 : i32
    return %c0_i32, %c0_i32_0 : i32, i32
  }
  func.func @transform_14(%arg0: i32) -> (i32, i32) {
    %c0_i32 = arith.constant 0 : i32
    %c0_i32_0 = arith.constant 0 : i32
    %c0_i32_1 = arith.constant 0 : i32
    return %c0_i32, %c0_i32_0 : i32, i32
  }
  func.func @transform_15(%arg0: i32) -> (i32, i32) {
    %c0_i32 = arith.constant 0 : i32
    %c0_i32_0 = arith.constant 0 : i32
    %c0_i32_1 = arith.constant 0 : i32
    return %c0_i32, %c0_i32_0 : i32, i32
  }
  func.func @transform_16(%arg0: i32) -> (i32, i32) {
    %c0_i32 = arith.constant 0 : i32
    %c0_i32_0 = arith.constant 0 : i32
    %c0_i32_1 = arith.constant 0 : i32
    return %c0_i32, %c0_i32_0 : i32, i32
  }
  func.func @transform_17(%arg0: i32) -> (i32, i32) {
    %c0_i32 = arith.constant 0 : i32
    %c0_i32_0 = arith.constant 0 : i32
    %c0_i32_1 = arith.constant 0 : i32
    return %c0_i32, %c0_i32_0 : i32, i32
  }
  func.func @transform_18(%arg0: i32) -> (i32, i32) {
    %c0_i32 = arith.constant 0 : i32
    %c0_i32_0 = arith.constant 0 : i32
    %c0_i32_1 = arith.constant 0 : i32
    return %c0_i32, %c0_i32_0 : i32, i32
  }
  func.func @transform_19(%arg0: i32) -> (i32, i32) {
    %c0_i32 = arith.constant 0 : i32
    %c0_i32_0 = arith.constant 0 : i32
    %c0_i32_1 = arith.constant 0 : i32
    return %c0_i32, %c0_i32_0 : i32, i32
  }
  func.func @transform_20(%arg0: i32) -> (i32, i32) {
    %c0_i32 = arith.constant 0 : i32
    %c0_i32_0 = arith.constant 0 : i32
    return %arg0, %c0_i32 : i32, i32
  }
}

</mosaic_0001>

<sc_bundles>
// kernel: kernel.12.cloned.1.call-start
scs
__scs_entry_jumppad:
0x0: {  	(pc) =	sbr.rel $0x88, $3  }
0x1: {  	(tag) =	ssettag $0x0;
	lr =	simm.s32 $0x1  }
0x2: {  	[smem:$0x3F71] =	sst lr;
	_ =	strace $0xD0000000  }
0x3: {  	_ = 	snop  }
0x4: {  	_ = 	snop  }
0x5: {  	_ = 	snop  }
0x6: {  	_ = 	snop  }
0x7: {  	_ = 	snop  }
__scs_overlays_trampoline_lowered:
0x8: {  	[smem:$0x3F80] =	sst s0  }
0x9: {  	[smem:$0x3F81] =	sst s1  }
0xa: {  	[smem:$0x3F82] =	sst s2  }
0xb: {  	[smem:$0x3F83] =	sst s3  }
0xc: {  	[smem:$0x3F84] =	sst s4  }
0xd: {  	[smem:$0x3F85] =	sst s5  }
0xe: {  	[smem:$0x3F86] =	sst s6  }
0xf: {  	[smem:$0x3F87] =	sst s7  }
0x10: {  	[smem:$0x3F88] =	sst s8  }
0x11: {  	[smem:$0x3F89] =	sst s9;
	s0 =	simm.s32 @!p0 $0x0  }
0x12: {  	s1 =	sld [smem:$0x3F6F];
	s0 =	simm.s32 @p0 $0x1  }
0x13: {  	[smem:$0x3F8A] =	sst s0;
	s0 =	simm.s32 @!p1 $0x0  }
0x14: {  	s2 =	sld [smem:$0x3F6E];
	s0 =	simm.s32 @p1 $0x1  }
0x15: {  	[smem:$0x3F8B] =	sst s0;
	s0 =	simm.s32 @!p2 $0x0  }
0x16: {  	s3 =	sld [smem:$0x3FDB];
	s0 =	simm.s32 @p2 $0x1  }
0x17: {  	s4 =	simm.s32 $0x1BF5;
	[smem:$0x3F8D] =	sst s0  }
0x18: {  	s0 =	sld [smem:$0x3F70];
	_ =	swait.ge [sflag:s4], $0x0  }
0x19: {  	s7 =	sld [smem:$0x3F71]  }
0x1a: {  	s8 =	sadd.s32 $0xFFFFE003, lr  }
0x1b: {  	s9 =	sadd.s32 $0xFFFFFEF7, lr;
	s5 =	simm.s32 $0xFFFFFFFF;
	p2 =	slt.u32 s8, $0xFFFFF086  }
0x1c: {  	p1 =	slt.u32 s9, $0xF7A;
	s5 =	simm.s32 @!p2 $0x0  }
0x1d: {  	s5 =	simm.s32 @p1 $0x1;
	p0 =	seq.s32 s7, s2  }
0x1e: {  	s7 =	smul.u32 @!p0 $0xF7A, s2;
	p2 =	seq.s32 @!p0 s5, $0x0  }
0x1f: {  	s9 =	smul.u32 $0xF7A, s1;
	s8 =	simm.s32 @!p0 $0x1BF5;
	p2 =	por !p2, p0  }
0x20: {  	[sflag:s8] =	ssyncset.s32 @!p0 $0xFFFFF086;
	s6 =	sadd.s32 @!p0 s3, s7;
	s7 =	simm.s32 @!p0 $0x108  }
0x21: {  	s3 =	sadd.s32 s3, s9;
	s6 =	sadd.s32 @!p0 $0x88, s6;
	s7 =	simm.s32 @p2 $0x1082  }
0x22: {  	[simem:s7], [sflag:s8] =	dma.local @!p0 [hbm:s6], $0xF7A  }
0x23: {  	s9 =	sor.u32 $0xD0000000, s2;
	s6 =	simm.s32 $0x108;
	_ =	swait.ge @!p0 [sflag:s8], $0x0  }
0x24: {  	s3 =	sadd.s32 $0x88, s3;
	s6 =	simm.s32 @!p1 $0x1082;
	[sflag:s4] =	ssyncset.s32 $0xFFFFF086  }
0x25: {  	[simem:s6], [sflag:s4] =	dma.local [hbm:s3], $0xF7A  }
0x26: {  	[smem:$0x3F71] =	sst s1;
	(tag) =	ssettag s2;
	_ =	strace s9  }
0x27: {  	s1 =	sld [smem:$0x3F81]  }
0x28: {  	s2 =	sld [smem:$0x3F82]  }
0x29: {  	s4 =	sld [smem:$0x3F84]  }
0x2a: {  	p0 =	seq.s32 s5, $0x0;
	s5 =	sld [smem:$0x3F85]  }
0x2b: {  	s6 =	sld [smem:$0x3F86]  }
0x2c: {  	s7 =	sld [smem:$0x3F87]  }
0x2d: {  	s3 =	simm.s32 $0x108;
	s8 =	sld [smem:$0x3F88]  }
0x2e: {  	s3 =	simm.s32 @!p0 $0x1082;
	s9 =	sld [smem:$0x3F89]  }
0x2f: {  	lr =	sadd.s32 s0, s3;
	s0 =	sld [smem:$0x3F80]  }
0x30: {  	s3 =	sld [smem:$0x3F83]  }
0x31: {  	[smem:$0x3F8C] =	sst s10  }
0x32: {  	s10 =	sld [smem:$0x3F8A];
	_ =	sdelay $0x3  }
0x33: {  	p0 =	seq.s32 s10, $0x1;
	s10 =	sld [smem:$0x3F8C];
	_ =	sdelay $0x3  }
0x34: {  	[smem:$0x3F8C] =	sst s10  }
0x35: {  	s10 =	sld [smem:$0x3F8B];
	_ =	sdelay $0x3  }
0x36: {  	p1 =	seq.s32 s10, $0x1;
	s10 =	sld [smem:$0x3F8C];
	_ =	sdelay $0x3  }
0x37: {  	[smem:$0x3F8C] =	sst s10  }
0x38: {  	s10 =	sld [smem:$0x3F8D]  }
0x39: {  	_ = 	snop;
	(pc) =	sbr.ind lr, $3  }
0x3a: {  	_ = 	snop  }
0x3b: {  	_ = 	snop  }
0x3c: {  	p2 =	seq.s32 s10, $0x1;
	s10 =	sld [smem:$0x3F8C]  }
0x3d: {  	_ =	shalt  }
0x3e: {  	_ =	shalt  }
0x3f: {  	_ =	shalt  }
0x40: {  	_ =	shalt  }
0x41: {  	_ =	shalt  }
0x42: {  	_ =	shalt  }
0x43: {  	_ =	shalt  }
0x44: {  	_ =	shalt  }
0x45: {  	_ =	shalt  }
0x46: {  	_ =	shalt  }
0x47: {  	_ =	shalt  }
0x48: {  	_ =	shalt  }
0x49: {  	_ =	shalt  }
0x4a: {  	_ =	shalt  }
0x4b: {  	_ =	shalt  }
0x4c: {  	_ =	shalt  }
0x4d: {  	_ =	shalt  }
0x4e: {  	_ =	shalt  }
0x4f: {  	_ =	shalt  }
0x50: {  	_ =	shalt  }
0x51: {  	_ =	shalt  }
0x52: {  	_ =	shalt  }
0x53: {  	_ =	shalt  }
0x54: {  	_ =	shalt  }
0x55: {  	_ =	shalt  }
0x56: {  	_ =	shalt  }
0x57: {  	_ =	shalt  }
0x58: {  	_ =	shalt  }
0x59: {  	_ =	shalt  }
0x5a: {  	_ =	shalt  }
0x5b: {  	_ =	shalt  }
0x5c: {  	_ =	shalt  }
0x5d: {  	_ =	shalt  }
0x5e: {  	_ =	shalt  }
0x5f: {  	_ =	shalt  }
0x60: {  	_ =	shalt  }
0x61: {  	_ =	shalt  }
0x62: {  	_ =	shalt  }
0x63: {  	_ =	shalt  }
0x64: {  	_ =	shalt  }
0x65: {  	_ =	shalt  }
0x66: {  	_ =	shalt  }
0x67: {  	_ =	shalt  }
0x68: {  	_ =	shalt  }
0x69: {  	_ =	shalt  }
0x6a: {  	_ =	shalt  }
0x6b: {  	_ =	shalt  }
0x6c: {  	_ =	shalt  }
0x6d: {  	_ =	shalt  }
0x6e: {  	_ =	shalt  }
0x6f: {  	_ =	shalt  }
0x70: {  	_ =	shalt  }
0x71: {  	_ =	shalt  }
0x72: {  	_ =	shalt  }
0x73: {  	_ =	shalt  }
0x74: {  	_ =	shalt  }
0x75: {  	_ =	shalt  }
0x76: {  	_ =	shalt  }
0x77: {  	_ =	shalt  }
0x78: {  	_ =	shalt  }
0x79: {  	_ =	shalt  }
0x7a: {  	_ =	shalt  }
0x7b: {  	_ =	shalt  }
0x7c: {  	_ =	shalt  }
0x7d: {  	_ =	shalt  }
0x7e: {  	_ =	shalt  }
0x7f: {  	_ =	shalt  }
0x80: {  	_ =	shalt  }
0x81: {  	_ =	shalt  }
0x82: {  	_ =	shalt  }
0x83: {  	_ =	shalt  }
0x84: {  	_ =	shalt  }
0x85: {  	_ =	shalt  }
0x86: {  	_ =	shalt  }
0x87: {  	_ =	shalt  }
.Lfunc_end0:
.L_simem_size_0:
called_computation.1_lowered:
.L_overlay_start_0:
0x88: {  	s2 =	sld [smem:$0x3FD9]  }
0x89: {  	s3 =	sld [smem:$0x3FFE];
	_ =	sdelay $0x1  }
0x8a: {  	s1 =	srdreg.scid  }
0x8b: {  	s0 =	sand.u32 $0x1, s1  }
0x8c: {  	s17 =	sshll.u32 s0, $0xA;
	s2 =	sadd.s32 s3, s2  }
0x8d: {  	s2 =	sadd.s32 s2, s17  }
0x8e: {  	[smem:$0x3F98] =	sst s2  }
0x8f: {  	_ = 	snop  }
0x90: {  	s2 =	sld [smem:$0x3FD0];
	(tm) =	ssettm $0x1  }
0x91: {  	s18 =	sld [smem:$0x3FFB];
	_ =	sdelay $0x3  }
0x92: {  	_ =	strace s18  }
0x93: {  	s3 =	sld [smem:$0x3FFC];
	_ =	sdelay $0x3  }
0x94: {  	_ =	strace s3  }
0x95: {  	s3 =	sld [smem:$0x3FFD];
	_ =	sdelay $0x3  }
0x96: {  	_ =	strace s3  }
0x97: {  	_ =	strace $0x8FFFFFFF  }
0x98: {  	s19 =	sld [smem:$0x3FDB];
	_ =	sdelay $0x1  }
0x99: {  	s4 =	simm.s32 $_scs_section_size  }
0x9a: {  	s5 =	simm.s32 $_size__tile_overlayer_lowered;
	s6 =	simm.s32 $_tile_overlayer_lowered  }
0x9b: {  	s22 =	simm.s32 $0x1BFF;
	s21 =	sshll.u32 s6, $0x1;
	s3 =	sadd.s32 s4, s19  }
0x9c: {  	s7 =	simm.s32 $0x0;
	s20 =	sshll.u32 s5, $0x1;
	s5 =	sadd.s32 s21, s3  }
0x9d: {  	[timem:s7], [sflag:s22] =	dma.local [hbm:s5], s20  }
0x9e: {  	_ =	swait.ge [sflag:s22], s20  }
0x9f: {  	s4 =	ssub.s32 $0x0, s20;
	[sflag:s22] =	ssyncset.done $0x0  }
0xa0: {  	[sflag:s22] =	ssyncadd.s32 s4;
	_ =	sdelay $0x1  }
0xa1: {  	s23 =	simm.s32 $0x1B8B  }
0xa2: {  	_ =	swait.ge [sflag:s23], $0x1  }
0xa3: {  	[sflag:s23] =	ssyncset.done $0x0  }
0xa4: {  	s25 =	simm.s32 $0x1B8E;
	s24 =	sld [smem:$0x3FFE];
	[sflag:s23] =	ssyncadd.s32 $0xFFFFFFFF  }
0xa5: {  	s26 =	simm.s32 $execute0_lowered;
	[smem:$0x3FD2] =	sst s25  }
0xa6: {  	s5 =	sshll.u32 s26, $0x1;
	_ =	strace $0x80000049;
	[dreg:$0x1] =	wrdreg $0xFFFFFFFF  }
0xa7: {  	s28 =	simm.s32 $_size_execute0_lowered;
	s3 =	sadd.s32 s3, s5;
	[dreg:$0x0] =	wrdreg $0x0  }
0xa8: {  	s5 =	sshll.u32 s28, $0x1;
	[dreg:$0x2] =	wrdreg s3  }
0xa9: {  	[dreg:$0x3] =	wrdreg s5  }
0xaa: {  	[dreg:$0x4] =	wrdreg $0xC0  }
0xab: {  	_ =	task [dreg:s7], $0x5FFFF  }
0xac: {  	[dreg:$0x1] =	wrdreg $0xFFFFFFFF  }
0xad: {  	[dreg:$0x0] =	wrdreg $0x60  }
0xae: {  	[dreg:$0x2] =	wrdreg s24  }
0xaf: {  	[dreg:$0x3] =	wrdreg s2  }
0xb0: {  	[dreg:$0x4] =	wrdreg $0x55000  }
0xb1: {  	[dreg:$0x5] =	wrdreg $0x9  }
0xb2: {  	_ =	task.clear_ibuf [dreg:s7], $0x6FFFF;
	_ =	strace $0x90000049  }
0xb3: {  	s29 =	simm.s32 $0x9;
	_ =	strace $0x8000004B  }
0xb4: {  	_ =	swait.ge [sflag:s29], $0x1  }
0xb5: {  	[sflag:s29] =	ssyncadd.s32 $0xFFFFFFFF  }
0xb6: {  	_ =	strace $0x9000004B  }
0xb7: {  	_ =	sfence  }
0xb8: {  	s30 =	sld [smem:$0x0];
	_ =	sdelay $0x2  }
0xb9: {  	s31 =	sshll.u32 s1, $0xD;
	s1 =	sshrl.u32 s1, $0x2  }
0xba: {  	s3 =	sand.u32 $0x4000, s31;
	s1 =	sadd.s32 s1, s30  }
0xbb: {  	s0 =	sor.u32 s3, s0;
	s1 =	sshll.u32 s1, $0x11  }
0xbc: {  	s0 =	sor.u32 s1, s0  }
0xbd: {  	s0 =	sadd.s32 $0x8F2B, s0  }
0xbe: {  	[sflag:s0] =	ssyncadd.remote.s32 $0x1  }
0xbf: {  	_ =	sfence.sel $0xFFFF  }
0xc0: {  	[dreg:$0x0] =	wrdreg $0xFFFFFFFF;
	(pc) =	sbr.abs _section_cstart, $3  }
0xc1: {  	[dreg:$0x1] =	wrdreg $0xFFFFFFFF  }
0xc2: {  	_ =	task.clear_ibuf [dreg:s7], $0x2FFFF;
	_ =	strace $0x9FFFFFFF  }
0xc3: {  	(tm) =	ssettm $0x7FFFFFFF  }
tec
execute0_lowered:
.L_overlay_start_1:
0x0: {  	(tag) =	ssettag $0x1  }
0x1: {  	s0 =	rddreg [dreg:$0x0];
	s4 =	srdreg.scid  }
0x2: {  	s1 =	rddreg [dreg:$0x1];
	s9 =	sand.u32 $0x1, s4  }
0x3: {  	s2 =	rddreg [dreg:$0x2];
	s4 =	smul.u32 $0x30D40, s9  }
0x4: {  	s3 =	simm.s32 $0x0;
	s5 =	sadd.s32 $0x2D6600, s0;
	s6 =	sadd.s32 $0x94B400, s0  }
0x5: {  	s11 =	smul.u32 $0x186A00, s9;
	s10 =	sadd.s32 s4, s0;
	s4 =	stileid.u32  }
0x6: {  	[smem:$0x7FF] =	sst s3;
	s7 =	sadd.s32 $0x191A00, s0;
	s15 =	smul.u32 $0x19000, s4  }
0x7: {  	s12 =	sadd.s32 $0xFC7800, s0;
	_ =	strace $0x8000004A;
	s8 =	ssub.s32 $0x2, s9  }
0x8: {  	s13 =	sshrl.u32 s8, $0x1;
	s0 =	sadd.s32 $0xF65C00, s0;
	s16 =	sadd.s32 s15, s11  }
0x9: {  	s13 =	ssub.s32 s8, s13;
	s11 =	sshrl.u32 s11, $0x3;
	s16 =	sshrl.u32 s16, $0x3  }
0xa: {  	s14 =	ssub.s32 $0x9D3, s4;
	s11 =	sadd.s32 $0x2EE00, s11;
	s18 =	sadd.s32 s12, s16  }
0xb: {  	s17 =	smul.u32 $0x64000, s4;
	s12 =	sadd.s32 s12, s11;
	[dreg:$0x4] =	wrdreg s18  }
0xc: {  	s8 =	sadd.s32 $0x274A00, s10;
	s16 =	sadd.s32 s0, s16;
	[dreg:$0x5] =	wrdreg s12  }
0xd: {  	s17 =	sshrl.u32 s17, $0x2;
	s0 =	sadd.s32 s0, s11;
	[dreg:$0x8] =	wrdreg s16  }
0xe: {  	s12 =	sadd.s32 $0x212E00, s10;
	s10 =	sadd.s32 s17, s2;
	[dreg:$0x9] =	wrdreg s0  }
0xf: {  	s0 =	sshrl.u32 s14, $0x4;
	s14 =	sadd.s32 $0x17A200, s2;
	[dreg:$0x7] =	wrdreg s10  }
0x10: {  	s18 =	sadd.s32 $0x177000, s2;
	[dreg:$0x1a] =	wrdreg s14  }
0x11: {  	s26 =	sadd.s32 $0x1900, s10;
	[dreg:$0x6] =	wrdreg s18  }
0x12: {  	s28 =	sadd.s32 $0x4B00, s10;
	[dreg:$0xa] =	wrdreg s26  }
0x13: {  	s11 =	sadd.s32 $0x6400, s10;
	[dreg:$0xc] =	wrdreg s28  }
0x14: {  	s16 =	sadd.s32 $0x9600, s10;
	[dreg:$0xd] =	wrdreg s11  }
0x15: {  	s17 =	sadd.s32 $0xAF00, s10;
	[dreg:$0xf] =	wrdreg s16  }
0x16: {  	s19 =	sadd.s32 $0xC800, s10;
	[dreg:$0x10] =	wrdreg s17  }
0x17: {  	s20 =	sadd.s32 $0xE100, s10;
	[dreg:$0x11] =	wrdreg s19  }
0x18: {  	s21 =	sadd.s32 $0xFA00, s10;
	[dreg:$0x12] =	wrdreg s20  }
0x19: {  	s22 =	sadd.s32 $0x11300, s10;
	[dreg:$0x13] =	wrdreg s21  }
0x1a: {  	s24 =	sadd.s32 $0x12C00, s10;
	[dreg:$0x14] =	wrdreg s22  }
0x1b: {  	s25 =	sadd.s32 $0x3200, s10;
	[dreg:$0x15] =	wrdreg s24  }
0x1c: {  	s23 =	sadd.s32 $0x7D00, s10;
	[dreg:$0xb] =	wrdreg s25  }
0x1d: {  	s26 =	sadd.s32 $0x14500, s10;
	[dreg:$0xe] =	wrdreg s23  }
0x1e: {  	s28 =	sadd.s32 $0x15E00, s10;
	[dreg:$0x16] =	wrdreg s26  }
0x1f: {  	s10 =	sadd.s32 $0x17700, s10;
	[dreg:$0x17] =	wrdreg s28  }
0x20: {  	s11 =	sadd.s32 $0x178900, s2;
	[dreg:$0x18] =	wrdreg s10  }
0x21: {  	s16 =	sadd.s32 $0x17BB00, s2;
	[dreg:$0x19] =	wrdreg s11  }
0x22: {  	s29 =	simm.s32 $0x2;
	s17 =	sadd.s32 $0x17D400, s2;
	[dreg:$0x1b] =	wrdreg s16  }
0x23: {  	s30 =	simm.s32 $0x280;
	s19 =	sadd.s32 s15, s2;
	[dreg:$0x1c] =	wrdreg s17  }
0x24: {  	s31 =	simm.s32 $0x20;
	s20 =	sadd.s32 $0x17ED00, s2;
	[dreg:$0x1d] =	wrdreg s19  }
0x25: {  	p0 =	seq.s32 s4, $0xF;
	s21 =	sadd.s32 $0x180600, s2;
	[dreg:$0x1e] =	wrdreg s20  }
0x26: {  	s14 =	sshll.u32 s9, $0x4;
	s22 =	smax.u32 s13, $0x1;
	[dreg:$0x1f] =	wrdreg s21  }
0x27: {  	s24 =	sadd.s32 $0x181F00, s2;
	s15 =	simm.s32 $0x10;
	[smem:$0x7FA] =	sst s22  }
0x28: {  	s13 =	simm.s32 $0x0;
	[smem:$0x7FB] =	sst s24;
	s26 =	sadd.s32 $0x183800, s2  }
0x29: {  	s28 =	sadd.s32 $0x185100, s2;
	s10 =	simm.s32 $0x500;
	[smem:$0x7FC] =	sst s26  }
0x2a: {  	v0 =	vimm.f32 $0.0e+00;
	s21 =	simm.s32 $0x2D00;
	s22 =	simm.s32 $0x1;
	[smem:$0x7FD] =	sst s28  }
.LBB2_1:
0x2b: {  	[smem:$0x7F9] =	sst s13;
	s9 =	simm.s32 $0x40;
	s11 =	simm.s32 $0x0  }
.LBB2_2:
0x2c: {  	p1 =	sne.s32 s9, $0x63C0;
	[tilespmem:s11+$0x500] =	vst v0;
	s11 =	smov.u32 s9;
	s9 =	sadd.s32 $0x40, s9  }
.Ltmp0:
0x2d: {  	(pc) =	sbr.rel @p1 .LBB2_2-.Ltmp0, $2  }
0x2e: {  	_ =	sdelay $0x2  }
0x2f: {  	s11 =	sshra.s32 s11, $0x2  }
0x30: {  	[tilespmem:s11+$0x500] =	vst v0;
	s9 =	simm.s32 @!p0 $0x500;
	s11 =	rddreg [dreg:$0x7]  }
0x31: {  	[spmem:s11] =	stream.linear.scatter @!p0 [tilespmem:s9], [sflag:$0x2], $0x1900, $0x38;
	[tilespmem:$0x1DBA0] =	vst v63  }
0x32: {  	s11 =	simm.s32 @!p0 $0x2  }
0x33: {  	_ =	swait.ge @!p0 [sflag:s11], $0x1900  }
0x34: {  	[sflag:s11] =	ssyncset.done @!p0 $0x0  }
0x35: {  	s13 =	rddreg [dreg:$0xa];
	[sflag:s11] =	ssyncadd.s32 @!p0 $0xFFFFE700  }
0x36: {  	[spmem:s13] =	stream.linear.scatter @!p0 [tilespmem:s9], [sflag:$0x2], $0x1900, $0x38;
	[tilespmem:$0x1DBA0] =	vst v63  }
0x37: {  	_ =	swait.ge @!p0 [sflag:s11], $0x1900  }
0x38: {  	[sflag:s11] =	ssyncset.done @!p0 $0x0  }
0x39: {  	[sflag:s11] =	ssyncadd.s32 @!p0 $0xFFFFE700  }
0x3a: {  	[spmem:s25] =	stream.linear.scatter @!p0 [tilespmem:s9], [sflag:$0x2], $0x1900, $0x38;
	[tilespmem:$0x1DBA0] =	vst v63  }
0x3b: {  	_ =	swait.ge @!p0 [sflag:s11], $0x1900  }
0x3c: {  	[sflag:s11] =	ssyncset.done @!p0 $0x0  }
0x3d: {  	s13 =	rddreg [dreg:$0xc];
	[sflag:s11] =	ssyncadd.s32 @!p0 $0xFFFFE700  }
0x3e: {  	[spmem:s13] =	stream.linear.scatter @!p0 [tilespmem:s9], [sflag:$0x2], $0x1900, $0x38;
	[tilespmem:$0x1DBA0] =	vst v63  }
0x3f: {  	_ =	swait.ge @!p0 [sflag:s11], $0x1900  }
0x40: {  	[sflag:s11] =	ssyncset.done @!p0 $0x0  }
0x41: {  	s13 =	rddreg [dreg:$0xd];
	[sflag:s11] =	ssyncadd.s32 @!p0 $0xFFFFE700  }
0x42: {  	[spmem:s13] =	stream.linear.scatter @!p0 [tilespmem:s9], [sflag:$0x2], $0x1900, $0x38;
	[tilespmem:$0x1DBA0] =	vst v63  }
0x43: {  	_ =	swait.ge @!p0 [sflag:s11], $0x1900  }
0x44: {  	[sflag:s11] =	ssyncset.done @!p0 $0x0  }
0x45: {  	[sflag:s11] =	ssyncadd.s32 @!p0 $0xFFFFE700  }
0x46: {  	[spmem:s23] =	stream.linear.scatter @!p0 [tilespmem:s9], [sflag:$0x2], $0x1900, $0x38;
	[tilespmem:$0x1DBA0] =	vst v63  }
0x47: {  	_ =	swait.ge @!p0 [sflag:s11], $0x1900  }
0x48: {  	s9 =	rddreg [dreg:$0xf]  }
0x49: {  	[sflag:s11] =	ssyncset.done @!p0 $0x0;
	s9 =	smov.u32 @p0 s18  }
0x4a: {  	[sflag:s11] =	ssyncadd.s32 @!p0 $0xFFFFE700;
	[smem:$0x7F7] =	sst s9  }
0x4b: {  	[spmem:s9] =	stream.linear.scatter [tilespmem:s10], [sflag:$0x2], $0x1900, $0x38;
	[tilespmem:$0x1DBA0] =	vst v63  }
0x4c: {  	_ =	swait.ge [sflag:s29], $0x1900  }
0x4d: {  	s11 =	rddreg [dreg:$0x10]  }
0x4e: {  	s9 =	rddreg [dreg:$0x19]  }
0x4f: {  	[sflag:s29] =	ssyncset.done $0x0;
	s11 =	smov.u32 @p0 s9  }
0x50: {  	[sflag:s29] =	ssyncadd.s32 $0xFFFFE700;
	[smem:$0x7F8] =	sst s11  }
0x51: {  	[spmem:s11] =	stream.linear.scatter [tilespmem:s10], [sflag:$0x2], $0x1900, $0x38;
	[tilespmem:$0x1DBA0] =	vst v63  }
0x52: {  	_ =	swait.ge [sflag:s29], $0x1900  }
0x53: {  	s26 =	rddreg [dreg:$0x11]  }
0x54: {  	[sflag:s29] =	ssyncset.done $0x0;
	s9 =	rddreg [dreg:$0x1a]  }
0x55: {  	s26 =	smov.u32 @p0 s9;
	[sflag:s29] =	ssyncadd.s32 $0xFFFFE700  }
0x56: {  	[spmem:s26] =	stream.linear.scatter [tilespmem:s10], [sflag:$0x2], $0x1900, $0x38;
	[tilespmem:$0x1DBA0] =	vst v63  }
0x57: {  	_ =	swait.ge [sflag:s29], $0x1900  }
0x58: {  	s9 =	rddreg [dreg:$0x12]  }
0x59: {  	[sflag:s29] =	ssyncset.done $0x0;
	s11 =	rddreg [dreg:$0x1b]  }
0x5a: {  	s9 =	smov.u32 @p0 s11;
	[sflag:s29] =	ssyncadd.s32 $0xFFFFE700  }
0x5b: {  	[spmem:s9] =	stream.linear.scatter [tilespmem:s10], [sflag:$0x2], $0x1900, $0x38;
	[tilespmem:$0x1DBA0] =	vst v63  }
0x5c: {  	_ =	swait.ge [sflag:s29], $0x1900  }
0x5d: {  	s28 =	rddreg [dreg:$0x13]  }
0x5e: {  	[sflag:s29] =	ssyncset.done $0x0;
	s11 =	rddreg [dreg:$0x1c]  }
0x5f: {  	s28 =	smov.u32 @p0 s11;
	[sflag:s29] =	ssyncadd.s32 $0xFFFFE700  }
0x60: {  	[spmem:s28] =	stream.linear.scatter [tilespmem:s10], [sflag:$0x2], $0x1900, $0x38;
	[tilespmem:$0x1DBA0] =	vst v63  }
0x61: {  	_ =	swait.ge [sflag:s29], $0x1900  }
0x62: {  	s11 =	rddreg [dreg:$0x14]  }
0x63: {  	[sflag:s29] =	ssyncset.done $0x0;
	s13 =	rddreg [dreg:$0x1e]  }
0x64: {  	s11 =	smov.u32 @p0 s13;
	[sflag:s29] =	ssyncadd.s32 $0xFFFFE700  }
0x65: {  	[spmem:s11] =	stream.linear.scatter [tilespmem:s10], [sflag:$0x2], $0x1900, $0x38;
	[tilespmem:$0x1DBA0] =	vst v63  }
0x66: {  	_ =	swait.ge [sflag:s29], $0x1900  }
0x67: {  	s16 =	rddreg [dreg:$0x15]  }
0x68: {  	[sflag:s29] =	ssyncset.done $0x0;
	s13 =	rddreg [dreg:$0x1f]  }
0x69: {  	s16 =	smov.u32 @p0 s13;
	[sflag:s29] =	ssyncadd.s32 $0xFFFFE700  }
0x6a: {  	[spmem:s16] =	stream.linear.scatter [tilespmem:s10], [sflag:$0x2], $0x1900, $0x38;
	[tilespmem:$0x1DBA0] =	vst v63  }
0x6b: {  	_ =	swait.ge [sflag:s29], $0x1900  }
0x6c: {  	s13 =	sld [smem:$0x7FB];
	_ =	sdelay $0x1  }
0x6d: {  	s17 =	rddreg [dreg:$0x16];
	[sflag:s29] =	ssyncset.done $0x0  }
0x6e: {  	[sflag:s29] =	ssyncadd.s32 $0xFFFFE700;
	s17 =	smov.u32 @p0 s13  }
0x6f: {  	[spmem:s17] =	stream.linear.scatter [tilespmem:s10], [sflag:$0x2], $0x1900, $0x38;
	[tilespmem:$0x1DBA0] =	vst v63  }
0x70: {  	_ =	swait.ge [sflag:s29], $0x1900  }
0x71: {  	s13 =	sld [smem:$0x7FC];
	_ =	sdelay $0x1  }
0x72: {  	s18 =	rddreg [dreg:$0x17];
	[sflag:s29] =	ssyncset.done $0x0  }
0x73: {  	[sflag:s29] =	ssyncadd.s32 $0xFFFFE700;
	s18 =	smov.u32 @p0 s13  }
0x74: {  	[spmem:s18] =	stream.linear.scatter [tilespmem:s10], [sflag:$0x2], $0x1900, $0x38;
	[tilespmem:$0x1DBA0] =	vst v63  }
0x75: {  	_ =	swait.ge [sflag:s29], $0x1900  }
0x76: {  	s13 =	sld [smem:$0x7FD];
	_ =	sdelay $0x1  }
0x77: {  	s19 =	rddreg [dreg:$0x18];
	[sflag:s29] =	ssyncset.done $0x0  }
0x78: {  	[sflag:s29] =	ssyncadd.s32 $0xFFFFE700;
	s19 =	smov.u32 @p0 s13  }
0x79: {  	[spmem:s19] =	stream.linear.scatter [tilespmem:s10], [sflag:$0x2], $0x1900, $0x38;
	[tilespmem:$0x1DBA0] =	vst v63  }
0x7a: {  	_ =	swait.ge [sflag:s29], $0x1900  }
0x7b: {  	[sflag:s29] =	ssyncset.done $0x0  }
0x7c: {  	[sflag:s29] =	ssyncadd.s32 $0xFFFFE700  }
0x7d: {  	s13 =	simm.s32 $0x0;
	[bflag:$0x0] =	sbarrier.arrive $0xFFFF  }
.LBB2_4:
0x7e: {  	s20 =	sshll.u32 s13, $0x4  }
0x7f: {  	s20 =	sor.u32 s4, s20  }
0x80: {  	s23 =	smul.u32 $0x280, s20;
	_ =	sdelay $0x1  }
0x81: {  	s23 =	sshrl.u32 s23, $0x3  }
0x82: {  	s23 =	sadd.s32 s1, s23  }
0x83: {  	[tilespmem:s3], [sflag:$0x2] =	stream.linear.gather [hbm4b:s23+s3], $0x280, $0x38;
	[tilespmem:$0x1DBA0] =	vst v63  }
0x84: {  	_ =	swait.ge [sflag:s29], $0x280  }
0x85: {  	[sflag:s29] =	ssyncset.done $0x0  }
0x86: {  	s20 =	smul.u32 $0x5000, s20;
	s23 =	sadd.s32 $0x30D40, s23;
	[sflag:s29] =	ssyncadd.s32 $0xFFFFFD80  }
0x87: {  	[tilespmem:s30], [sflag:$0x2] =	stream.linear.gather [hbm4b:s23+s3], $0x280, $0x38;
	[tilespmem:$0x1DBA0] =	vst v63  }
0x88: {  	s20 =	sor.u32 s14, s20;
	_ =	swait.ge [sflag:s29], $0x280  }
0x89: {  	s20 =	sshrl.u32 s20, $0x3;
	[sflag:s29] =	ssyncset.done $0x0  }
0x8a: {  	s20 =	sadd.s32 s5, s20;
	[sflag:s29] =	ssyncadd.s32 $0xFFFFFD80  }
0x8b: {  	[tilespmem:s10], [sflag:$0x2] =	stream.strided.gather [hbm4b:s20+s15], $0x2800, s31, s15, $0x38;
	[tilespmem:$0x1DBA0] =	vst v63  }
0x8c: {  	_ =	swait.ge [sflag:s29], $0x2800  }
0x8d: {  	[sflag:s29] =	ssyncset.done $0x0  }
0x8e: {  	[sflag:s29] =	ssyncadd.s32 $0xFFFFD800  }
0x8f: {  	[tilespmem:s21], [sflag:$0x1] =	stream.indirect.gather [hbm4b:s8+s30], $0x10, s3, s30, $0xb8;
	[tilespmem:$0x1DBA0] =	vst v63  }
0x90: {  	_ =	swait.ge [sflag:s22], $0x2800  }
0x91: {  	[sflag:s22] =	ssyncset.done $0x0  }
0x92: {  	s20 =	simm.s32 $0x540;
	[sflag:s22] =	ssyncadd.s32 $0xFFFFD800  }
0x93: {  	s23 =	simm.s32 $0x2D40;
	v2 =	vld [tilespmem:s20+$0x30]  }
0x94: {  	v3 =	vld [tilespmem:s23+$0x30]  }
0x95: {  	v1 =	vld [tilespmem:s23+$0xFFFFFFC0]  }
0x96: {  	v4 =	vld [tilespmem:s20+$0xFFFFFFD0]  }
0x97: {  	v5 =	vld [tilespmem:s23+$0xFFFFFFD0]  }
0x98: {  	v6 =	vld [tilespmem:s20+$0xFFFFFFE0]  }
0x99: {  	v7 =	vld [tilespmem:s23+$0xFFFFFFE0]  }
0x9a: {  	v8 =	vld [tilespmem:s20+$0xFFFFFFF0]  }
0x9b: {  	v9 =	vld [tilespmem:s23+$0xFFFFFFF0]  }
0x9c: {  	v10 =	vld [tilespmem:s20+$0x0]  }
0x9d: {  	v11 =	vld [tilespmem:s23+$0x0];
	v3 =	vmul.f32 v3, v2  }
0x9e: {  	v5 =	vmul.f32 v5, v4;
	v2 =	vld [tilespmem:s20+$0x10]  }
0x9f: {  	v6 =	vmul.f32 v7, v6;
	v4 =	vld [tilespmem:s23+$0x10];
	[tilespmem:s20+$0x30] =	vst v3  }
0xa0: {  	v7 =	vmul.f32 v9, v8;
	[tilespmem:s20+$0xFFFFFFD0] =	vst v5;
	v3 =	vld [tilespmem:s20+$0x20]  }
0xa1: {  	[tilespmem:s20+$0xFFFFFFE0] =	vst v6;
	v6 =	vld [tilespmem:s23+$0x20]  }
0xa2: {  	s24 =	simm.s32 $0x0;
	s25 =	simm.s32 $0x5C0;
	v5 =	vld [tilespmem:s20+$0xFFFFFFC0];
	[tilespmem:s20+$0xFFFFFFF0] =	vst v7;
	v7 =	vmul.f32 v11, v10  }
.LBB2_5:
0xa3: {  	v8 =	vld [tilespmem:s25+$0x30];
	s23 =	sadd.s32 $0x80, s23  }
0xa4: {  	s24 =	sadd.s32 $0x8, s24;
	v9 =	vld [tilespmem:s23+$0x30];
	[tilespmem:s20+$0x0] =	vst v7;
	v2 =	vmul.f32 v4, v2  }
0xa5: {  	p1 =	slt.u32 s24, $0x278;
	v4 =	vld [tilespmem:s23+$0xFFFFFFC0]  }
0xa6: {  	v7 =	vld [tilespmem:s25+$0xFFFFFFD0];
	[tilespmem:s20+$0x10] =	vst v2;
	v2 =	vmul.f32 v6, v3  }
0xa7: {  	v3 =	vld [tilespmem:s23+$0xFFFFFFD0];
	v10 =	vmul.f32 v1, v5  }
0xa8: {  	v5 =	vld [tilespmem:s25+$0xFFFFFFE0];
	[tilespmem:s20+$0x20] =	vst v2  }
0xa9: {  	v2 =	vld [tilespmem:s23+$0xFFFFFFE0];
	v6 =	vmul.f32 v9, v8;
	[tilespmem:s20+$0xFFFFFFC0] =	vst v10;
	s20 =	smov.u32 s25  }
0xaa: {  	v8 =	vld [tilespmem:s25+$0xFFFFFFF0];
	v1 =	vmov v4  }
0xab: {  	v9 =	vld [tilespmem:s23+$0xFFFFFFF0];
	[tilespmem:s25+$0x30] =	vst v6  }
0xac: {  	v3 =	vmul.f32 v3, v7;
	v7 =	vld [tilespmem:s25+$0x0]  }
0xad: {  	v10 =	vld [tilespmem:s23+$0x0]  }
.Ltmp1:
0xae: {  	[tilespmem:s25+$0xFFFFFFD0] =	vst v3;
	v3 =	vmul.f32 v2, v5;
	v2 =	vld [tilespmem:s25+$0x10];
	(pc) =	sbr.rel @p1 .LBB2_5-.Ltmp1, $4  }
0xaf: {  	v4 =	vld [tilespmem:s23+$0x10]  }
0xb0: {  	[tilespmem:s25+$0xFFFFFFE0] =	vst v3;
	v8 =	vmul.f32 v9, v8;
	v3 =	vld [tilespmem:s25+$0x20]  }
0xb1: {  	v6 =	vld [tilespmem:s23+$0x20]  }
0xb2: {  	s25 =	sadd.s32 $0x80, s25;
	v5 =	vld [tilespmem:s20+$0xFFFFFFC0];
	[tilespmem:s20+$0xFFFFFFF0] =	vst v8;
	v7 =	vmul.f32 v10, v7  }
0xb3: {  	_ =	sdelay $0x1  }
0xb4: {  	v2 =	vmul.f32 v4, v2  }
0xb5: {  	[tilespmem:s20+$0x0] =	vst v7;
	v3 =	vmul.f32 v6, v3  }
0xb6: {  	s13 =	sadd.s32 $0x1, s13;
	[tilespmem:s20+$0x10] =	vst v2;
	v1 =	vmul.f32 v1, v5  }
0xb7: {  	p1 =	sne.s32 s13, s0;
	[tilespmem:s20+$0x20] =	vst v3  }
.Ltmp2:
0xb8: {  	[tilespmem:s20+$0xFFFFFFC0] =	vst v1;
	(pc) =	sbr.rel @p1 .LBB2_4-.Ltmp2, $4  }
0xb9: {  	[spmem:s2] =	stream.indirect.scatter.add.f32 [tilespmem:s10], [sflag:$0x2], $0x10, s30, s30, $0xb8;
	[tilespmem:$0x1DBA0] =	vst v63  }
0xba: {  	_ =	swait.ge [sflag:s29], $0x2800  }
0xbb: {  	[sflag:s29] =	ssyncset.done $0x0  }
0xbc: {  	[sflag:s29] =	ssyncadd.s32 $0xFFFFD800  }
0xbd: {  	[bflag:$0x0] =	sbarrier.arrive $0xFFFF  }
0xbe: {  	s13 =	rddreg [dreg:$0x6]  }
0xbf: {  	s20 =	rddreg [dreg:$0x5];
	s23 =	sshrl.u32 @p0 s13, $0x3  }
0xc0: {  	s13 =	simm.s32 @p0 $0x1FC2;
	[smem:$0x7F5] =	sst s23  }
0xc1: {  	[hbm:s20], [sflag:s13] =	dma.local @p0 [spmem:s23], $0x1F40  }
0xc2: {  	s13 =	simm.s32 @p0 $0x2  }
0xc3: {  	_ =	swait.ge @p0 [sflag:s13], $0x1F40  }
0xc4: {  	s20 =	sshll.u32 @!p0 s4, $0x6;
	[sflag:s13] =	ssyncset.done @p0 $0x0;
	s23 =	rddreg [dreg:$0x4]  }
0xc5: {  	s24 =	sor.u32 @!p0 $0x1C02, s20;
	[sflag:s13] =	ssyncadd.s32 @p0 $0xFFFFE0C0;
	s13 =	rddreg [dreg:$0x1d]  }
0xc6: {  	[smem:$0x7F6] =	sst s24;
	s20 =	sshrl.u32 @!p0 s13, $0x3  }
0xc7: {  	[hbm:s23], [sflag:s24] =	dma.local @!p0 [spmem:s20], $0x3200  }
0xc8: {  	s23 =	simm.s32 @!p0 $0x2  }
0xc9: {  	_ =	swait.ge @!p0 [sflag:s23], $0x3200  }
0xca: {  	[sflag:s23] =	ssyncset.done @!p0 $0x0  }
0xcb: {  	s24 =	simm.s32 $0x0;
	[sflag:s23] =	ssyncadd.s32 @!p0 $0xFFFFCE00;
	s23 =	simm.s32 $0x40  }
.LBB2_8:
0xcc: {  	p1 =	sne.s32 s23, $0x63C0;
	[tilespmem:s24+$0x500] =	vst v0;
	s24 =	smov.u32 s23;
	s23 =	sadd.s32 $0x40, s23  }
.Ltmp3:
0xcd: {  	(pc) =	sbr.rel @p1 .LBB2_8-.Ltmp3, $2  }
0xce: {  	_ =	sdelay $0x2  }
0xcf: {  	s24 =	sshra.s32 s24, $0x2  }
0xd0: {  	[tilespmem:s24+$0x500] =	vst v0;
	s23 =	simm.s32 @!p0 $0x500;
	s24 =	rddreg [dreg:$0x7]  }
0xd1: {  	[spmem:s24] =	stream.linear.scatter @!p0 [tilespmem:s23], [sflag:$0x2], $0x1900, $0x38;
	[tilespmem:$0x1DBA0] =	vst v63  }
0xd2: {  	s24 =	simm.s32 @!p0 $0x2  }
0xd3: {  	_ =	swait.ge @!p0 [sflag:s24], $0x1900  }
0xd4: {  	[sflag:s24] =	ssyncset.done @!p0 $0x0  }
0xd5: {  	s25 =	rddreg [dreg:$0xa];
	[sflag:s24] =	ssyncadd.s32 @!p0 $0xFFFFE700  }
0xd6: {  	[spmem:s25] =	stream.linear.scatter @!p0 [tilespmem:s23], [sflag:$0x2], $0x1900, $0x38;
	[tilespmem:$0x1DBA0] =	vst v63  }
0xd7: {  	_ =	swait.ge @!p0 [sflag:s24], $0x1900  }
0xd8: {  	[sflag:s24] =	ssyncset.done @!p0 $0x0  }
0xd9: {  	s25 =	rddreg [dreg:$0xb];
	[sflag:s24] =	ssyncadd.s32 @!p0 $0xFFFFE700  }
0xda: {  	[spmem:s25] =	stream.linear.scatter @!p0 [tilespmem:s23], [sflag:$0x2], $0x1900, $0x38;
	[tilespmem:$0x1DBA0] =	vst v63  }
0xdb: {  	_ =	swait.ge @!p0 [sflag:s24], $0x1900  }
0xdc: {  	[sflag:s24] =	ssyncset.done @!p0 $0x0  }
0xdd: {  	s13 =	rddreg [dreg:$0xc];
	[sflag:s24] =	ssyncadd.s32 @!p0 $0xFFFFE700  }
0xde: {  	[spmem:s13] =	stream.linear.scatter @!p0 [tilespmem:s23], [sflag:$0x2], $0x1900, $0x38;
	[tilespmem:$0x1DBA0] =	vst v63  }
0xdf: {  	_ =	swait.ge @!p0 [sflag:s24], $0x1900  }
0xe0: {  	[sflag:s24] =	ssyncset.done @!p0 $0x0  }
0xe1: {  	s13 =	rddreg [dreg:$0xd];
	[sflag:s24] =	ssyncadd.s32 @!p0 $0xFFFFE700  }
0xe2: {  	[spmem:s13] =	stream.linear.scatter @!p0 [tilespmem:s23], [sflag:$0x2], $0x1900, $0x38;
	[tilespmem:$0x1DBA0] =	vst v63  }
0xe3: {  	_ =	swait.ge @!p0 [sflag:s24], $0x1900  }
0xe4: {  	[sflag:s24] =	ssyncset.done @!p0 $0x0  }
0xe5: {  	s13 =	rddreg [dreg:$0xe];
	[sflag:s24] =	ssyncadd.s32 @!p0 $0xFFFFE700  }
0xe6: {  	[spmem:s13] =	stream.linear.scatter @!p0 [tilespmem:s23], [sflag:$0x2], $0x1900, $0x38;
	[tilespmem:$0x1DBA0] =	vst v63  }
0xe7: {  	_ =	swait.ge @!p0 [sflag:s24], $0x1900  }
0xe8: {  	[sflag:s24] =	ssyncset.done @!p0 $0x0  }
0xe9: {  	[sflag:s24] =	ssyncadd.s32 @!p0 $0xFFFFE700;
	s24 =	sld [smem:$0x7F7];
	_ =	sdelay $0x2  }
0xea: {  	[spmem:s24] =	stream.linear.scatter [tilespmem:s10], [sflag:$0x2], $0x1900, $0x38;
	[tilespmem:$0x1DBA0] =	vst v63  }
0xeb: {  	_ =	swait.ge [sflag:s29], $0x1900  }
0xec: {  	s24 =	sld [smem:$0x7F8]  }
0xed: {  	[sflag:s29] =	ssyncset.done $0x0  }
0xee: {  	[sflag:s29] =	ssyncadd.s32 $0xFFFFE700  }
0xef: {  	[spmem:s24] =	stream.linear.scatter [tilespmem:s10], [sflag:$0x2], $0x1900, $0x38;
	[tilespmem:$0x1DBA0] =	vst v63  }
0xf0: {  	_ =	swait.ge [sflag:s29], $0x1900  }
0xf1: {  	[sflag:s29] =	ssyncset.done $0x0  }
0xf2: {  	[sflag:s29] =	ssyncadd.s32 $0xFFFFE700  }
0xf3: {  	[spmem:s26] =	stream.linear.scatter [tilespmem:s10], [sflag:$0x2], $0x1900, $0x38;
	[tilespmem:$0x1DBA0] =	vst v63  }
0xf4: {  	_ =	swait.ge [sflag:s29], $0x1900  }
0xf5: {  	[sflag:s29] =	ssyncset.done $0x0  }
0xf6: {  	[sflag:s29] =	ssyncadd.s32 $0xFFFFE700  }
0xf7: {  	[spmem:s9] =	stream.linear.scatter [tilespmem:s10], [sflag:$0x2], $0x1900, $0x38;
	[tilespmem:$0x1DBA0] =	vst v63  }
0xf8: {  	_ =	swait.ge [sflag:s29], $0x1900  }
0xf9: {  	[sflag:s29] =	ssyncset.done $0x0  }
0xfa: {  	[sflag:s29] =	ssyncadd.s32 $0xFFFFE700  }
0xfb: {  	[spmem:s28] =	stream.linear.scatter [tilespmem:s10], [sflag:$0x2], $0x1900, $0x38;
	[tilespmem:$0x1DBA0] =	vst v63  }
0xfc: {  	_ =	swait.ge [sflag:s29], $0x1900  }
0xfd: {  	[sflag:s29] =	ssyncset.done $0x0  }
0xfe: {  	[sflag:s29] =	ssyncadd.s32 $0xFFFFE700  }
0xff: {  	[spmem:s11] =	stream.linear.scatter [tilespmem:s10], [sflag:$0x2], $0x1900, $0x38;
	[tilespmem:$0x1DBA0] =	vst v63  }
0x100: {  	_ =	swait.ge [sflag:s29], $0x1900  }
0x101: {  	[sflag:s29] =	ssyncset.done $0x0  }
0x102: {  	[sflag:s29] =	ssyncadd.s32 $0xFFFFE700  }
0x103: {  	[spmem:s16] =	stream.linear.scatter [tilespmem:s10], [sflag:$0x2], $0x1900, $0x38;
	[tilespmem:$0x1DBA0] =	vst v63  }
0x104: {  	_ =	swait.ge [sflag:s29], $0x1900  }
0x105: {  	[sflag:s29] =	ssyncset.done $0x0  }
0x106: {  	[sflag:s29] =	ssyncadd.s32 $0xFFFFE700  }
0x107: {  	[spmem:s17] =	stream.linear.scatter [tilespmem:s10], [sflag:$0x2], $0x1900, $0x38;
	[tilespmem:$0x1DBA0] =	vst v63  }
0x108: {  	_ =	swait.ge [sflag:s29], $0x1900  }
0x109: {  	[sflag:s29] =	ssyncset.done $0x0  }
0x10a: {  	[sflag:s29] =	ssyncadd.s32 $0xFFFFE700  }
0x10b: {  	[spmem:s18] =	stream.linear.scatter [tilespmem:s10], [sflag:$0x2], $0x1900, $0x38;
	[tilespmem:$0x1DBA0] =	vst v63  }
0x10c: {  	_ =	swait.ge [sflag:s29], $0x1900  }
0x10d: {  	[sflag:s29] =	ssyncset.done $0x0  }
0x10e: {  	[sflag:s29] =	ssyncadd.s32 $0xFFFFE700  }
0x10f: {  	[spmem:s19] =	stream.linear.scatter [tilespmem:s10], [sflag:$0x2], $0x1900, $0x38;
	[tilespmem:$0x1DBA0] =	vst v63  }
0x110: {  	_ =	swait.ge [sflag:s29], $0x1900  }
0x111: {  	[sflag:s29] =	ssyncset.done $0x0  }
0x112: {  	[sflag:s29] =	ssyncadd.s32 $0xFFFFE700  }
0x113: {  	[bflag:$0x0] =	sbarrier.arrive $0xFFFF  }
0x114: {  	s23 =	smov.u32 s13;
	s9 =	simm.s32 $0x0;
	s13 =	sld [smem:$0x7F9]  }
.LBB2_10:
0x115: {  	s11 =	sshll.u32 s9, $0x4  }
0x116: {  	s11 =	sor.u32 s4, s11  }
0x117: {  	s16 =	smul.u32 $0x280, s11;
	_ =	sdelay $0x1  }
0x118: {  	s16 =	sshrl.u32 s16, $0x3  }
0x119: {  	s16 =	sadd.s32 s7, s16  }
0x11a: {  	[tilespmem:s3], [sflag:$0x2] =	stream.linear.gather [hbm4b:s16+s3], $0x280, $0x38;
	[tilespmem:$0x1DBA0] =	vst v63  }
0x11b: {  	_ =	swait.ge [sflag:s29], $0x280  }
0x11c: {  	[sflag:s29] =	ssyncset.done $0x0  }
0x11d: {  	s11 =	smul.u32 $0x5000, s11;
	s16 =	sadd.s32 $0x30D40, s16;
	[sflag:s29] =	ssyncadd.s32 $0xFFFFFD80  }
0x11e: {  	[tilespmem:s30], [sflag:$0x2] =	stream.linear.gather [hbm4b:s16+s3], $0x280, $0x38;
	[tilespmem:$0x1DBA0] =	vst v63  }
0x11f: {  	s11 =	sor.u32 s14, s11;
	_ =	swait.ge [sflag:s29], $0x280  }
0x120: {  	s11 =	sshrl.u32 s11, $0x3;
	[sflag:s29] =	ssyncset.done $0x0  }
0x121: {  	s11 =	sadd.s32 s6, s11;
	[sflag:s29] =	ssyncadd.s32 $0xFFFFFD80  }
0x122: {  	[tilespmem:s10], [sflag:$0x2] =	stream.strided.gather [hbm4b:s11+s15], $0x2800, s31, s15, $0x38;
	[tilespmem:$0x1DBA0] =	vst v63  }
0x123: {  	_ =	swait.ge [sflag:s29], $0x2800  }
0x124: {  	[sflag:s29] =	ssyncset.done $0x0  }
0x125: {  	[sflag:s29] =	ssyncadd.s32 $0xFFFFD800  }
0x126: {  	[tilespmem:s21], [sflag:$0x1] =	stream.indirect.gather [hbm4b:s12+s30], $0x10, s3, s30, $0xb8;
	[tilespmem:$0x1DBA0] =	vst v63  }
0x127: {  	_ =	swait.ge [sflag:s22], $0x2800  }
0x128: {  	[sflag:s22] =	ssyncset.done $0x0  }
0x129: {  	s11 =	simm.s32 $0x540;
	[sflag:s22] =	ssyncadd.s32 $0xFFFFD800  }
0x12a: {  	s16 =	simm.s32 $0x2D40;
	v2 =	vld [tilespmem:s11+$0x30]  }
0x12b: {  	v3 =	vld [tilespmem:s16+$0x30]  }
0x12c: {  	v1 =	vld [tilespmem:s16+$0xFFFFFFC0]  }
0x12d: {  	v4 =	vld [tilespmem:s11+$0xFFFFFFD0]  }
0x12e: {  	v5 =	vld [tilespmem:s16+$0xFFFFFFD0]  }
0x12f: {  	v6 =	vld [tilespmem:s11+$0xFFFFFFE0]  }
0x130: {  	v7 =	vld [tilespmem:s16+$0xFFFFFFE0]  }
0x131: {  	v8 =	vld [tilespmem:s11+$0xFFFFFFF0]  }
0x132: {  	v9 =	vld [tilespmem:s16+$0xFFFFFFF0]  }
0x133: {  	v10 =	vld [tilespmem:s11+$0x0]  }
0x134: {  	v11 =	vld [tilespmem:s16+$0x0];
	v3 =	vmul.f32 v3, v2  }
0x135: {  	v5 =	vmul.f32 v5, v4;
	v2 =	vld [tilespmem:s11+$0x10]  }
0x136: {  	v6 =	vmul.f32 v7, v6;
	v4 =	vld [tilespmem:s16+$0x10];
	[tilespmem:s11+$0x30] =	vst v3  }
0x137: {  	v7 =	vmul.f32 v9, v8;
	[tilespmem:s11+$0xFFFFFFD0] =	vst v5;
	v3 =	vld [tilespmem:s11+$0x20]  }
0x138: {  	[tilespmem:s11+$0xFFFFFFE0] =	vst v6;
	v6 =	vld [tilespmem:s16+$0x20]  }
0x139: {  	s17 =	simm.s32 $0x0;
	s18 =	simm.s32 $0x5C0;
	v5 =	vld [tilespmem:s11+$0xFFFFFFC0];
	[tilespmem:s11+$0xFFFFFFF0] =	vst v7;
	v7 =	vmul.f32 v11, v10  }
.LBB2_11:
0x13a: {  	v8 =	vld [tilespmem:s18+$0x30];
	s16 =	sadd.s32 $0x80, s16  }
0x13b: {  	s17 =	sadd.s32 $0x8, s17;
	v9 =	vld [tilespmem:s16+$0x30];
	[tilespmem:s11+$0x0] =	vst v7;
	v2 =	vmul.f32 v4, v2  }
0x13c: {  	p1 =	slt.u32 s17, $0x278;
	v4 =	vld [tilespmem:s16+$0xFFFFFFC0]  }
0x13d: {  	v7 =	vld [tilespmem:s18+$0xFFFFFFD0];
	[tilespmem:s11+$0x10] =	vst v2;
	v2 =	vmul.f32 v6, v3  }
0x13e: {  	v3 =	vld [tilespmem:s16+$0xFFFFFFD0];
	v10 =	vmul.f32 v1, v5  }
0x13f: {  	v5 =	vld [tilespmem:s18+$0xFFFFFFE0];
	[tilespmem:s11+$0x20] =	vst v2  }
0x140: {  	v2 =	vld [tilespmem:s16+$0xFFFFFFE0];
	v6 =	vmul.f32 v9, v8;
	[tilespmem:s11+$0xFFFFFFC0] =	vst v10;
	s11 =	smov.u32 s18  }
0x141: {  	v8 =	vld [tilespmem:s18+$0xFFFFFFF0];
	v1 =	vmov v4  }
0x142: {  	v9 =	vld [tilespmem:s16+$0xFFFFFFF0];
	[tilespmem:s18+$0x30] =	vst v6  }
0x143: {  	v3 =	vmul.f32 v3, v7;
	v7 =	vld [tilespmem:s18+$0x0]  }
0x144: {  	v10 =	vld [tilespmem:s16+$0x0]  }
.Ltmp4:
0x145: {  	[tilespmem:s18+$0xFFFFFFD0] =	vst v3;
	v3 =	vmul.f32 v2, v5;
	v2 =	vld [tilespmem:s18+$0x10];
	(pc) =	sbr.rel @p1 .LBB2_11-.Ltmp4, $4  }
0x146: {  	v4 =	vld [tilespmem:s16+$0x10]  }
0x147: {  	[tilespmem:s18+$0xFFFFFFE0] =	vst v3;
	v8 =	vmul.f32 v9, v8;
	v3 =	vld [tilespmem:s18+$0x20]  }
0x148: {  	v6 =	vld [tilespmem:s16+$0x20]  }
0x149: {  	s18 =	sadd.s32 $0x80, s18;
	v5 =	vld [tilespmem:s11+$0xFFFFFFC0];
	[tilespmem:s11+$0xFFFFFFF0] =	vst v8;
	v7 =	vmul.f32 v10, v7  }
0x14a: {  	_ =	sdelay $0x1  }
0x14b: {  	v2 =	vmul.f32 v4, v2  }
0x14c: {  	[tilespmem:s11+$0x0] =	vst v7;
	v3 =	vmul.f32 v6, v3  }
0x14d: {  	s9 =	sadd.s32 $0x1, s9;
	[tilespmem:s11+$0x10] =	vst v2;
	v1 =	vmul.f32 v1, v5  }
0x14e: {  	p1 =	sne.s32 s9, s0;
	[tilespmem:s11+$0x20] =	vst v3  }
.Ltmp5:
0x14f: {  	[tilespmem:s11+$0xFFFFFFC0] =	vst v1;
	(pc) =	sbr.rel @p1 .LBB2_10-.Ltmp5, $4  }
0x150: {  	[spmem:s2] =	stream.indirect.scatter.add.f32 [tilespmem:s10], [sflag:$0x2], $0x10, s30, s30, $0xb8;
	[tilespmem:$0x1DBA0] =	vst v63  }
0x151: {  	_ =	swait.ge [sflag:s29], $0x2800  }
0x152: {  	[sflag:s29] =	ssyncset.done $0x0  }
0x153: {  	[sflag:s29] =	ssyncadd.s32 $0xFFFFD800  }
0x154: {  	[bflag:$0x0] =	sbarrier.arrive $0xFFFF  }
0x155: {  	s16 =	sld [smem:$0x7F5];
	_ =	sdelay $0x1  }
0x156: {  	s9 =	simm.s32 @p0 $0x1FC2;
	s11 =	rddreg [dreg:$0x9]  }
0x157: {  	[hbm:s11], [sflag:s9] =	dma.local @p0 [spmem:s16], $0x1F40  }
0x158: {  	s9 =	simm.s32 @p0 $0x2  }
0x159: {  	_ =	swait.ge @p0 [sflag:s9], $0x1F40  }
0x15a: {  	s11 =	sld [smem:$0x7F6]  }
0x15b: {  	[sflag:s9] =	ssyncset.done @p0 $0x0  }
0x15c: {  	[sflag:s9] =	ssyncadd.s32 @p0 $0xFFFFE0C0;
	s9 =	rddreg [dreg:$0x8]  }
0x15d: {  	[hbm:s9], [sflag:s11] =	dma.local @!p0 [spmem:s20], $0x3200  }
0x15e: {  	s9 =	simm.s32 @!p0 $0x2  }
0x15f: {  	_ =	swait.ge @!p0 [sflag:s9], $0x3200  }
0x160: {  	s28 =	sld [smem:$0x7FA];
	_ =	sdelay $0x1  }
0x161: {  	s13 =	sadd.s32 $0x1, s13  }
0x162: {  	p1 =	sne.s32 s13, s28  }
.Ltmp6:
0x163: {  	_ = 	snop;
	(pc) =	sbr.rel @p1 .LBB2_1-.Ltmp6, $3  }
0x164: {  	_ =	sdelay $0x1  }
0x165: {  	[sflag:s9] =	ssyncset.done @!p0 $0x0  }
0x166: {  	s18 =	rddreg [dreg:$0x6];
	[sflag:s9] =	ssyncadd.s32 @!p0 $0xFFFFCE00  }
0x167: {  	_ =	sfence.sel $0x180000  }
0x168: {  	[bflag:$0x0] =	sbarrier.arrive $0xFFFF  }
0x169: {  	_ =	strace $0x9000004A  }
0x16a: {  	[bflag:$0x2] =	sbarrier.arrive $0xFFFF  }
0x16b: {  	p0 =	sne.s32 s4, $0x0;
	s0 =	rddreg [dreg:$0x3]  }
0x16c: {  	s0 =	sadd.s32 @!p0 $0x100000, s0  }
0x16d: {  	[sflag:s0] =	ssyncadd.tile.s32 @!p0 $0x1;
	_ =	shalt  }
.Lfunc_end2:
_tile_overlayer_lowered:
.L_overlay_start_2:
0x16e: {  	(tag) =	ssettag $0x2  }
0x16f: {  	s0 =	rddreg [dreg:$0x0];
	s2 =	stileid.u32  }
0x170: {  	s1 =	rddreg [dreg:$0x1];
	p0 =	sne.s32 s2, $0x0  }
0x171: {  	s3 =	rddreg [dreg:$0x2];
	[bflag:$0x3] =	sbarrier.arrive $0xFFFF;
	s2 =	simm.s32 @!p0 $0x1C02  }
0x172: {  	[timem:s3], [sflag:s2] =	dma.local @!p0 [hbm:s0], s1  }
0x173: {  	s0 =	simm.s32 @!p0 $0x2  }
0x174: {  	_ =	swait.ge @!p0 [sflag:s0], s1  }
0x175: {  	s1 =	ssub.s32 @!p0 $0x0, s1;
	[sflag:s0] =	ssyncset.done @!p0 $0x0  }
0x176: {  	[sflag:s0] =	ssyncadd.s32 @!p0 s1  }
0x177: {  	[bflag:$0x3] =	sbarrier.arrive $0xFFFF  }
0x178: {  	_ =	shalt  }

// kernel: kernel.9.cloned.1.call-start
scs
__scs_entry_jumppad:
0x0: {  	(pc) =	sbr.rel $0x88, $3  }
0x1: {  	(tag) =	ssettag $0x0;
	lr =	simm.s32 $0x1  }
0x2: {  	[smem:$0x3F71] =	sst lr;
	_ =	strace $0xD0000000  }
0x3: {  	_ = 	snop  }
0x4: {  	_ = 	snop  }
0x5: {  	_ = 	snop  }
0x6: {  	_ = 	snop  }
0x7: {  	_ = 	snop  }
__scs_overlays_trampoline_lowered:
0x8: {  	[smem:$0x3F80] =	sst s0  }
0x9: {  	[smem:$0x3F81] =	sst s1  }
0xa: {  	[smem:$0x3F82] =	sst s2  }
0xb: {  	[smem:$0x3F83] =	sst s3  }
0xc: {  	[smem:$0x3F84] =	sst s4  }
0xd: {  	[smem:$0x3F85] =	sst s5  }
0xe: {  	[smem:$0x3F86] =	sst s6  }
0xf: {  	[smem:$0x3F87] =	sst s7  }
0x10: {  	[smem:$0x3F88] =	sst s8  }
0x11: {  	[smem:$0x3F89] =	sst s9;
	s0 =	simm.s32 @!p0 $0x0  }
0x12: {  	s1 =	sld [smem:$0x3F6F];
	s0 =	simm.s32 @p0 $0x1  }
0x13: {  	[smem:$0x3F8A] =	sst s0;
	s0 =	simm.s32 @!p1 $0x0  }
0x14: {  	s2 =	sld [smem:$0x3F6E];
	s0 =	simm.s32 @p1 $0x1  }
0x15: {  	[smem:$0x3F8B] =	sst s0;
	s0 =	simm.s32 @!p2 $0x0  }
0x16: {  	s3 =	sld [smem:$0x3FDB];
	s0 =	simm.s32 @p2 $0x1  }
0x17: {  	s4 =	simm.s32 $0x1BF5;
	[smem:$0x3F8D] =	sst s0  }
0x18: {  	s0 =	sld [smem:$0x3F70];
	_ =	swait.ge [sflag:s4], $0x0  }
0x19: {  	s7 =	sld [smem:$0x3F71]  }
0x1a: {  	s8 =	sadd.s32 $0xFFFFE003, lr  }
0x1b: {  	s9 =	sadd.s32 $0xFFFFFEF7, lr;
	s5 =	simm.s32 $0xFFFFFFFF;
	p2 =	slt.u32 s8, $0xFFFFF086  }
0x1c: {  	p1 =	slt.u32 s9, $0xF7A;
	s5 =	simm.s32 @!p2 $0x0  }
0x1d: {  	s5 =	simm.s32 @p1 $0x1;
	p0 =	seq.s32 s7, s2  }
0x1e: {  	s7 =	smul.u32 @!p0 $0xF7A, s2;
	p2 =	seq.s32 @!p0 s5, $0x0  }
0x1f: {  	s9 =	smul.u32 $0xF7A, s1;
	s8 =	simm.s32 @!p0 $0x1BF5;
	p2 =	por !p2, p0  }
0x20: {  	[sflag:s8] =	ssyncset.s32 @!p0 $0xFFFFF086;
	s6 =	sadd.s32 @!p0 s3, s7;
	s7 =	simm.s32 @!p0 $0x108  }
0x21: {  	s3 =	sadd.s32 s3, s9;
	s6 =	sadd.s32 @!p0 $0x88, s6;
	s7 =	simm.s32 @p2 $0x1082  }
0x22: {  	[simem:s7], [sflag:s8] =	dma.local @!p0 [hbm:s6], $0xF7A  }
0x23: {  	s9 =	sor.u32 $0xD0000000, s2;
	s6 =	simm.s32 $0x108;
	_ =	swait.ge @!p0 [sflag:s8], $0x0  }
0x24: {  	s3 =	sadd.s32 $0x88, s3;
	s6 =	simm.s32 @!p1 $0x1082;
	[sflag:s4] =	ssyncset.s32 $0xFFFFF086  }
0x25: {  	[simem:s6], [sflag:s4] =	dma.local [hbm:s3], $0xF7A  }
0x26: {  	[smem:$0x3F71] =	sst s1;
	(tag) =	ssettag s2;
	_ =	strace s9  }
0x27: {  	s1 =	sld [smem:$0x3F81]  }
0x28: {  	s2 =	sld [smem:$0x3F82]  }
0x29: {  	s4 =	sld [smem:$0x3F84]  }
0x2a: {  	p0 =	seq.s32 s5, $0x0;
	s5 =	sld [smem:$0x3F85]  }
0x2b: {  	s6 =	sld [smem:$0x3F86]  }
0x2c: {  	s7 =	sld [smem:$0x3F87]  }
0x2d: {  	s3 =	simm.s32 $0x108;
	s8 =	sld [smem:$0x3F88]  }
0x2e: {  	s3 =	simm.s32 @!p0 $0x1082;
	s9 =	sld [smem:$0x3F89]  }
0x2f: {  	lr =	sadd.s32 s0, s3;
	s0 =	sld [smem:$0x3F80]  }
0x30: {  	s3 =	sld [smem:$0x3F83]  }
0x31: {  	[smem:$0x3F8C] =	sst s10  }
0x32: {  	s10 =	sld [smem:$0x3F8A];
	_ =	sdelay $0x3  }
0x33: {  	p0 =	seq.s32 s10, $0x1;
	s10 =	sld [smem:$0x3F8C];
	_ =	sdelay $0x3  }
0x34: {  	[smem:$0x3F8C] =	sst s10  }
0x35: {  	s10 =	sld [smem:$0x3F8B];
	_ =	sdelay $0x3  }
0x36: {  	p1 =	seq.s32 s10, $0x1;
	s10 =	sld [smem:$0x3F8C];
	_ =	sdelay $0x3  }
0x37: {  	[smem:$0x3F8C] =	sst s10  }
0x38: {  	s10 =	sld [smem:$0x3F8D]  }
0x39: {  	_ = 	snop;
	(pc) =	sbr.ind lr, $3  }
0x3a: {  	_ = 	snop  }
0x3b: {  	_ = 	snop  }
0x3c: {  	p2 =	seq.s32 s10, $0x1;
	s10 =	sld [smem:$0x3F8C]  }
0x3d: {  	_ =	shalt  }
0x3e: {  	_ =	shalt  }
0x3f: {  	_ =	shalt  }
0x40: {  	_ =	shalt  }
0x41: {  	_ =	shalt  }
0x42: {  	_ =	shalt  }
0x43: {  	_ =	shalt  }
0x44: {  	_ =	shalt  }
0x45: {  	_ =	shalt  }
0x46: {  	_ =	shalt  }
0x47: {  	_ =	shalt  }
0x48: {  	_ =	shalt  }
0x49: {  	_ =	shalt  }
0x4a: {  	_ =	shalt  }
0x4b: {  	_ =	shalt  }
0x4c: {  	_ =	shalt  }
0x4d: {  	_ =	shalt  }
0x4e: {  	_ =	shalt  }
0x4f: {  	_ =	shalt  }
0x50: {  	_ =	shalt  }
0x51: {  	_ =	shalt  }
0x52: {  	_ =	shalt  }
0x53: {  	_ =	shalt  }
0x54: {  	_ =	shalt  }
0x55: {  	_ =	shalt  }
0x56: {  	_ =	shalt  }
0x57: {  	_ =	shalt  }
0x58: {  	_ =	shalt  }
0x59: {  	_ =	shalt  }
0x5a: {  	_ =	shalt  }
0x5b: {  	_ =	shalt  }
0x5c: {  	_ =	shalt  }
0x5d: {  	_ =	shalt  }
0x5e: {  	_ =	shalt  }
0x5f: {  	_ =	shalt  }
0x60: {  	_ =	shalt  }
0x61: {  	_ =	shalt  }
0x62: {  	_ =	shalt  }
0x63: {  	_ =	shalt  }
0x64: {  	_ =	shalt  }
0x65: {  	_ =	shalt  }
0x66: {  	_ =	shalt  }
0x67: {  	_ =	shalt  }
0x68: {  	_ =	shalt  }
0x69: {  	_ =	shalt  }
0x6a: {  	_ =	shalt  }
0x6b: {  	_ =	shalt  }
0x6c: {  	_ =	shalt  }
0x6d: {  	_ =	shalt  }
0x6e: {  	_ =	shalt  }
0x6f: {  	_ =	shalt  }
0x70: {  	_ =	shalt  }
0x71: {  	_ =	shalt  }
0x72: {  	_ =	shalt  }
0x73: {  	_ =	shalt  }
0x74: {  	_ =	shalt  }
0x75: {  	_ =	shalt  }
0x76: {  	_ =	shalt  }
0x77: {  	_ =	shalt  }
0x78: {  	_ =	shalt  }
0x79: {  	_ =	shalt  }
0x7a: {  	_ =	shalt  }
0x7b: {  	_ =	shalt  }
0x7c: {  	_ =	shalt  }
0x7d: {  	_ =	shalt  }
0x7e: {  	_ =	shalt  }
0x7f: {  	_ =	shalt  }
0x80: {  	_ =	shalt  }
0x81: {  	_ =	shalt  }
0x82: {  	_ =	shalt  }
0x83: {  	_ =	shalt  }
0x84: {  	_ =	shalt  }
0x85: {  	_ =	shalt  }
0x86: {  	_ =	shalt  }
0x87: {  	_ =	shalt  }
.Lfunc_end0:
.L_simem_size_0:
called_computation_lowered:
.L_overlay_start_0:
0x88: {  	s2 =	sld [smem:$0x3FD9]  }
0x89: {  	s3 =	sld [smem:$0x3FFE];
	_ =	sdelay $0x1  }
0x8a: {  	s1 =	srdreg.scid  }
0x8b: {  	s0 =	sand.u32 $0x1, s1  }
0x8c: {  	s17 =	sshll.u32 s0, $0xA;
	s2 =	sadd.s32 s3, s2  }
0x8d: {  	s2 =	sadd.s32 s2, s17  }
0x8e: {  	[smem:$0x3F98] =	sst s2  }
0x8f: {  	_ = 	snop  }
0x90: {  	s2 =	sld [smem:$0x3FD0];
	(tm) =	ssettm $0x1  }
0x91: {  	s18 =	sld [smem:$0x3FFB];
	_ =	sdelay $0x3  }
0x92: {  	_ =	strace s18  }
0x93: {  	s3 =	sld [smem:$0x3FFC];
	_ =	sdelay $0x3  }
0x94: {  	_ =	strace s3  }
0x95: {  	s3 =	sld [smem:$0x3FFD];
	_ =	sdelay $0x3  }
0x96: {  	_ =	strace s3  }
0x97: {  	_ =	strace $0x8FFFFFFF  }
0x98: {  	s19 =	sld [smem:$0x3FDB];
	_ =	sdelay $0x1  }
0x99: {  	s4 =	simm.s32 $_scs_section_size  }
0x9a: {  	s5 =	simm.s32 $_size__tile_overlayer_lowered;
	s6 =	simm.s32 $_tile_overlayer_lowered  }
0x9b: {  	s22 =	simm.s32 $0x1BFF;
	s21 =	sshll.u32 s6, $0x1;
	s3 =	sadd.s32 s4, s19  }
0x9c: {  	s7 =	simm.s32 $0x0;
	s20 =	sshll.u32 s5, $0x1;
	s5 =	sadd.s32 s21, s3  }
0x9d: {  	[timem:s7], [sflag:s22] =	dma.local [hbm:s5], s20  }
0x9e: {  	_ =	swait.ge [sflag:s22], s20  }
0x9f: {  	s4 =	ssub.s32 $0x0, s20;
	[sflag:s22] =	ssyncset.done $0x0  }
0xa0: {  	[sflag:s22] =	ssyncadd.s32 s4;
	_ =	sdelay $0x1  }
0xa1: {  	s23 =	simm.s32 $0x1B8B  }
0xa2: {  	_ =	swait.ge [sflag:s23], $0x1  }
0xa3: {  	[sflag:s23] =	ssyncset.done $0x0  }
0xa4: {  	s25 =	simm.s32 $0x1B8E;
	s24 =	sld [smem:$0x3FFE];
	[sflag:s23] =	ssyncadd.s32 $0xFFFFFFFF  }
0xa5: {  	s26 =	simm.s32 $execute0_lowered;
	[smem:$0x3FD2] =	sst s25  }
0xa6: {  	s5 =	sshll.u32 s26, $0x1;
	_ =	strace $0x80000046;
	[dreg:$0x1] =	wrdreg $0xFFFFFFFF  }
0xa7: {  	s28 =	simm.s32 $_size_execute0_lowered;
	s3 =	sadd.s32 s3, s5;
	[dreg:$0x0] =	wrdreg $0x0  }
0xa8: {  	s5 =	sshll.u32 s28, $0x1;
	[dreg:$0x2] =	wrdreg s3  }
0xa9: {  	[dreg:$0x3] =	wrdreg s5  }
0xaa: {  	[dreg:$0x4] =	wrdreg $0xC0  }
0xab: {  	_ =	task [dreg:s7], $0x5FFFF  }
0xac: {  	[dreg:$0x1] =	wrdreg $0xFFFFFFFF  }
0xad: {  	[dreg:$0x0] =	wrdreg $0x60  }
0xae: {  	[dreg:$0x2] =	wrdreg s24  }
0xaf: {  	[dreg:$0x3] =	wrdreg s2  }
0xb0: {  	[dreg:$0x4] =	wrdreg $0xFD200  }
0xb1: {  	[dreg:$0x5] =	wrdreg $0x9  }
0xb2: {  	_ =	task.clear_ibuf [dreg:s7], $0x6FFFF;
	_ =	strace $0x90000046  }
0xb3: {  	s29 =	simm.s32 $0x9;
	_ =	strace $0x80000048  }
0xb4: {  	_ =	swait.ge [sflag:s29], $0x1  }
0xb5: {  	[sflag:s29] =	ssyncadd.s32 $0xFFFFFFFF  }
0xb6: {  	_ =	strace $0x90000048  }
0xb7: {  	_ =	sfence  }
0xb8: {  	s30 =	sld [smem:$0x0];
	_ =	sdelay $0x2  }
0xb9: {  	s31 =	sshll.u32 s1, $0xD;
	s1 =	sshrl.u32 s1, $0x2  }
0xba: {  	s3 =	sand.u32 $0x4000, s31;
	s1 =	sadd.s32 s1, s30  }
0xbb: {  	s0 =	sor.u32 s3, s0;
	s1 =	sshll.u32 s1, $0x11  }
0xbc: {  	s0 =	sor.u32 s1, s0  }
0xbd: {  	s0 =	sadd.s32 $0x8F2B, s0  }
0xbe: {  	[sflag:s0] =	ssyncadd.remote.s32 $0x1  }
0xbf: {  	_ =	sfence.sel $0xFFFF  }
0xc0: {  	[dreg:$0x0] =	wrdreg $0xFFFFFFFF;
	(pc) =	sbr.abs _section_cstart, $3  }
0xc1: {  	[dreg:$0x1] =	wrdreg $0xFFFFFFFF  }
0xc2: {  	_ =	task.clear_ibuf [dreg:s7], $0x2FFFF;
	_ =	strace $0x9FFFFFFF  }
0xc3: {  	(tm) =	ssettm $0x7FFFFFFF  }
tec
execute0_lowered:
.L_overlay_start_1:
0x0: {  	(tag) =	ssettag $0x1  }
0x1: {  	s0 =	rddreg [dreg:$0x0]  }
0x2: {  	s1 =	rddreg [dreg:$0x1]  }
0x3: {  	s2 =	rddreg [dreg:$0x2];
	s3 =	simm.s32 $0x0;
	s24 =	stileid.u32  }
0x4: {  	s4 =	srdreg.scid;
	s5 =	sadd.s32 $0x318400, s0;
	s6 =	sadd.s32 $0x1F3600, s0  }
0x5: {  	[smem:$0x7FF] =	sst s3;
	s7 =	sadd.s32 $0x191A00, s0;
	s14 =	smul.u32 $0x1900, s24  }
0x6: {  	s4 =	sand.u32 $0x1, s4;
	s9 =	sadd.s32 $0x7C4A00, s0;
	s10 =	sadd.s32 $0x330C00, s0  }
0x7: {  	s8 =	sadd.s32 $0x63E000, s0;
	s11 =	sadd.s32 $0x4B7600, s0;
	p2 =	sne.s32 s24, $0xF  }
0x8: {  	p0 =	seq.s32 s24, $0xF;
	s20 =	smul.u32 $0xC800, s24;
	s21 =	sadd.s32 $0x17D40, s2  }
0x9: {  	s22 =	sadd.s32 $0x18060, s2;
	s23 =	sadd.s32 $0x18380, s2;
	s29 =	sadd.s32 $0x30D40, s1  }
0xa: {  	_ =	strace $0x80000047;
	s12 =	ssub.s32 $0x2, s4;
	s16 =	smul.u32 $0x19000, s4  }
0xb: {  	s18 =	sshll.u32 s4, $0x4;
	p1 =	seq.s32 s4, $0x0;
	s31 =	smul.u32 $0xC8000, s4  }
0xc: {  	p6 =	seq.s32 s4, $0x1;
	s4 =	sadd.s32 $0x17A20, s2;
	s13 =	sshrl.u32 s14, $0x3  }
0xd: {  	s15 =	sshrl.u32 s12, $0x1;
	p3 =	por !p2, !p1;
	p1 =	por !p0, !p1  }
0xe: {  	p2 =	por !p2, !p6;
	s17 =	sadd.s32 s13, s0;
	s15 =	ssub.s32 s12, s15  }
0xf: {  	s12 =	sadd.s32 s14, s2;
	s13 =	sadd.s32 $0x1C2740, s0;
	p3 =	por !p3, !p3  }
0x10: {  	p1 =	por !p1, !p1;
	s14 =	sadd.s32 s14, s16;
	s16 =	sadd.s32 s20, s31  }
0x11: {  	s20 =	simm.s32 $0x2;
	s19 =	simm.s32 @!p3 $0x0;
	s26 =	smax.u32 s15, $0x1  }
0x12: {  	s25 =	sadd.s32 $0xC80, s12;
	s30 =	sadd.s32 $0x320, s12;
	[dreg:$0xb] =	wrdreg s26  }
0x13: {  	s28 =	sadd.s32 $0x960, s12;
	s31 =	sadd.s32 $0x640, s12;
	[dreg:$0xc] =	wrdreg s30  }
0x14: {  	s19 =	simm.s32 @p3 $0x1;
	s25 =	smov.u32 @p0 s4;
	[dreg:$0xd] =	wrdreg s31  }
0x15: {  	s4 =	sadd.s32 $0x12C0, s12;
	p3 =	por !p2, !p2;
	[smem:$0x7FC] =	sst s19  }
0x16: {  	s26 =	sadd.s32 $0x17700, s2;
	s19 =	simm.s32 @!p1 $0x0;
	[dreg:$0x4] =	wrdreg s25  }
0x17: {  	s4 =	smov.u32 @p0 s22;
	s22 =	sadd.s32 $0x20BE00, s17;
	s25 =	sor.u32 s18, s24  }
0x18: {  	s28 =	smov.u32 @p0 s26;
	s19 =	simm.s32 @p1 $0x1;
	[dreg:$0x6] =	wrdreg s4  }
0x19: {  	[dreg:$0x8] =	wrdreg s22;
	p1 =	por !p0, !p6;
	s4 =	simm.s32 $0x1  }
0x1a: {  	s22 =	simm.s32 $0xE100;
	[smem:$0x7FD] =	sst s19;
	s19 =	sadd.s32 $0xFA0, s12  }
0x1b: {  	p1 =	por !p1, !p1;
	s19 =	smov.u32 @p0 s21;
	s21 =	sadd.s32 $0x20ECE0, s0  }
.Ltmp0:
0x1c: {  	s0 =	sadd.s32 $0x211EE0, s0;
	[dreg:$0x5] =	wrdreg s19;
	(pc) =	sbr.rel .LBB2_1-.Ltmp0, $4  }
0x1d: {  	p4 =	por !p1, p3;
	s19 =	sadd.s32 $0x15E0, s12;
	[dreg:$0x7] =	wrdreg s21  }
0x1e: {  	[dreg:$0x9] =	wrdreg s0;
	s0 =	ssub.s32 $0x119, s25;
	s21 =	simm.s32 $0x1900  }
0x1f: {  	s19 =	smov.u32 @p0 s23;
	s23 =	sadd.s32 $0x20F000, s17;
	s25 =	sshrl.u32 s0, $0x5  }
0x20: {  	v0 =	vimm.f32 $1.000000000e+00;
	v1 =	vimm.f32 $0.0e+00;
	s0 =	simm.s32 $0xFA00;
	[dreg:$0xa] =	wrdreg s23;
	s23 =	simm.s32 $0x0  }
.LBB2_26:
0x21: {  	s15 =	sshrl.u32 s26, $0x3;
	s17 =	rddreg [dreg:$0x7];
	s18 =	simm.s32 $0x1FC2  }
0x22: {  	[hbm:s17], [sflag:s18] =	dma.local [spmem:s15], $0x1F4  }
0x23: {  	_ =	swait.ge [sflag:s20], $0x1F4  }
0x24: {  	[sflag:s20] =	ssyncset.done $0x0  }
0x25: {  	[sflag:s20] =	ssyncadd.s32 $0xFFFFFE0C  }
.LBB2_27:
0x26: {  	s23 =	sadd.s32 $0x1, s23;
	s15 =	rddreg [dreg:$0xb]  }
0x27: {  	p1 =	sne.s32 s23, s15  }
.Ltmp1:
0x28: {  	_ = 	snop;
	(pc) =	sbr.rel @!p1 .LBB2_28-.Ltmp1, $1  }
0x29: {  	_ =	sdelay $0x3  }
.LBB2_1:
0x2a: {  	s15 =	simm.s32 $0x0  }
.LBB2_2:
0x2b: {  	p1 =	sne.s32 s15, $0x63C0  }
.Ltmp2:
0x2c: {  	_ = 	snop;
	(pc) =	sbr.rel @p1 .LBB2_2-.Ltmp2, $3  }
0x2d: {  	_ =	sdelay $0x1  }
0x2e: {  	s17 =	sshra.s32 s15, $0x2  }
0x2f: {  	s15 =	sadd.s32 $0x40, s15;
	[tilespmem:s17+$0xE100] =	vst v0  }
0x30: {  	s15 =	simm.s32 $0x40;
	s17 =	simm.s32 $0x0  }
.LBB2_4:
0x31: {  	p1 =	sne.s32 s15, $0xC40;
	[tilespmem:s17+$0xFA00] =	vst v1;
	s17 =	smov.u32 s15;
	s15 =	sadd.s32 $0x40, s15  }
.Ltmp3:
0x32: {  	(pc) =	sbr.rel @p1 .LBB2_4-.Ltmp3, $2  }
0x33: {  	_ =	sdelay $0x2  }
0x34: {  	s17 =	sshra.s32 s17, $0x2  }
0x35: {  	[tilespmem:s17+$0xFA00] =	vst v1;
	s15 =	simm.s32 @!p0 $0xFA00;
	s17 =	simm.s32 @!p0 $0x2  }
0x36: {  	[spmem:s12] =	stream.linear.scatter @!p0 [tilespmem:s15], [sflag:$0x2], $0x320, $0x38;
	[tilespmem:$0x11590] =	vst v63  }
0x37: {  	_ =	swait.ge @!p0 [sflag:s17], $0x320  }
0x38: {  	[sflag:s17] =	ssyncset.done @!p0 $0x0  }
0x39: {  	s18 =	rddreg [dreg:$0xc];
	[sflag:s17] =	ssyncadd.s32 @!p0 $0xFFFFFCE0  }
0x3a: {  	[spmem:s18] =	stream.linear.scatter @!p0 [tilespmem:s15], [sflag:$0x2], $0x320, $0x38;
	[tilespmem:$0x11590] =	vst v63  }
0x3b: {  	_ =	swait.ge @!p0 [sflag:s17], $0x320  }
0x3c: {  	[sflag:s17] =	ssyncset.done @!p0 $0x0  }
0x3d: {  	s18 =	rddreg [dreg:$0xd];
	[sflag:s17] =	ssyncadd.s32 @!p0 $0xFFFFFCE0  }
0x3e: {  	[spmem:s18] =	stream.linear.scatter @!p0 [tilespmem:s15], [sflag:$0x2], $0x320, $0x38;
	[tilespmem:$0x11590] =	vst v63  }
0x3f: {  	_ =	swait.ge @!p0 [sflag:s17], $0x320  }
0x40: {  	[sflag:s17] =	ssyncset.done @!p0 $0x0  }
0x41: {  	[sflag:s17] =	ssyncadd.s32 @!p0 $0xFFFFFCE0  }
0x42: {  	[spmem:s28] =	stream.linear.scatter [tilespmem:s0], [sflag:$0x2], $0x320, $0x38;
	[tilespmem:$0x11590] =	vst v63  }
0x43: {  	_ =	swait.ge [sflag:s20], $0x320  }
0x44: {  	[sflag:s20] =	ssyncset.done $0x0  }
0x45: {  	s17 =	rddreg [dreg:$0x4];
	[sflag:s20] =	ssyncadd.s32 $0xFFFFFCE0  }
0x46: {  	[spmem:s17] =	stream.linear.scatter [tilespmem:s0], [sflag:$0x2], $0x320, $0x38;
	[tilespmem:$0x11590] =	vst v63  }
0x47: {  	_ =	swait.ge [sflag:s20], $0x320  }
0x48: {  	[sflag:s20] =	ssyncset.done $0x0  }
0x49: {  	s18 =	rddreg [dreg:$0x5];
	[sflag:s20] =	ssyncadd.s32 $0xFFFFFCE0  }
0x4a: {  	[spmem:s18] =	stream.linear.scatter [tilespmem:s0], [sflag:$0x2], $0x320, $0x38;
	[tilespmem:$0x11590] =	vst v63  }
0x4b: {  	_ =	swait.ge [sflag:s20], $0x320  }
0x4c: {  	[sflag:s20] =	ssyncset.done $0x0  }
0x4d: {  	s24 =	rddreg [dreg:$0x6];
	[sflag:s20] =	ssyncadd.s32 $0xFFFFFCE0  }
0x4e: {  	[spmem:s24] =	stream.linear.scatter [tilespmem:s0], [sflag:$0x2], $0x320, $0x38;
	[tilespmem:$0x11590] =	vst v63  }
0x4f: {  	_ =	swait.ge [sflag:s20], $0x320  }
0x50: {  	[sflag:s20] =	ssyncset.done $0x0  }
0x51: {  	p5 =	seq.s32 s25, $0x1;
	[sflag:s20] =	ssyncadd.s32 $0xFFFFFCE0  }
0x52: {  	[spmem:s19] =	stream.linear.scatter [tilespmem:s0], [sflag:$0x2], $0x320, $0x38;
	[tilespmem:$0x11590] =	vst v63  }
.Ltmp4:
0x53: {  	_ =	swait.ge [sflag:s20], $0x320;
	(pc) =	sbr.rel @p5 .LBB2_9-.Ltmp4, $4  }
0x54: {  	[sflag:s20] =	ssyncset.done $0x0  }
0x55: {  	s30 =	sadd.s32 $0xFFFFFFFF, s25;
	[sflag:s20] =	ssyncadd.s32 $0xFFFFFCE0  }
0x56: {  	p6 =	por $0x0, $0x0;
	s18 =	sshrl.u32 s14, $0x3;
	[bflag:$0x0] =	sbarrier.arrive $0xFFFF  }
0x57: {  	s31 =	smov.u32 s16;
	p2 =	por $0x0, $0x0;
	s24 =	smov.u32 s18  }
0x58: {  	s15 =	sadd.s32 s1, s18  }
0x59: {  	[tilespmem:s3], [sflag:$0x2] =	stream.linear.gather [hbm4b:s15+s3], $0x1900, $0x38;
	[tilespmem:$0x11590] =	vst v63  }
0x5a: {  	_ =	swait.ge [sflag:s20], $0x1900  }
0x5b: {  	[sflag:s20] =	ssyncset.done $0x0  }
0x5c: {  	[sflag:s20] =	ssyncadd.s32 $0xFFFFE700  }
0x5d: {  	[tilespmem:s21], [sflag:$0x1] =	stream.indirect.gather [hbm4b:s6+s21], $0x2, s3, s21, $0xb8;
	[tilespmem:$0x11590] =	vst v63  }
0x5e: {  	p1 =	seq.s32 s30, $0x1;
	_ =	swait.ge [sflag:s4], $0x3200  }
.Ltmp5:
0x5f: {  	s24 =	sshrl.u32 s16, $0x3;
	[sflag:s4] =	ssyncset.done $0x0;
	(pc) =	sbr.rel @p1 .LBB2_7-.Ltmp5, $4  }
0x60: {  	s17 =	sadd.s32 $0x32000, s14;
	s15 =	sadd.s32 s8, s24;
	[sflag:s4] =	ssyncadd.s32 $0xFFFFCE00  }
0x61: {  	[hbm4b:s15+s3] =	stream.linear.scatter [tilespmem:s21], [sflag:$0x2], $0xC800, $0x38;
	[tilespmem:$0x11590] =	vst v63  }
0x62: {  	p2 =	por $0x1, $0x1;
	s31 =	smov.u32 s16;
	_ =	swait.ge [sflag:s20], $0xC800  }
0x63: {  	s24 =	sshrl.u32 s17, $0x3;
	s15 =	sadd.s32 $0xFFFFFFFF, s30;
	[sflag:s20] =	ssyncset.done $0x0  }
.LBB2_8:
0x64: {  	s24 =	sadd.s32 s1, s24;
	[sflag:s20] =	ssyncadd.s32 $0xFFFF3800;
	s31 =	sadd.s32 $0x190000, s31  }
0x65: {  	[tilespmem:s3], [sflag:$0x2] =	stream.linear.gather [hbm4b:s24+s3], $0x1900, $0x38;
	[tilespmem:$0x11590] =	vst v63  }
0x66: {  	p1 =	seq.s32 s15, $0x1;
	s15 =	sadd.s32 $0xFFFFFFFF, s15;
	_ =	swait.ge [sflag:s20], $0x1900  }
0x67: {  	[sflag:s20] =	ssyncset.done $0x0  }
0x68: {  	[sflag:s20] =	ssyncadd.s32 $0xFFFFE700  }
0x69: {  	[tilespmem:s21], [sflag:$0x1] =	stream.indirect.gather [hbm4b:s6+s21], $0x2, s3, s21, $0xb8;
	[tilespmem:$0x11590] =	vst v63  }
0x6a: {  	_ =	swait.ge [sflag:s4], $0x3200  }
.Ltmp6:
0x6b: {  	s24 =	sshrl.u32 s31, $0x3;
	[sflag:s4] =	ssyncset.done $0x0;
	(pc) =	sbr.rel @!p1 .LBB2_8-.Ltmp6, $4  }
0x6c: {  	s24 =	sadd.s32 s8, s24;
	[sflag:s4] =	ssyncadd.s32 $0xFFFFCE00  }
0x6d: {  	[hbm4b:s24+s3] =	stream.linear.scatter [tilespmem:s21], [sflag:$0x2], $0xC800, $0x38;
	[tilespmem:$0x11590] =	vst v63  }
0x6e: {  	s17 =	sadd.s32 $0x32000, s17;
	_ =	swait.ge [sflag:s20], $0xC800  }
0x6f: {  	s24 =	sshrl.u32 s17, $0x3;
	[sflag:s20] =	ssyncset.done $0x0  }
.LBB2_9:
0x70: {  	s15 =	sadd.s32 s1, s24;
	[sflag:s20] =	ssyncadd.s32 @p2 $0xFFFF3800  }
0x71: {  	[tilespmem:s3], [sflag:$0x2] =	stream.linear.gather [hbm4b:s15+s3], $0x1900, $0x38;
	[tilespmem:$0x11590] =	vst v63  }
0x72: {  	_ =	swait.ge [sflag:s20], $0x1900  }
0x73: {  	[sflag:s20] =	ssyncset.done $0x0  }
0x74: {  	s17 =	smov.u32 s16;
	s15 =	sadd.s32 @p2 $0x190000, s31;
	[sflag:s20] =	ssyncadd.s32 $0xFFFFE700  }
0x75: {  	[tilespmem:s21], [sflag:$0x1] =	stream.indirect.gather [hbm4b:s6+s21], $0x2, s3, s21, $0xb8;
	[tilespmem:$0x11590] =	vst v63  }
0x76: {  	s17 =	smov.u32 @p2 s15;
	_ =	swait.ge [sflag:s4], $0x3200  }
0x77: {  	s15 =	sshrl.u32 s17, $0x3;
	[sflag:s4] =	ssyncset.done $0x0  }
.Ltmp7:
0x78: {  	s15 =	sadd.s32 s8, s15;
	[sflag:s4] =	ssyncadd.s32 $0xFFFFCE00;
	(pc) =	sbr.rel @p5 .LBB2_13-.Ltmp7, $4  }
0x79: {  	[hbm4b:s15+s3] =	stream.linear.scatter [tilespmem:s21], [sflag:$0x2], $0xC800, $0x38;
	[tilespmem:$0x11590] =	vst v63  }
0x7a: {  	_ =	swait.ge [sflag:s20], $0xC800  }
0x7b: {  	[sflag:s20] =	ssyncset.done $0x0  }
0x7c: {  	s24 =	smov.u32 s18;
	s15 =	smov.u32 s16;
	[sflag:s20] =	ssyncadd.s32 $0xFFFF3800  }
0x7d: {  	s15 =	sadd.s32 s18, s29  }
0x7e: {  	[tilespmem:s3], [sflag:$0x2] =	stream.linear.gather [hbm4b:s15+s3], $0x1900, $0x38;
	[tilespmem:$0x11590] =	vst v63  }
0x7f: {  	_ =	swait.ge [sflag:s20], $0x1900  }
0x80: {  	[sflag:s20] =	ssyncset.done $0x0  }
0x81: {  	[sflag:s20] =	ssyncadd.s32 $0xFFFFE700  }
0x82: {  	[tilespmem:s21], [sflag:$0x1] =	stream.indirect.gather [hbm4b:s5+s21], $0x2, s3, s21, $0xb8;
	[tilespmem:$0x11590] =	vst v63  }
0x83: {  	p1 =	seq.s32 s30, $0x1;
	_ =	swait.ge [sflag:s4], $0x3200  }
.Ltmp8:
0x84: {  	s24 =	sshrl.u32 s16, $0x3;
	[sflag:s4] =	ssyncset.done $0x0;
	(pc) =	sbr.rel @p1 .LBB2_11-.Ltmp8, $4  }
0x85: {  	s31 =	sadd.s32 $0xFFFFFFFF, s30;
	s15 =	sadd.s32 s9, s24;
	[sflag:s4] =	ssyncadd.s32 $0xFFFFCE00  }
0x86: {  	[hbm4b:s15+s3] =	stream.linear.scatter [tilespmem:s21], [sflag:$0x2], $0xC800, $0x38;
	[tilespmem:$0x11590] =	vst v63  }
0x87: {  	s17 =	sadd.s32 $0x32000, s14;
	p6 =	por $0x1, $0x1;
	_ =	swait.ge [sflag:s20], $0xC800  }
0x88: {  	s24 =	sshrl.u32 s17, $0x3;
	s15 =	smov.u32 s16;
	[sflag:s20] =	ssyncset.done $0x0  }
.LBB2_12:
0x89: {  	s24 =	sadd.s32 s24, s29;
	[sflag:s20] =	ssyncadd.s32 $0xFFFF3800;
	s15 =	sadd.s32 $0x190000, s15  }
0x8a: {  	[tilespmem:s3], [sflag:$0x2] =	stream.linear.gather [hbm4b:s24+s3], $0x1900, $0x38;
	[tilespmem:$0x11590] =	vst v63  }
0x8b: {  	p1 =	seq.s32 s31, $0x1;
	s31 =	sadd.s32 $0xFFFFFFFF, s31;
	_ =	swait.ge [sflag:s20], $0x1900  }
0x8c: {  	[sflag:s20] =	ssyncset.done $0x0  }
0x8d: {  	[sflag:s20] =	ssyncadd.s32 $0xFFFFE700  }
0x8e: {  	[tilespmem:s21], [sflag:$0x1] =	stream.indirect.gather [hbm4b:s5+s21], $0x2, s3, s21, $0xb8;
	[tilespmem:$0x11590] =	vst v63  }
0x8f: {  	_ =	swait.ge [sflag:s4], $0x3200  }
.Ltmp9:
0x90: {  	s24 =	sshrl.u32 s15, $0x3;
	[sflag:s4] =	ssyncset.done $0x0;
	(pc) =	sbr.rel @!p1 .LBB2_12-.Ltmp9, $4  }
0x91: {  	s24 =	sadd.s32 s9, s24;
	[sflag:s4] =	ssyncadd.s32 $0xFFFFCE00  }
0x92: {  	[hbm4b:s24+s3] =	stream.linear.scatter [tilespmem:s21], [sflag:$0x2], $0xC800, $0x38;
	[tilespmem:$0x11590] =	vst v63  }
0x93: {  	s17 =	sadd.s32 $0x32000, s17;
	_ =	swait.ge [sflag:s20], $0xC800  }
0x94: {  	s24 =	sshrl.u32 s17, $0x3;
	[sflag:s20] =	ssyncset.done $0x0  }
.LBB2_13:
0x95: {  	s17 =	sadd.s32 s24, s29;
	[sflag:s20] =	ssyncadd.s32 @p6 $0xFFFF3800  }
0x96: {  	[tilespmem:s3], [sflag:$0x2] =	stream.linear.gather [hbm4b:s17+s3], $0x1900, $0x38;
	[tilespmem:$0x11590] =	vst v63  }
0x97: {  	_ =	swait.ge [sflag:s20], $0x1900  }
0x98: {  	[sflag:s20] =	ssyncset.done $0x0  }
0x99: {  	s15 =	sadd.s32 @p6 $0x190000, s15;
	s17 =	smov.u32 s16;
	[sflag:s20] =	ssyncadd.s32 $0xFFFFE700  }
0x9a: {  	[tilespmem:s21], [sflag:$0x1] =	stream.indirect.gather [hbm4b:s5+s21], $0x2, s3, s21, $0xb8;
	[tilespmem:$0x11590] =	vst v63  }
0x9b: {  	s17 =	smov.u32 @p6 s15;
	_ =	swait.ge [sflag:s4], $0x3200  }
0x9c: {  	s15 =	sshrl.u32 s17, $0x3;
	[sflag:s4] =	ssyncset.done $0x0  }
.Ltmp10:
0x9d: {  	s15 =	sadd.s32 s9, s15;
	[sflag:s4] =	ssyncadd.s32 $0xFFFFCE00;
	(pc) =	sbr.rel @p5 .LBB2_17-.Ltmp10, $4  }
0x9e: {  	[hbm4b:s15+s3] =	stream.linear.scatter [tilespmem:s21], [sflag:$0x2], $0xC800, $0x38;
	[tilespmem:$0x11590] =	vst v63  }
0x9f: {  	_ =	swait.ge [sflag:s20], $0xC800  }
0xa0: {  	s24 =	smov.u32 s18;
	s31 =	smov.u32 s16;
	[sflag:s20] =	ssyncset.done $0x0  }
0xa1: {  	p2 =	por $0x0, $0x0;
	p6 =	por $0x0, $0x0;
	[sflag:s20] =	ssyncadd.s32 $0xFFFF3800  }
0xa2: {  	s15 =	sadd.s32 s7, s18  }
0xa3: {  	[tilespmem:s3], [sflag:$0x2] =	stream.linear.gather [hbm4b:s15+s3], $0x1900, $0x38;
	[tilespmem:$0x11590] =	vst v63  }
0xa4: {  	_ =	swait.ge [sflag:s20], $0x1900  }
0xa5: {  	[sflag:s20] =	ssyncset.done $0x0  }
0xa6: {  	[sflag:s20] =	ssyncadd.s32 $0xFFFFE700  }
0xa7: {  	[tilespmem:s21], [sflag:$0x1] =	stream.indirect.gather [hbm4b:s5+s21], $0x2, s3, s21, $0xb8;
	[tilespmem:$0x11590] =	vst v63  }
0xa8: {  	p1 =	seq.s32 s30, $0x1;
	_ =	swait.ge [sflag:s4], $0x3200  }
.Ltmp11:
0xa9: {  	s24 =	sshrl.u32 s16, $0x3;
	[sflag:s4] =	ssyncset.done $0x0;
	(pc) =	sbr.rel @p1 .LBB2_15-.Ltmp11, $4  }
0xaa: {  	s17 =	sadd.s32 $0x32000, s14;
	s15 =	sadd.s32 s10, s24;
	[sflag:s4] =	ssyncadd.s32 $0xFFFFCE00  }
0xab: {  	[hbm4b:s15+s3] =	stream.linear.scatter [tilespmem:s21], [sflag:$0x2], $0xC800, $0x38;
	[tilespmem:$0x11590] =	vst v63  }
0xac: {  	p2 =	por $0x1, $0x1;
	s31 =	smov.u32 s16;
	_ =	swait.ge [sflag:s20], $0xC800  }
0xad: {  	s24 =	sshrl.u32 s17, $0x3;
	s15 =	sadd.s32 $0xFFFFFFFF, s30;
	[sflag:s20] =	ssyncset.done $0x0  }
.LBB2_16:
0xae: {  	s24 =	sadd.s32 s7, s24;
	[sflag:s20] =	ssyncadd.s32 $0xFFFF3800;
	s31 =	sadd.s32 $0x190000, s31  }
0xaf: {  	[tilespmem:s3], [sflag:$0x2] =	stream.linear.gather [hbm4b:s24+s3], $0x1900, $0x38;
	[tilespmem:$0x11590] =	vst v63  }
0xb0: {  	p1 =	seq.s32 s15, $0x1;
	s15 =	sadd.s32 $0xFFFFFFFF, s15;
	_ =	swait.ge [sflag:s20], $0x1900  }
0xb1: {  	[sflag:s20] =	ssyncset.done $0x0  }
0xb2: {  	[sflag:s20] =	ssyncadd.s32 $0xFFFFE700  }
0xb3: {  	[tilespmem:s21], [sflag:$0x1] =	stream.indirect.gather [hbm4b:s5+s21], $0x2, s3, s21, $0xb8;
	[tilespmem:$0x11590] =	vst v63  }
0xb4: {  	_ =	swait.ge [sflag:s4], $0x3200  }
.Ltmp12:
0xb5: {  	s24 =	sshrl.u32 s31, $0x3;
	[sflag:s4] =	ssyncset.done $0x0;
	(pc) =	sbr.rel @!p1 .LBB2_16-.Ltmp12, $4  }
0xb6: {  	s24 =	sadd.s32 s10, s24;
	[sflag:s4] =	ssyncadd.s32 $0xFFFFCE00  }
0xb7: {  	[hbm4b:s24+s3] =	stream.linear.scatter [tilespmem:s21], [sflag:$0x2], $0xC800, $0x38;
	[tilespmem:$0x11590] =	vst v63  }
0xb8: {  	s17 =	sadd.s32 $0x32000, s17;
	_ =	swait.ge [sflag:s20], $0xC800  }
0xb9: {  	s24 =	sshrl.u32 s17, $0x3;
	[sflag:s20] =	ssyncset.done $0x0  }
.LBB2_17:
0xba: {  	s15 =	sadd.s32 s7, s24;
	[sflag:s20] =	ssyncadd.s32 @p2 $0xFFFF3800  }
0xbb: {  	[tilespmem:s3], [sflag:$0x2] =	stream.linear.gather [hbm4b:s15+s3], $0x1900, $0x38;
	[tilespmem:$0x11590] =	vst v63  }
0xbc: {  	_ =	swait.ge [sflag:s20], $0x1900  }
0xbd: {  	[sflag:s20] =	ssyncset.done $0x0  }
0xbe: {  	s17 =	smov.u32 s16;
	s15 =	sadd.s32 @p2 $0x190000, s31;
	[sflag:s20] =	ssyncadd.s32 $0xFFFFE700  }
0xbf: {  	[tilespmem:s21], [sflag:$0x1] =	stream.indirect.gather [hbm4b:s5+s21], $0x2, s3, s21, $0xb8;
	[tilespmem:$0x11590] =	vst v63  }
0xc0: {  	s17 =	smov.u32 @p2 s15;
	_ =	swait.ge [sflag:s4], $0x3200  }
0xc1: {  	p1 =	sne.s32 s25, $0x1;
	s15 =	sshrl.u32 s17, $0x3;
	[sflag:s4] =	ssyncset.done $0x0  }
.Ltmp13:
0xc2: {  	s15 =	sadd.s32 s10, s15;
	[sflag:s4] =	ssyncadd.s32 $0xFFFFCE00;
	(pc) =	sbr.rel @!p1 .LBB2_18-.Ltmp13, $4  }
0xc3: {  	[hbm4b:s15+s3] =	stream.linear.scatter [tilespmem:s21], [sflag:$0x2], $0xC800, $0x38;
	[tilespmem:$0x11590] =	vst v63  }
0xc4: {  	_ =	swait.ge [sflag:s20], $0xC800  }
0xc5: {  	[sflag:s20] =	ssyncset.done $0x0  }
0xc6: {  	[sflag:s20] =	ssyncadd.s32 $0xFFFF3800  }
0xc7: {  	s15 =	sadd.s32 s18, s13  }
0xc8: {  	[tilespmem:s3], [sflag:$0x2] =	stream.linear.gather [hbm4b:s15+s3], $0x1900, $0x38;
	[tilespmem:$0x11590] =	vst v63  }
0xc9: {  	_ =	swait.ge [sflag:s20], $0x1900  }
0xca: {  	[sflag:s20] =	ssyncset.done $0x0  }
0xcb: {  	[sflag:s20] =	ssyncadd.s32 $0xFFFFE700  }
0xcc: {  	[tilespmem:s21], [sflag:$0x1] =	stream.indirect.gather [hbm4b:s5+s21], $0x2, s3, s21, $0xb8;
	[tilespmem:$0x11590] =	vst v63  }
0xcd: {  	_ =	swait.ge [sflag:s4], $0x3200  }
0xce: {  	s24 =	sshrl.u32 s16, $0x3;
	[sflag:s4] =	ssyncset.done $0x0  }
0xcf: {  	s15 =	sadd.s32 s11, s24;
	[sflag:s4] =	ssyncadd.s32 $0xFFFFCE00  }
0xd0: {  	[hbm4b:s15+s3] =	stream.linear.scatter [tilespmem:s21], [sflag:$0x2], $0xC800, $0x38;
	[tilespmem:$0x11590] =	vst v63  }
0xd1: {  	p1 =	sne.s32 s30, $0x1;
	_ =	swait.ge [sflag:s20], $0xC800  }
.Ltmp14:
0xd2: {  	[sflag:s20] =	ssyncset.done $0x0;
	(pc) =	sbr.rel @!p1 .LBB2_20-.Ltmp14, $4  }
0xd3: {  	s31 =	sadd.s32 $0xFFFFFFFF, s30;
	[sflag:s20] =	ssyncadd.s32 $0xFFFF3800  }
0xd4: {  	[spmem:s2] =	stream.indirect.scatter.add.f32 [tilespmem:s22], [sflag:$0x2], $0x1, s3, s21, $0xb8;
	[tilespmem:$0x11590] =	vst v63  }
0xd5: {  	p6 =	por $0x1, $0x1;
	s15 =	sadd.s32 $0x32000, s14;
	_ =	swait.ge [sflag:s20], $0x1900  }
0xd6: {  	s30 =	smov.u32 s16;
	s18 =	sshrl.u32 s15, $0x3;
	[sflag:s20] =	ssyncset.done $0x0  }
.LBB2_21:
0xd7: {  	s17 =	sadd.s32 s18, s13;
	[sflag:s20] =	ssyncadd.s32 $0xFFFFE700;
	s30 =	sadd.s32 $0x190000, s30  }
0xd8: {  	[tilespmem:s3], [sflag:$0x2] =	stream.linear.gather [hbm4b:s17+s3], $0x1900, $0x38;
	[tilespmem:$0x11590] =	vst v63  }
0xd9: {  	p2 =	sne.s32 s31, $0x1;
	s31 =	sadd.s32 $0xFFFFFFFF, s31;
	_ =	swait.ge [sflag:s20], $0x1900  }
0xda: {  	[sflag:s20] =	ssyncset.done $0x0  }
0xdb: {  	[sflag:s20] =	ssyncadd.s32 $0xFFFFE700  }
0xdc: {  	[tilespmem:s21], [sflag:$0x1] =	stream.indirect.gather [hbm4b:s5+s21], $0x2, s3, s21, $0xb8;
	[tilespmem:$0x11590] =	vst v63  }
0xdd: {  	_ =	swait.ge [sflag:s4], $0x3200  }
0xde: {  	s17 =	sshrl.u32 s30, $0x3;
	[sflag:s4] =	ssyncset.done $0x0  }
0xdf: {  	s17 =	sadd.s32 s11, s17;
	[sflag:s4] =	ssyncadd.s32 $0xFFFFCE00  }
0xe0: {  	[hbm4b:s17+s3] =	stream.linear.scatter [tilespmem:s21], [sflag:$0x2], $0xC800, $0x38;
	[tilespmem:$0x11590] =	vst v63  }
0xe1: {  	_ =	swait.ge [sflag:s20], $0xC800  }
.Ltmp15:
0xe2: {  	[sflag:s20] =	ssyncset.done $0x0;
	(pc) =	sbr.rel @p2 .LBB2_21-.Ltmp15, $4  }
0xe3: {  	[sflag:s20] =	ssyncadd.s32 $0xFFFF3800  }
0xe4: {  	[spmem:s2] =	stream.indirect.scatter.add.f32 [tilespmem:s22], [sflag:$0x2], $0x1, s3, s21, $0xb8;
	[tilespmem:$0x11590] =	vst v63  }
0xe5: {  	s15 =	sadd.s32 $0x32000, s15;
	_ =	swait.ge [sflag:s20], $0x1900  }
0xe6: {  	s18 =	sshrl.u32 s15, $0x3;
	[sflag:s20] =	ssyncset.done $0x0  }
.LBB2_22:
0xe7: {  	s15 =	sadd.s32 s18, s13;
	[sflag:s20] =	ssyncadd.s32 @p6 $0xFFFFE700  }
0xe8: {  	[tilespmem:s3], [sflag:$0x2] =	stream.linear.gather [hbm4b:s15+s3], $0x1900, $0x38;
	[tilespmem:$0x11590] =	vst v63  }
0xe9: {  	_ =	swait.ge [sflag:s20], $0x1900  }
0xea: {  	[sflag:s20] =	ssyncset.done $0x0  }
0xeb: {  	s17 =	smov.u32 s16;
	s15 =	sadd.s32 @p6 $0x190000, s30;
	[sflag:s20] =	ssyncadd.s32 $0xFFFFE700  }
0xec: {  	[tilespmem:s21], [sflag:$0x1] =	stream.indirect.gather [hbm4b:s5+s21], $0x2, s3, s21, $0xb8;
	[tilespmem:$0x11590] =	vst v63  }
0xed: {  	s17 =	smov.u32 @p6 s15;
	_ =	swait.ge [sflag:s4], $0x3200  }
0xee: {  	s15 =	sshrl.u32 s17, $0x3;
	[sflag:s4] =	ssyncset.done $0x0  }
0xef: {  	s15 =	sadd.s32 s11, s15;
	[sflag:s4] =	ssyncadd.s32 $0xFFFFCE00  }
0xf0: {  	[hbm4b:s15+s3] =	stream.linear.scatter [tilespmem:s21], [sflag:$0x2], $0xC800, $0x38;
	[tilespmem:$0x11590] =	vst v63  }
0xf1: {  	_ =	swait.ge [sflag:s20], $0xC800  }
0xf2: {  	[sflag:s20] =	ssyncset.done $0x0  }
0xf3: {  	[sflag:s20] =	ssyncadd.s32 $0xFFFF3800  }
0xf4: {  	[spmem:s2] =	stream.indirect.scatter.add.f32 [tilespmem:s22], [sflag:$0x2], $0x1, s3, s21, $0xb8;
	[tilespmem:$0x11590] =	vst v63  }
0xf5: {  	_ =	swait.ge [sflag:s20], $0x1900  }
0xf6: {  	[sflag:s20] =	ssyncset.done $0x0  }
0xf7: {  	[sflag:s20] =	ssyncadd.s32 $0xFFFFE700  }
0xf8: {  	[bflag:$0x0] =	sbarrier.arrive $0xFFFF  }
0xf9: {  	s31 =	sld [smem:$0x7FC];
	_ =	sdelay $0x2  }
0xfa: {  	p1 =	seq.s32 s31, $0x1  }
.Ltmp16:
0xfb: {  	_ = 	snop;
	(pc) =	sbr.rel @!p1 .LBB2_25-.Ltmp16, $1  }
0xfc: {  	_ =	sdelay $0x3  }
0xfd: {  	s15 =	stileid.u32  }
0xfe: {  	s17 =	sshrl.u32 s12, $0x3;
	s15 =	sshll.u32 s15, $0x6  }
.Ltmp17:
0xff: {  	s18 =	rddreg [dreg:$0x8];
	s15 =	sor.u32 $0x1C02, s15;
	(pc) =	sbr.rel .LBB2_24-.Ltmp17, $4  }
0x100: {  	[hbm:s18], [sflag:s15] =	dma.local [spmem:s17], $0x320  }
0x101: {  	_ =	swait.ge [sflag:s20], $0x320  }
0x102: {  	[sflag:s20] =	ssyncset.done $0x0  }
0x103: {  	[sflag:s20] =	ssyncadd.s32 $0xFFFFFCE0  }
.LBB2_25:
0x104: {  	s15 =	sld [smem:$0x7FD];
	_ =	sdelay $0x2  }
0x105: {  	p1 =	seq.s32 s15, $0x1  }
.Ltmp18:
0x106: {  	_ = 	snop;
	(pc) =	sbr.rel @p1 .LBB2_26-.Ltmp18, $1  }
0x107: {  	_ =	sdelay $0x3  }
.LBB2_24:
0x108: {  	s15 =	sshrl.u32 @!p4 s26, $0x3;
	s17 =	simm.s32 @!p4 $0x1FC2;
	s18 =	rddreg [dreg:$0x9]  }
0x109: {  	[hbm:s18], [sflag:s17] =	dma.local @!p4 [spmem:s15], $0x1F4  }
0x10a: {  	s15 =	simm.s32 @!p4 $0x2  }
0x10b: {  	s17 =	stileid.u32;
	_ =	swait.ge @!p4 [sflag:s15], $0x1F4  }
0x10c: {  	s17 =	sshll.u32 @p3 s17, $0x6;
	[sflag:s15] =	ssyncset.done @!p4 $0x0;
	s18 =	rddreg [dreg:$0xa]  }
0x10d: {  	[sflag:s15] =	ssyncadd.s32 @!p4 $0xFFFFFE0C;
	s15 =	sor.u32 @p3 $0x1C02, s17;
	s17 =	sshrl.u32 @p3 s12, $0x3  }
0x10e: {  	[hbm:s18], [sflag:s15] =	dma.local @p3 [spmem:s17], $0x320  }
.Ltmp19:
0x10f: {  	_ = 	snop;
	(pc) =	sbr.rel .LBB2_27-.Ltmp19, $4  }
0x110: {  	s15 =	simm.s32 @p3 $0x2  }
0x111: {  	_ =	swait.ge @p3 [sflag:s15], $0x320  }
0x112: {  	[sflag:s15] =	ssyncset.done @p3 $0x0  }
0x113: {  	[sflag:s15] =	ssyncadd.s32 @p3 $0xFFFFFCE0  }
.LBB2_18:
.Ltmp20:
0x114: {  	(pc) =	sbr.rel .LBB2_22-.Ltmp20, $2  }
0x115: {  	_ =	sdelay $0x2  }
0x116: {  	s30 =	smov.u32 s16  }
.LBB2_7:
.Ltmp21:
0x117: {  	(pc) =	sbr.rel .LBB2_9-.Ltmp21, $2  }
0x118: {  	_ =	sdelay $0x2  }
0x119: {  	s31 =	smov.u32 s16  }
.LBB2_11:
.Ltmp22:
0x11a: {  	(pc) =	sbr.rel .LBB2_13-.Ltmp22, $2  }
0x11b: {  	_ =	sdelay $0x2  }
0x11c: {  	s15 =	smov.u32 s16  }
.LBB2_15:
.Ltmp23:
0x11d: {  	(pc) =	sbr.rel .LBB2_17-.Ltmp23, $2  }
0x11e: {  	_ =	sdelay $0x2  }
0x11f: {  	s31 =	smov.u32 s16  }
.LBB2_20:
.Ltmp24:
0x120: {  	(pc) =	sbr.rel .LBB2_22-.Ltmp24, $2  }
0x121: {  	_ =	sdelay $0x2  }
0x122: {  	s30 =	smov.u32 s16  }
.LBB2_28:
0x123: {  	_ =	sfence.sel $0x180000  }
0x124: {  	[bflag:$0x0] =	sbarrier.arrive $0xFFFF  }
0x125: {  	_ =	strace $0x90000047  }
0x126: {  	s0 =	stileid.u32;
	[bflag:$0x2] =	sbarrier.arrive $0xFFFF  }
0x127: {  	p0 =	sne.s32 s0, $0x0;
	s0 =	rddreg [dreg:$0x3]  }
0x128: {  	s0 =	sadd.s32 @!p0 $0x100000, s0  }
0x129: {  	[sflag:s0] =	ssyncadd.tile.s32 @!p0 $0x1;
	_ =	shalt  }
.Lfunc_end2:
_tile_overlayer_lowered:
.L_overlay_start_2:
0x12a: {  	(tag) =	ssettag $0x2  }
0x12b: {  	s0 =	rddreg [dreg:$0x0];
	s2 =	stileid.u32  }
0x12c: {  	s1 =	rddreg [dreg:$0x1];
	p0 =	sne.s32 s2, $0x0  }
0x12d: {  	s3 =	rddreg [dreg:$0x2];
	[bflag:$0x3] =	sbarrier.arrive $0xFFFF;
	s2 =	simm.s32 @!p0 $0x1C02  }
0x12e: {  	[timem:s3], [sflag:s2] =	dma.local @!p0 [hbm:s0], s1  }
0x12f: {  	s0 =	simm.s32 @!p0 $0x2  }
0x130: {  	_ =	swait.ge @!p0 [sflag:s0], s1  }
0x131: {  	s1 =	ssub.s32 @!p0 $0x0, s1;
	[sflag:s0] =	ssyncset.done @!p0 $0x0  }
0x132: {  	[sflag:s0] =	ssyncadd.s32 @!p0 s1  }
0x133: {  	[bflag:$0x3] =	sbarrier.arrive $0xFFFF  }
0x134: {  	_ =	shalt  }

</sc_bundles>
